<compile_context>
chip_gen: v7x
topology: tpu7x:2x2x1
jax: 0.10.2.dev20260603
libtpu: 0.0.44.dev20260713+nightly
codegen_flags: <defaults>
</compile_context>

<pallas_src>
import functools

import jax
import jax.numpy as jnp
from jax import lax
from jax.experimental import pallas as pl
from jax.experimental.pallas import tpu as pltpu
from jax.experimental.pallas import tpu_sc as plsc

T = 8192
E = 8
D = 1024
C = 1024
L = 16
NC = 2
NS = 16
TPT = T // NS
GROUPS = T // L
E_PER_CORE = E // NC
OWN = C // NS
CH = 16
CSH = 4
DBLK = D // L
NRING = 1024
NRROW = NRING // CH

_mesh = plsc.VectorSubcoreMesh(core_axis_name="c", subcore_axis_name="s")

_DNUMS = lax.GatherDimensionNumbers(
    offset_dims=(), collapsed_slice_dims=(0,), start_index_map=(0,))


def _splat(vec, r):
    idx = jnp.full((L, 1), r, jnp.int32)
    return lax.gather(vec, idx, _DNUMS, (1,),
                      mode=lax.GatherScatterMode.PROMISE_IN_BOUNDS)


@functools.partial(
    pl.kernel,
    out_type=jax.ShapeDtypeStruct((E, C, D), jnp.float32),
    mesh=_mesh,
    scratch_types=[
        pltpu.VMEM((T,), jnp.float32),
        pltpu.VMEM((T,), jnp.float32),
        pltpu.VMEM((T,), jnp.int32),
        pltpu.VMEM((NRROW + 1, CH), jnp.int32),
        pltpu.VMEM((CH, D), jnp.float32),
        pltpu.VMEM((OWN, D), jnp.float32),
        pltpu.VMEM_SHARED((T,), jnp.float32),
        pltpu.SemaphoreType.DMA,
    ],
    compiler_params=pltpu.CompilerParams(needs_layout_passes=False),
)
def _dispatch(in_hbm, route_hbm, score_hbm, out_hbm,
              thr_v, score_col, route_col,
              selid_v, rows_a, acc_v,
              thr_sh, sem_a):
    c = lax.axis_index("c")
    s = lax.axis_index("s")
    tok0 = s * TPT

    lanes = lax.iota(jnp.int32, L)
    neg = jnp.full((L,), -jnp.inf, jnp.float32)
    zf = jnp.zeros((L,), jnp.float32)
    zi = jnp.zeros((L,), jnp.int32)

    def _pre(i, cc):
        for q in range(CH // L):
            selid_v[i, pl.ds(q * L, L)] = zi
        return cc
    lax.fori_loop(0, NRROW + 1, _pre, 0)

    for e in range(E):
        pltpu.sync_copy(score_hbm.at[e, pl.ds(tok0, TPT)],
                        score_col.at[pl.ds(e * TPT, TPT)])

    def _thr(g, cc):
        sc = [score_col[pl.ds(e * TPT + g * L, L)] for e in range(E)]
        m1 = sc[0]
        for e in range(1, E):
            m1 = jnp.maximum(m1, sc[e])
        excl = jnp.zeros((L,), jnp.bool_)
        m2 = neg
        for e in range(E):
            is_first = (sc[e] == m1) & (~excl)
            m2 = jnp.maximum(m2, jnp.where(is_first, neg, sc[e]))
            excl = excl | is_first
        thr_v[pl.ds(tok0 + g * L, L)] = m2
        return cc
    lax.fori_loop(0, TPT // L, _thr, 0)

    pltpu.sync_copy(thr_v.at[pl.ds(tok0, TPT)], thr_sh.at[pl.ds(tok0, TPT)])
    plsc.subcore_barrier()
    pltpu.sync_copy(thr_sh, thr_v)

    slot_base = s * OWN

    def _acc_chunk(off, cntv, slot_base):
        jr = lax.shift_right_logical(off, CSH)
        idv = selid_v[jr, :]
        sce = plsc.load_gather(score_col, [idv])
        th = plsc.load_gather(thr_v, [idv])
        slotf = plsc.load_gather(route_col, [idv]) - slot_base
        use = (((off + lanes) < cntv) & (sce >= th) & (sce > 0.0)
               & (slotf >= 0) & (slotf < jnp.full((L,), OWN, jnp.int32)))
        gate = jnp.where(use, sce, zf)
        slotv = jnp.where(use, slotf, zi)

        def _acc(r, cc):
            g = _splat(gate, r)
            sl = _splat(slotv, r)
            for k in range(DBLK):
                contrib = rows_a[r, pl.ds(k * L, L)] * g
                plsc.addupdate_scatter(acc_v, [sl, k * L + lanes],
                                       contrib)
            return cc
        lax.fori_loop(0, L, _acc, 0)

    def _phase(p, cc):
        expert = c * E_PER_CORE + p
        pltpu.sync_copy(score_hbm.at[expert], score_col)
        pltpu.sync_copy(route_hbm.at[expert], route_col)

        def _zero(r, cc):
            for k in range(DBLK):
                acc_v[r, pl.ds(k * L, L)] = zf
            return cc
        lax.fori_loop(0, OWN, _zero, 0)

        def _scan(g, cntv):
            sce = score_col[pl.ds(g * L, L)]
            th = thr_v[pl.ds(g * L, L)]
            slot = route_col[pl.ds(g * L, L)] - slot_base
            msk = ((sce >= th) & (sce > 0.0) & (slot >= 0)
                   & (slot < jnp.full((L,), OWN, jnp.int32)))
            inc = msk.astype(jnp.int32)
            cs = plsc.cumsum(inc)
            raw = cntv + cs - 1
            pos = jnp.where(msk & (raw < jnp.full((L,), NRING, jnp.int32)),
                            raw, NRING + lanes)
            phi = lax.shift_right_logical(pos, CSH)
            plo = pos & (CH - 1)
            plsc.store_scatter(selid_v, [phi, plo], g * L + lanes)
            return cntv + _splat(cs, L - 1)
        cntv = lax.fori_loop(0, GROUPS, _scan, zi)
        cnt = jnp.minimum(jnp.max(cntv), NRING)

        cntv16 = jnp.full((L,), cnt, jnp.int32)
        n = lax.shift_right_logical(cnt + CH - 1, CSH)

        def _fin(j, cc):
            m = j * CH
            jr = lax.shift_right_logical(m, CSH)
            pltpu.async_copy(in_hbm.at[selid_v.at[jr]], rows_a, sem_a).wait()
            _acc_chunk(m, cntv16, slot_base)
            return cc
        lax.fori_loop(0, n, _fin, 0)

        pltpu.sync_copy(acc_v, out_hbm.at[expert, pl.ds(slot_base, OWN)])
        return cc

    lax.fori_loop(0, E_PER_CORE, _phase, 0)


def kernel(in_flow, route_indices, loads, capacities, score):
    del loads, capacities
    return _dispatch(in_flow, route_indices.T, score.T)

# --- scband reference (transcript-rebuilt; emitter-appended) ---
"""Pipeline reference for scband-fabric-base-21887153340663 (READ-ONLY COPY).

The authoritative reference and input builder live on the scoring server;
editing this copy changes nothing except your own understanding.
"""

import jax, jax.numpy as jnp
import numpy as np

T = 8192   # tokens (batch 2 x seq 4096)
E = 8      # experts / paths
D = 1024   # d_model
C = 1024   # per-expert capacity (T * top_k / E)
K = 2      # top_k gating


def setup_inputs(seed: int = 0) -> dict:
    key = jax.random.key(seed)
    k1, k2, k3, k4 = jax.random.split(key, 4)
    in_flow = jax.random.normal(k1, (T, D), dtype=jnp.float32)
    # dst_index format: destination slot of each token inside each expert's capacity buffer
    route_indices = jax.random.randint(k2, (T, E), 0, C, dtype=jnp.int32)
    loads = jax.random.randint(k3, (E,), 0, C, dtype=jnp.int32)
    capacities = jnp.full((E,), C, dtype=jnp.int32)
    score = jax.random.uniform(k4, (T, E), dtype=jnp.float32)
    return {
        "in_flow": in_flow,
        "route_indices": route_indices,
        "loads": loads,
        "capacities": capacities,
        "score": score,
    }


def reference(in_flow, route_indices, loads, capacities, score):
    # Concrete dispatch fabric (dst_index format):
    # 1) top-k gate over router scores; non-selected expert weights are zeroed
    # 2) each selected token is scaled by its gate weight and scattered into
    #    the destination expert's capacity buffer at slot route_indices[t, e]
    topk_vals, _ = jax.lax.top_k(score, K)
    thresh = topk_vals[:, K - 1 : K]
    mask = (score >= thresh).astype(in_flow.dtype)
    gate = score * mask  # [T, E]
    outs = []
    for e in range(E):
        w = gate[:, e : e + 1]                         # [T, 1]
        contrib = in_flow * w                          # [T, D]
        buf = jnp.zeros((C, D), dtype=in_flow.dtype)
        buf = buf.at[route_indices[:, e]].add(contrib) # scatter-add into capacity buffer
        outs.append(buf)
    return jnp.stack(outs, axis=0)  # [E, C, D] per-expert dispatched flows

if __name__ == "__main__":
    import jax
    _d = setup_inputs()
    print(jax.jit(kernel)(*tuple(_d.values())))

</pallas_src>

<mosaic_0001>
#map = affine_map<(d0, d1) -> (0, 0)>
#map1 = affine_map<(d0, d1) -> (0, 0, 0)>
module attributes {stable_mosaic.version = 14 : i64} {
  func.func @_dispatch(%arg0: i32, %arg1: i32, %arg2: memref<8192x1024xf32, #tpu.memory_space<hbm>>, %arg3: memref<8x8192xi32, #tpu.memory_space<hbm>>, %arg4: memref<8x8192xf32, #tpu.memory_space<hbm>>, %arg5: memref<8x1024x1024xf32, #tpu.memory_space<hbm>>, %arg6: memref<8192xf32, #tpu.memory_space<vmem>>, %arg7: memref<8192xf32, #tpu.memory_space<vmem>>, %arg8: memref<8192xi32, #tpu.memory_space<vmem>>, %arg9: memref<65x16xi32, #tpu.memory_space<vmem>>, %arg10: memref<16x1024xf32, #tpu.memory_space<vmem>>, %arg11: memref<64x1024xf32, #tpu.memory_space<vmem>>, %arg12: memref<8192xf32, #tpu.memory_space<vmem_shared>>, %arg13: memref<!tpu.dma_semaphore, #tpu.memory_space<semaphore_mem>>) attributes {dimension_semantics = [#tpu.dimension_semantics<core_parallel>, #tpu.dimension_semantics<subcore_parallel>], iteration_bounds = array<i64: 2, 16>, scalar_prefetch = 0 : i64, scratch_operands = 8 : i64, tpu.core_type = #tpu.core_type<sc_vector_subcore>, window_params = [{transform_indices = #map}, {transform_indices = #map}, {transform_indices = #map}, {transform_indices = #map1}]} {
    %mul3A = arith.constant 512 : i32
    %mul3A_0 = arith.muli %arg1, %mul3A : i32
    %iota3A = tpu.iota {dimensions = array<i32: 0>} : vector<16xi32>
    %broadcast_in_dim3A = arith.constant 0xFF800000 : f32
    %broadcast_in_dim3A_1 = vector.broadcast %broadcast_in_dim3A : f32 to vector<16xf32>
    %broadcast_in_dim3A_2 = arith.constant 0.000000e+00 : f32
    %broadcast_in_dim3A_3 = vector.broadcast %broadcast_in_dim3A_2 : f32 to vector<16xf32>
    %broadcast_in_dim3A_4 = arith.constant 0 : i32
    %broadcast_in_dim3A_5 = vector.broadcast %broadcast_in_dim3A_4 : i32 to vector<16xi32>
    %scan3A = arith.constant 0 : i32
    %scan3A_6 = arith.constant 0 : i32
    %scan3A_7 = arith.constant 65 : i32
    %scan3A_8 = arith.addi %scan3A_6, %scan3A_7 : i32
    %scan3A_9 = arith.constant 1 : i32
    scf.for %scan3A_32 = %scan3A_6 to %scan3A_8 step %scan3A_9  : i32 {
      %swap3A = arith.index_cast %scan3A_32 : i32 to index
      %swap3A_33 = arith.constant 0 : index
      %swap3A_34 = tpu.vector_load %arg9[%swap3A, %swap3A_33] {strides = array<i32>} : memref<65x16xi32, #tpu.memory_space<vmem>>, vector<16xi32>,
      tpu.vector_store %arg9[%swap3A, %swap3A_33], %broadcast_in_dim3A_5 {strides = array<i32>} : memref<65x16xi32, #tpu.memory_space<vmem>>, vector<16xi32>,
    }
    %scan3A_10 = arith.constant 65 : i32
    %run_scoped3A = arith.constant 0 : i32
    "tpu.region"() ({
      %run_scoped3A_32 = tpu.sem_alloc : memref<!tpu.dma_semaphore, #tpu.memory_space<semaphore_mem>>
      %dma_start3A = arith.constant 0 : i32
      %dma_start3A_33 = tpu.memref_slice %arg7[%dma_start3A] : memref<8192xf32, #tpu.memory_space<vmem>> -> memref<512xf32, #tpu.memory_space<vmem>>
      %dma_start3A_34 = tpu.memref_slice %arg4[%run_scoped3A, %mul3A_0] : memref<8x8192xf32, #tpu.memory_space<hbm>> -> memref<1x512xf32, #tpu.memory_space<hbm>>
      %dma_start3A_35 = tpu.memref_squeeze %dma_start3A_34 : memref<1x512xf32, #tpu.memory_space<hbm>> -> memref<512xf32, #tpu.memory_space<hbm>>
      %dma_start3A_36 = arith.constant 0 : i32
      %dma_start3A_37 = tpu.memref_slice %arg7[%dma_start3A_36] : memref<8192xf32, #tpu.memory_space<vmem>> -> memref<512xf32, #tpu.memory_space<vmem>>
      %dma_start3A_38 = tpu.memref_slice %arg4[%run_scoped3A, %mul3A_0] : memref<8x8192xf32, #tpu.memory_space<hbm>> -> memref<1x512xf32, #tpu.memory_space<hbm>>
      %dma_start3A_39 = tpu.memref_squeeze %dma_start3A_38 : memref<1x512xf32, #tpu.memory_space<hbm>> -> memref<512xf32, #tpu.memory_space<hbm>>
      tpu.enqueue_dma source(%dma_start3A_39 : memref<512xf32, #tpu.memory_space<hbm>>) target(%dma_start3A_37 : memref<512xf32, #tpu.memory_space<vmem>>) target_semaphore(%run_scoped3A_32 : memref<!tpu.dma_semaphore, #tpu.memory_space<semaphore_mem>>)
      %dma_wait3A = arith.constant 0 : i32
      %dma_wait3A_40 = tpu.memref_slice %arg7[%dma_wait3A] : memref<8192xf32, #tpu.memory_space<vmem>> -> memref<512xf32, #tpu.memory_space<vmem>>
      %dma_wait3A_41 = tpu.memref_slice %arg4[%run_scoped3A, %mul3A_0] : memref<8x8192xf32, #tpu.memory_space<hbm>> -> memref<1x512xf32, #tpu.memory_space<hbm>>
      %dma_wait3A_42 = tpu.memref_squeeze %dma_wait3A_41 : memref<1x512xf32, #tpu.memory_space<hbm>> -> memref<512xf32, #tpu.memory_space<hbm>>
      %dma_wait3A_43 = arith.constant 0 : i32
      %dma_wait3A_44 = tpu.memref_slice %arg7[%dma_wait3A_43] : memref<8192xf32, #tpu.memory_space<vmem>> -> memref<512xf32, #tpu.memory_space<vmem>>
      %dma_wait3A_45 = tpu.memref_slice %arg4[%run_scoped3A, %mul3A_0] : memref<8x8192xf32, #tpu.memory_space<hbm>> -> memref<1x512xf32, #tpu.memory_space<hbm>>
      %dma_wait3A_46 = tpu.memref_squeeze %dma_wait3A_45 : memref<1x512xf32, #tpu.memory_space<hbm>> -> memref<512xf32, #tpu.memory_space<hbm>>
      tpu.wait_dma2 semaphore(%run_scoped3A_32 : memref<!tpu.dma_semaphore, #tpu.memory_space<semaphore_mem>>) src(%dma_wait3A_46 : memref<512xf32, #tpu.memory_space<hbm>>) dst(%dma_wait3A_44 : memref<512xf32, #tpu.memory_space<vmem>>)
      tpu.yield
    }) : () -> ()
    %run_scoped3A_11 = arith.constant 1 : i32
    "tpu.region"() ({
      %run_scoped3A_32 = tpu.sem_alloc : memref<!tpu.dma_semaphore, #tpu.memory_space<semaphore_mem>>
      %dma_start3A = arith.constant 512 : i32
      %dma_start3A_33 = tpu.memref_slice %arg7[%dma_start3A] : memref<8192xf32, #tpu.memory_space<vmem>> -> memref<512xf32, #tpu.memory_space<vmem>>
      %dma_start3A_34 = tpu.memref_slice %arg4[%run_scoped3A_11, %mul3A_0] : memref<8x8192xf32, #tpu.memory_space<hbm>> -> memref<1x512xf32, #tpu.memory_space<hbm>>
      %dma_start3A_35 = tpu.memref_squeeze %dma_start3A_34 : memref<1x512xf32, #tpu.memory_space<hbm>> -> memref<512xf32, #tpu.memory_space<hbm>>
      %dma_start3A_36 = arith.constant 512 : i32
      %dma_start3A_37 = tpu.memref_slice %arg7[%dma_start3A_36] : memref<8192xf32, #tpu.memory_space<vmem>> -> memref<512xf32, #tpu.memory_space<vmem>>
      %dma_start3A_38 = tpu.memref_slice %arg4[%run_scoped3A_11, %mul3A_0] : memref<8x8192xf32, #tpu.memory_space<hbm>> -> memref<1x512xf32, #tpu.memory_space<hbm>>
      %dma_start3A_39 = tpu.memref_squeeze %dma_start3A_38 : memref<1x512xf32, #tpu.memory_space<hbm>> -> memref<512xf32, #tpu.memory_space<hbm>>
      tpu.enqueue_dma source(%dma_start3A_39 : memref<512xf32, #tpu.memory_space<hbm>>) target(%dma_start3A_37 : memref<512xf32, #tpu.memory_space<vmem>>) target_semaphore(%run_scoped3A_32 : memref<!tpu.dma_semaphore, #tpu.memory_space<semaphore_mem>>)
      %dma_wait3A = arith.constant 512 : i32
      %dma_wait3A_40 = tpu.memref_slice %arg7[%dma_wait3A] : memref<8192xf32, #tpu.memory_space<vmem>> -> memref<512xf32, #tpu.memory_space<vmem>>
      %dma_wait3A_41 = tpu.memref_slice %arg4[%run_scoped3A_11, %mul3A_0] : memref<8x8192xf32, #tpu.memory_space<hbm>> -> memref<1x512xf32, #tpu.memory_space<hbm>>
      %dma_wait3A_42 = tpu.memref_squeeze %dma_wait3A_41 : memref<1x512xf32, #tpu.memory_space<hbm>> -> memref<512xf32, #tpu.memory_space<hbm>>
      %dma_wait3A_43 = arith.constant 512 : i32
      %dma_wait3A_44 = tpu.memref_slice %arg7[%dma_wait3A_43] : memref<8192xf32, #tpu.memory_space<vmem>> -> memref<512xf32, #tpu.memory_space<vmem>>
      %dma_wait3A_45 = tpu.memref_slice %arg4[%run_scoped3A_11, %mul3A_0] : memref<8x8192xf32, #tpu.memory_space<hbm>> -> memref<1x512xf32, #tpu.memory_space<hbm>>
      %dma_wait3A_46 = tpu.memref_squeeze %dma_wait3A_45 : memref<1x512xf32, #tpu.memory_space<hbm>> -> memref<512xf32, #tpu.memory_space<hbm>>
      tpu.wait_dma2 semaphore(%run_scoped3A_32 : memref<!tpu.dma_semaphore, #tpu.memory_space<semaphore_mem>>) src(%dma_wait3A_46 : memref<512xf32, #tpu.memory_space<hbm>>) dst(%dma_wait3A_44 : memref<512xf32, #tpu.memory_space<vmem>>)
      tpu.yield
    }) : () -> ()
    %run_scoped3A_12 = arith.constant 2 : i32
    "tpu.region"() ({
      %run_scoped3A_32 = tpu.sem_alloc : memref<!tpu.dma_semaphore, #tpu.memory_space<semaphore_mem>>
      %dma_start3A = arith.constant 1024 : i32
      %dma_start3A_33 = tpu.memref_slice %arg7[%dma_start3A] : memref<8192xf32, #tpu.memory_space<vmem>> -> memref<512xf32, #tpu.memory_space<vmem>>
      %dma_start3A_34 = tpu.memref_slice %arg4[%run_scoped3A_12, %mul3A_0] : memref<8x8192xf32, #tpu.memory_space<hbm>> -> memref<1x512xf32, #tpu.memory_space<hbm>>
      %dma_start3A_35 = tpu.memref_squeeze %dma_start3A_34 : memref<1x512xf32, #tpu.memory_space<hbm>> -> memref<512xf32, #tpu.memory_space<hbm>>
      %dma_start3A_36 = arith.constant 1024 : i32
      %dma_start3A_37 = tpu.memref_slice %arg7[%dma_start3A_36] : memref<8192xf32, #tpu.memory_space<vmem>> -> memref<512xf32, #tpu.memory_space<vmem>>
      %dma_start3A_38 = tpu.memref_slice %arg4[%run_scoped3A_12, %mul3A_0] : memref<8x8192xf32, #tpu.memory_space<hbm>> -> memref<1x512xf32, #tpu.memory_space<hbm>>
      %dma_start3A_39 = tpu.memref_squeeze %dma_start3A_38 : memref<1x512xf32, #tpu.memory_space<hbm>> -> memref<512xf32, #tpu.memory_space<hbm>>
      tpu.enqueue_dma source(%dma_start3A_39 : memref<512xf32, #tpu.memory_space<hbm>>) target(%dma_start3A_37 : memref<512xf32, #tpu.memory_space<vmem>>) target_semaphore(%run_scoped3A_32 : memref<!tpu.dma_semaphore, #tpu.memory_space<semaphore_mem>>)
      %dma_wait3A = arith.constant 1024 : i32
      %dma_wait3A_40 = tpu.memref_slice %arg7[%dma_wait3A] : memref<8192xf32, #tpu.memory_space<vmem>> -> memref<512xf32, #tpu.memory_space<vmem>>
      %dma_wait3A_41 = tpu.memref_slice %arg4[%run_scoped3A_12, %mul3A_0] : memref<8x8192xf32, #tpu.memory_space<hbm>> -> memref<1x512xf32, #tpu.memory_space<hbm>>
      %dma_wait3A_42 = tpu.memref_squeeze %dma_wait3A_41 : memref<1x512xf32, #tpu.memory_space<hbm>> -> memref<512xf32, #tpu.memory_space<hbm>>
      %dma_wait3A_43 = arith.constant 1024 : i32
      %dma_wait3A_44 = tpu.memref_slice %arg7[%dma_wait3A_43] : memref<8192xf32, #tpu.memory_space<vmem>> -> memref<512xf32, #tpu.memory_space<vmem>>
      %dma_wait3A_45 = tpu.memref_slice %arg4[%run_scoped3A_12, %mul3A_0] : memref<8x8192xf32, #tpu.memory_space<hbm>> -> memref<1x512xf32, #tpu.memory_space<hbm>>
      %dma_wait3A_46 = tpu.memref_squeeze %dma_wait3A_45 : memref<1x512xf32, #tpu.memory_space<hbm>> -> memref<512xf32, #tpu.memory_space<hbm>>
      tpu.wait_dma2 semaphore(%run_scoped3A_32 : memref<!tpu.dma_semaphore, #tpu.memory_space<semaphore_mem>>) src(%dma_wait3A_46 : memref<512xf32, #tpu.memory_space<hbm>>) dst(%dma_wait3A_44 : memref<512xf32, #tpu.memory_space<vmem>>)
      tpu.yield
    }) : () -> ()
    %run_scoped3A_13 = arith.constant 3 : i32
    "tpu.region"() ({
      %run_scoped3A_32 = tpu.sem_alloc : memref<!tpu.dma_semaphore, #tpu.memory_space<semaphore_mem>>
      %dma_start3A = arith.constant 1536 : i32
      %dma_start3A_33 = tpu.memref_slice %arg7[%dma_start3A] : memref<8192xf32, #tpu.memory_space<vmem>> -> memref<512xf32, #tpu.memory_space<vmem>>
      %dma_start3A_34 = tpu.memref_slice %arg4[%run_scoped3A_13, %mul3A_0] : memref<8x8192xf32, #tpu.memory_space<hbm>> -> memref<1x512xf32, #tpu.memory_space<hbm>>
      %dma_start3A_35 = tpu.memref_squeeze %dma_start3A_34 : memref<1x512xf32, #tpu.memory_space<hbm>> -> memref<512xf32, #tpu.memory_space<hbm>>
      %dma_start3A_36 = arith.constant 1536 : i32
      %dma_start3A_37 = tpu.memref_slice %arg7[%dma_start3A_36] : memref<8192xf32, #tpu.memory_space<vmem>> -> memref<512xf32, #tpu.memory_space<vmem>>
      %dma_start3A_38 = tpu.memref_slice %arg4[%run_scoped3A_13, %mul3A_0] : memref<8x8192xf32, #tpu.memory_space<hbm>> -> memref<1x512xf32, #tpu.memory_space<hbm>>
      %dma_start3A_39 = tpu.memref_squeeze %dma_start3A_38 : memref<1x512xf32, #tpu.memory_space<hbm>> -> memref<512xf32, #tpu.memory_space<hbm>>
      tpu.enqueue_dma source(%dma_start3A_39 : memref<512xf32, #tpu.memory_space<hbm>>) target(%dma_start3A_37 : memref<512xf32, #tpu.memory_space<vmem>>) target_semaphore(%run_scoped3A_32 : memref<!tpu.dma_semaphore, #tpu.memory_space<semaphore_mem>>)
      %dma_wait3A = arith.constant 1536 : i32
      %dma_wait3A_40 = tpu.memref_slice %arg7[%dma_wait3A] : memref<8192xf32, #tpu.memory_space<vmem>> -> memref<512xf32, #tpu.memory_space<vmem>>
      %dma_wait3A_41 = tpu.memref_slice %arg4[%run_scoped3A_13, %mul3A_0] : memref<8x8192xf32, #tpu.memory_space<hbm>> -> memref<1x512xf32, #tpu.memory_space<hbm>>
      %dma_wait3A_42 = tpu.memref_squeeze %dma_wait3A_41 : memref<1x512xf32, #tpu.memory_space<hbm>> -> memref<512xf32, #tpu.memory_space<hbm>>
      %dma_wait3A_43 = arith.constant 1536 : i32
      %dma_wait3A_44 = tpu.memref_slice %arg7[%dma_wait3A_43] : memref<8192xf32, #tpu.memory_space<vmem>> -> memref<512xf32, #tpu.memory_space<vmem>>
      %dma_wait3A_45 = tpu.memref_slice %arg4[%run_scoped3A_13, %mul3A_0] : memref<8x8192xf32, #tpu.memory_space<hbm>> -> memref<1x512xf32, #tpu.memory_space<hbm>>
      %dma_wait3A_46 = tpu.memref_squeeze %dma_wait3A_45 : memref<1x512xf32, #tpu.memory_space<hbm>> -> memref<512xf32, #tpu.memory_space<hbm>>
      tpu.wait_dma2 semaphore(%run_scoped3A_32 : memref<!tpu.dma_semaphore, #tpu.memory_space<semaphore_mem>>) src(%dma_wait3A_46 : memref<512xf32, #tpu.memory_space<hbm>>) dst(%dma_wait3A_44 : memref<512xf32, #tpu.memory_space<vmem>>)
      tpu.yield
    }) : () -> ()
    %run_scoped3A_14 = arith.constant 4 : i32
    "tpu.region"() ({
      %run_scoped3A_32 = tpu.sem_alloc : memref<!tpu.dma_semaphore, #tpu.memory_space<semaphore_mem>>
      %dma_start3A = arith.constant 2048 : i32
      %dma_start3A_33 = tpu.memref_slice %arg7[%dma_start3A] : memref<8192xf32, #tpu.memory_space<vmem>> -> memref<512xf32, #tpu.memory_space<vmem>>
      %dma_start3A_34 = tpu.memref_slice %arg4[%run_scoped3A_14, %mul3A_0] : memref<8x8192xf32, #tpu.memory_space<hbm>> -> memref<1x512xf32, #tpu.memory_space<hbm>>
      %dma_start3A_35 = tpu.memref_squeeze %dma_start3A_34 : memref<1x512xf32, #tpu.memory_space<hbm>> -> memref<512xf32, #tpu.memory_space<hbm>>
      %dma_start3A_36 = arith.constant 2048 : i32
      %dma_start3A_37 = tpu.memref_slice %arg7[%dma_start3A_36] : memref<8192xf32, #tpu.memory_space<vmem>> -> memref<512xf32, #tpu.memory_space<vmem>>
      %dma_start3A_38 = tpu.memref_slice %arg4[%run_scoped3A_14, %mul3A_0] : memref<8x8192xf32, #tpu.memory_space<hbm>> -> memref<1x512xf32, #tpu.memory_space<hbm>>
      %dma_start3A_39 = tpu.memref_squeeze %dma_start3A_38 : memref<1x512xf32, #tpu.memory_space<hbm>> -> memref<512xf32, #tpu.memory_space<hbm>>
      tpu.enqueue_dma source(%dma_start3A_39 : memref<512xf32, #tpu.memory_space<hbm>>) target(%dma_start3A_37 : memref<512xf32, #tpu.memory_space<vmem>>) target_semaphore(%run_scoped3A_32 : memref<!tpu.dma_semaphore, #tpu.memory_space<semaphore_mem>>)
      %dma_wait3A = arith.constant 2048 : i32
      %dma_wait3A_40 = tpu.memref_slice %arg7[%dma_wait3A] : memref<8192xf32, #tpu.memory_space<vmem>> -> memref<512xf32, #tpu.memory_space<vmem>>
      %dma_wait3A_41 = tpu.memref_slice %arg4[%run_scoped3A_14, %mul3A_0] : memref<8x8192xf32, #tpu.memory_space<hbm>> -> memref<1x512xf32, #tpu.memory_space<hbm>>
      %dma_wait3A_42 = tpu.memref_squeeze %dma_wait3A_41 : memref<1x512xf32, #tpu.memory_space<hbm>> -> memref<512xf32, #tpu.memory_space<hbm>>
      %dma_wait3A_43 = arith.constant 2048 : i32
      %dma_wait3A_44 = tpu.memref_slice %arg7[%dma_wait3A_43] : memref<8192xf32, #tpu.memory_space<vmem>> -> memref<512xf32, #tpu.memory_space<vmem>>
      %dma_wait3A_45 = tpu.memref_slice %arg4[%run_scoped3A_14, %mul3A_0] : memref<8x8192xf32, #tpu.memory_space<hbm>> -> memref<1x512xf32, #tpu.memory_space<hbm>>
      %dma_wait3A_46 = tpu.memref_squeeze %dma_wait3A_45 : memref<1x512xf32, #tpu.memory_space<hbm>> -> memref<512xf32, #tpu.memory_space<hbm>>
      tpu.wait_dma2 semaphore(%run_scoped3A_32 : memref<!tpu.dma_semaphore, #tpu.memory_space<semaphore_mem>>) src(%dma_wait3A_46 : memref<512xf32, #tpu.memory_space<hbm>>) dst(%dma_wait3A_44 : memref<512xf32, #tpu.memory_space<vmem>>)
      tpu.yield
    }) : () -> ()
    %run_scoped3A_15 = arith.constant 5 : i32
    "tpu.region"() ({
      %run_scoped3A_32 = tpu.sem_alloc : memref<!tpu.dma_semaphore, #tpu.memory_space<semaphore_mem>>
      %dma_start3A = arith.constant 2560 : i32
      %dma_start3A_33 = tpu.memref_slice %arg7[%dma_start3A] : memref<8192xf32, #tpu.memory_space<vmem>> -> memref<512xf32, #tpu.memory_space<vmem>>
      %dma_start3A_34 = tpu.memref_slice %arg4[%run_scoped3A_15, %mul3A_0] : memref<8x8192xf32, #tpu.memory_space<hbm>> -> memref<1x512xf32, #tpu.memory_space<hbm>>
      %dma_start3A_35 = tpu.memref_squeeze %dma_start3A_34 : memref<1x512xf32, #tpu.memory_space<hbm>> -> memref<512xf32, #tpu.memory_space<hbm>>
      %dma_start3A_36 = arith.constant 2560 : i32
      %dma_start3A_37 = tpu.memref_slice %arg7[%dma_start3A_36] : memref<8192xf32, #tpu.memory_space<vmem>> -> memref<512xf32, #tpu.memory_space<vmem>>
      %dma_start3A_38 = tpu.memref_slice %arg4[%run_scoped3A_15, %mul3A_0] : memref<8x8192xf32, #tpu.memory_space<hbm>> -> memref<1x512xf32, #tpu.memory_space<hbm>>
      %dma_start3A_39 = tpu.memref_squeeze %dma_start3A_38 : memref<1x512xf32, #tpu.memory_space<hbm>> -> memref<512xf32, #tpu.memory_space<hbm>>
      tpu.enqueue_dma source(%dma_start3A_39 : memref<512xf32, #tpu.memory_space<hbm>>) target(%dma_start3A_37 : memref<512xf32, #tpu.memory_space<vmem>>) target_semaphore(%run_scoped3A_32 : memref<!tpu.dma_semaphore, #tpu.memory_space<semaphore_mem>>)
      %dma_wait3A = arith.constant 2560 : i32
      %dma_wait3A_40 = tpu.memref_slice %arg7[%dma_wait3A] : memref<8192xf32, #tpu.memory_space<vmem>> -> memref<512xf32, #tpu.memory_space<vmem>>
      %dma_wait3A_41 = tpu.memref_slice %arg4[%run_scoped3A_15, %mul3A_0] : memref<8x8192xf32, #tpu.memory_space<hbm>> -> memref<1x512xf32, #tpu.memory_space<hbm>>
      %dma_wait3A_42 = tpu.memref_squeeze %dma_wait3A_41 : memref<1x512xf32, #tpu.memory_space<hbm>> -> memref<512xf32, #tpu.memory_space<hbm>>
      %dma_wait3A_43 = arith.constant 2560 : i32
      %dma_wait3A_44 = tpu.memref_slice %arg7[%dma_wait3A_43] : memref<8192xf32, #tpu.memory_space<vmem>> -> memref<512xf32, #tpu.memory_space<vmem>>
      %dma_wait3A_45 = tpu.memref_slice %arg4[%run_scoped3A_15, %mul3A_0] : memref<8x8192xf32, #tpu.memory_space<hbm>> -> memref<1x512xf32, #tpu.memory_space<hbm>>
      %dma_wait3A_46 = tpu.memref_squeeze %dma_wait3A_45 : memref<1x512xf32, #tpu.memory_space<hbm>> -> memref<512xf32, #tpu.memory_space<hbm>>
      tpu.wait_dma2 semaphore(%run_scoped3A_32 : memref<!tpu.dma_semaphore, #tpu.memory_space<semaphore_mem>>) src(%dma_wait3A_46 : memref<512xf32, #tpu.memory_space<hbm>>) dst(%dma_wait3A_44 : memref<512xf32, #tpu.memory_space<vmem>>)
      tpu.yield
    }) : () -> ()
    %run_scoped3A_16 = arith.constant 6 : i32
    "tpu.region"() ({
      %run_scoped3A_32 = tpu.sem_alloc : memref<!tpu.dma_semaphore, #tpu.memory_space<semaphore_mem>>
      %dma_start3A = arith.constant 3072 : i32
      %dma_start3A_33 = tpu.memref_slice %arg7[%dma_start3A] : memref<8192xf32, #tpu.memory_space<vmem>> -> memref<512xf32, #tpu.memory_space<vmem>>
      %dma_start3A_34 = tpu.memref_slice %arg4[%run_scoped3A_16, %mul3A_0] : memref<8x8192xf32, #tpu.memory_space<hbm>> -> memref<1x512xf32, #tpu.memory_space<hbm>>
      %dma_start3A_35 = tpu.memref_squeeze %dma_start3A_34 : memref<1x512xf32, #tpu.memory_space<hbm>> -> memref<512xf32, #tpu.memory_space<hbm>>
      %dma_start3A_36 = arith.constant 3072 : i32
      %dma_start3A_37 = tpu.memref_slice %arg7[%dma_start3A_36] : memref<8192xf32, #tpu.memory_space<vmem>> -> memref<512xf32, #tpu.memory_space<vmem>>
      %dma_start3A_38 = tpu.memref_slice %arg4[%run_scoped3A_16, %mul3A_0] : memref<8x8192xf32, #tpu.memory_space<hbm>> -> memref<1x512xf32, #tpu.memory_space<hbm>>
      %dma_start3A_39 = tpu.memref_squeeze %dma_start3A_38 : memref<1x512xf32, #tpu.memory_space<hbm>> -> memref<512xf32, #tpu.memory_space<hbm>>
      tpu.enqueue_dma source(%dma_start3A_39 : memref<512xf32, #tpu.memory_space<hbm>>) target(%dma_start3A_37 : memref<512xf32, #tpu.memory_space<vmem>>) target_semaphore(%run_scoped3A_32 : memref<!tpu.dma_semaphore, #tpu.memory_space<semaphore_mem>>)
      %dma_wait3A = arith.constant 3072 : i32
      %dma_wait3A_40 = tpu.memref_slice %arg7[%dma_wait3A] : memref<8192xf32, #tpu.memory_space<vmem>> -> memref<512xf32, #tpu.memory_space<vmem>>
      %dma_wait3A_41 = tpu.memref_slice %arg4[%run_scoped3A_16, %mul3A_0] : memref<8x8192xf32, #tpu.memory_space<hbm>> -> memref<1x512xf32, #tpu.memory_space<hbm>>
      %dma_wait3A_42 = tpu.memref_squeeze %dma_wait3A_41 : memref<1x512xf32, #tpu.memory_space<hbm>> -> memref<512xf32, #tpu.memory_space<hbm>>
      %dma_wait3A_43 = arith.constant 3072 : i32
      %dma_wait3A_44 = tpu.memref_slice %arg7[%dma_wait3A_43] : memref<8192xf32, #tpu.memory_space<vmem>> -> memref<512xf32, #tpu.memory_space<vmem>>
      %dma_wait3A_45 = tpu.memref_slice %arg4[%run_scoped3A_16, %mul3A_0] : memref<8x8192xf32, #tpu.memory_space<hbm>> -> memref<1x512xf32, #tpu.memory_space<hbm>>
      %dma_wait3A_46 = tpu.memref_squeeze %dma_wait3A_45 : memref<1x512xf32, #tpu.memory_space<hbm>> -> memref<512xf32, #tpu.memory_space<hbm>>
      tpu.wait_dma2 semaphore(%run_scoped3A_32 : memref<!tpu.dma_semaphore, #tpu.memory_space<semaphore_mem>>) src(%dma_wait3A_46 : memref<512xf32, #tpu.memory_space<hbm>>) dst(%dma_wait3A_44 : memref<512xf32, #tpu.memory_space<vmem>>)
      tpu.yield
    }) : () -> ()
    %run_scoped3A_17 = arith.constant 7 : i32
    "tpu.region"() ({
      %run_scoped3A_32 = tpu.sem_alloc : memref<!tpu.dma_semaphore, #tpu.memory_space<semaphore_mem>>
      %dma_start3A = arith.constant 3584 : i32
      %dma_start3A_33 = tpu.memref_slice %arg7[%dma_start3A] : memref<8192xf32, #tpu.memory_space<vmem>> -> memref<512xf32, #tpu.memory_space<vmem>>
      %dma_start3A_34 = tpu.memref_slice %arg4[%run_scoped3A_17, %mul3A_0] : memref<8x8192xf32, #tpu.memory_space<hbm>> -> memref<1x512xf32, #tpu.memory_space<hbm>>
      %dma_start3A_35 = tpu.memref_squeeze %dma_start3A_34 : memref<1x512xf32, #tpu.memory_space<hbm>> -> memref<512xf32, #tpu.memory_space<hbm>>
      %dma_start3A_36 = arith.constant 3584 : i32
      %dma_start3A_37 = tpu.memref_slice %arg7[%dma_start3A_36] : memref<8192xf32, #tpu.memory_space<vmem>> -> memref<512xf32, #tpu.memory_space<vmem>>
      %dma_start3A_38 = tpu.memref_slice %arg4[%run_scoped3A_17, %mul3A_0] : memref<8x8192xf32, #tpu.memory_space<hbm>> -> memref<1x512xf32, #tpu.memory_space<hbm>>
      %dma_start3A_39 = tpu.memref_squeeze %dma_start3A_38 : memref<1x512xf32, #tpu.memory_space<hbm>> -> memref<512xf32, #tpu.memory_space<hbm>>
      tpu.enqueue_dma source(%dma_start3A_39 : memref<512xf32, #tpu.memory_space<hbm>>) target(%dma_start3A_37 : memref<512xf32, #tpu.memory_space<vmem>>) target_semaphore(%run_scoped3A_32 : memref<!tpu.dma_semaphore, #tpu.memory_space<semaphore_mem>>)
      %dma_wait3A = arith.constant 3584 : i32
      %dma_wait3A_40 = tpu.memref_slice %arg7[%dma_wait3A] : memref<8192xf32, #tpu.memory_space<vmem>> -> memref<512xf32, #tpu.memory_space<vmem>>
      %dma_wait3A_41 = tpu.memref_slice %arg4[%run_scoped3A_17, %mul3A_0] : memref<8x8192xf32, #tpu.memory_space<hbm>> -> memref<1x512xf32, #tpu.memory_space<hbm>>
      %dma_wait3A_42 = tpu.memref_squeeze %dma_wait3A_41 : memref<1x512xf32, #tpu.memory_space<hbm>> -> memref<512xf32, #tpu.memory_space<hbm>>
      %dma_wait3A_43 = arith.constant 3584 : i32
      %dma_wait3A_44 = tpu.memref_slice %arg7[%dma_wait3A_43] : memref<8192xf32, #tpu.memory_space<vmem>> -> memref<512xf32, #tpu.memory_space<vmem>>
      %dma_wait3A_45 = tpu.memref_slice %arg4[%run_scoped3A_17, %mul3A_0] : memref<8x8192xf32, #tpu.memory_space<hbm>> -> memref<1x512xf32, #tpu.memory_space<hbm>>
      %dma_wait3A_46 = tpu.memref_squeeze %dma_wait3A_45 : memref<1x512xf32, #tpu.memory_space<hbm>> -> memref<512xf32, #tpu.memory_space<hbm>>
      tpu.wait_dma2 semaphore(%run_scoped3A_32 : memref<!tpu.dma_semaphore, #tpu.memory_space<semaphore_mem>>) src(%dma_wait3A_46 : memref<512xf32, #tpu.memory_space<hbm>>) dst(%dma_wait3A_44 : memref<512xf32, #tpu.memory_space<vmem>>)
      tpu.yield
    }) : () -> ()
    %scan3A_18 = arith.constant 0 : i32
    %scan3A_19 = arith.constant 0 : i32
    %scan3A_20 = arith.constant 32 : i32
    %scan3A_21 = arith.addi %scan3A_19, %scan3A_20 : i32
    %scan3A_22 = arith.constant 1 : i32
    scf.for %scan3A_32 = %scan3A_19 to %scan3A_21 step %scan3A_22  : i32 {
      %mul3A_33 = arith.constant 16 : i32
      %mul3A_34 = arith.muli %scan3A_32, %mul3A_33 : i32
      %add3A = arith.constant 0 : i32
      %add3A_35 = arith.addi %add3A, %mul3A_34 : i32
      %get3A = arith.index_cast %add3A_35 : i32 to index
      %get3A_36 = tpu.vector_load %arg7[%get3A] {strides = array<i32>} : memref<8192xf32, #tpu.memory_space<vmem>>, vector<16xf32>,
      %mul3A_37 = arith.constant 16 : i32
      %mul3A_38 = arith.muli %scan3A_32, %mul3A_37 : i32
      %add3A_39 = arith.constant 512 : i32
      %add3A_40 = arith.addi %add3A_39, %mul3A_38 : i32
      %get3A_41 = arith.index_cast %add3A_40 : i32 to index
      %get3A_42 = tpu.vector_load %arg7[%get3A_41] {strides = array<i32>} : memref<8192xf32, #tpu.memory_space<vmem>>, vector<16xf32>,
      %mul3A_43 = arith.constant 16 : i32
      %mul3A_44 = arith.muli %scan3A_32, %mul3A_43 : i32
      %add3A_45 = arith.constant 1024 : i32
      %add3A_46 = arith.addi %add3A_45, %mul3A_44 : i32
      %get3A_47 = arith.index_cast %add3A_46 : i32 to index
      %get3A_48 = tpu.vector_load %arg7[%get3A_47] {strides = array<i32>} : memref<8192xf32, #tpu.memory_space<vmem>>, vector<16xf32>,
      %mul3A_49 = arith.constant 16 : i32
      %mul3A_50 = arith.muli %scan3A_32, %mul3A_49 : i32
      %add3A_51 = arith.constant 1536 : i32
      %add3A_52 = arith.addi %add3A_51, %mul3A_50 : i32
      %get3A_53 = arith.index_cast %add3A_52 : i32 to index
      %get3A_54 = tpu.vector_load %arg7[%get3A_53] {strides = array<i32>} : memref<8192xf32, #tpu.memory_space<vmem>>, vector<16xf32>,
      %mul3A_55 = arith.constant 16 : i32
      %mul3A_56 = arith.muli %scan3A_32, %mul3A_55 : i32
      %add3A_57 = arith.constant 2048 : i32
      %add3A_58 = arith.addi %add3A_57, %mul3A_56 : i32
      %get3A_59 = arith.index_cast %add3A_58 : i32 to index
      %get3A_60 = tpu.vector_load %arg7[%get3A_59] {strides = array<i32>} : memref<8192xf32, #tpu.memory_space<vmem>>, vector<16xf32>,
      %mul3A_61 = arith.constant 16 : i32
      %mul3A_62 = arith.muli %scan3A_32, %mul3A_61 : i32
      %add3A_63 = arith.constant 2560 : i32
      %add3A_64 = arith.addi %add3A_63, %mul3A_62 : i32
      %get3A_65 = arith.index_cast %add3A_64 : i32 to index
      %get3A_66 = tpu.vector_load %arg7[%get3A_65] {strides = array<i32>} : memref<8192xf32, #tpu.memory_space<vmem>>, vector<16xf32>,
      %mul3A_67 = arith.constant 16 : i32
      %mul3A_68 = arith.muli %scan3A_32, %mul3A_67 : i32
      %add3A_69 = arith.constant 3072 : i32
      %add3A_70 = arith.addi %add3A_69, %mul3A_68 : i32
      %get3A_71 = arith.index_cast %add3A_70 : i32 to index
      %get3A_72 = tpu.vector_load %arg7[%get3A_71] {strides = array<i32>} : memref<8192xf32, #tpu.memory_space<vmem>>, vector<16xf32>,
      %mul3A_73 = arith.constant 16 : i32
      %mul3A_74 = arith.muli %scan3A_32, %mul3A_73 : i32
      %add3A_75 = arith.constant 3584 : i32
      %add3A_76 = arith.addi %add3A_75, %mul3A_74 : i32
      %get3A_77 = arith.index_cast %add3A_76 : i32 to index
      %get3A_78 = tpu.vector_load %arg7[%get3A_77] {strides = array<i32>} : memref<8192xf32, #tpu.memory_space<vmem>>, vector<16xf32>,
      %max3A = arith.maximumf %get3A_36, %get3A_42 : vector<16xf32>
      %max3A_79 = arith.maximumf %max3A, %get3A_48 : vector<16xf32>
      %max3A_80 = arith.maximumf %max3A_79, %get3A_54 : vector<16xf32>
      %max3A_81 = arith.maximumf %max3A_80, %get3A_60 : vector<16xf32>
      %max3A_82 = arith.maximumf %max3A_81, %get3A_66 : vector<16xf32>
      %max3A_83 = arith.maximumf %max3A_82, %get3A_72 : vector<16xf32>
      %max3A_84 = arith.maximumf %max3A_83, %get3A_78 : vector<16xf32>
      %broadcast_in_dim3A_85 = arith.constant false
      %broadcast_in_dim3A_86 = vector.broadcast %broadcast_in_dim3A_85 : i1 to vector<16xi1>
      %eq3A = arith.cmpf oeq, %get3A_36, %max3A_84 : vector<16xf32>
      %not3A = arith.constant dense<true> : vector<16xi1>
      %not3A_87 = arith.xori %broadcast_in_dim3A_86, %not3A : vector<16xi1>
      %and3A = arith.andi %eq3A, %not3A_87 : vector<16xi1>
      %select_n3A = arith.select %and3A, %broadcast_in_dim3A_1, %get3A_36 : vector<16xi1>, vector<16xf32>
      %max3A_88 = arith.maximumf %broadcast_in_dim3A_1, %select_n3A : vector<16xf32>
      %or3A = arith.ori %broadcast_in_dim3A_86, %and3A : vector<16xi1>
      %eq3A_89 = arith.cmpf oeq, %get3A_42, %max3A_84 : vector<16xf32>
      %not3A_90 = arith.constant dense<true> : vector<16xi1>
      %not3A_91 = arith.xori %or3A, %not3A_90 : vector<16xi1>
      %and3A_92 = arith.andi %eq3A_89, %not3A_91 : vector<16xi1>
      %select_n3A_93 = arith.select %and3A_92, %broadcast_in_dim3A_1, %get3A_42 : vector<16xi1>, vector<16xf32>
      %max3A_94 = arith.maximumf %max3A_88, %select_n3A_93 : vector<16xf32>
      %or3A_95 = arith.ori %or3A, %and3A_92 : vector<16xi1>
      %eq3A_96 = arith.cmpf oeq, %get3A_48, %max3A_84 : vector<16xf32>
      %not3A_97 = arith.constant dense<true> : vector<16xi1>
      %not3A_98 = arith.xori %or3A_95, %not3A_97 : vector<16xi1>
      %and3A_99 = arith.andi %eq3A_96, %not3A_98 : vector<16xi1>
      %select_n3A_100 = arith.select %and3A_99, %broadcast_in_dim3A_1, %get3A_48 : vector<16xi1>, vector<16xf32>
      %max3A_101 = arith.maximumf %max3A_94, %select_n3A_100 : vector<16xf32>
      %or3A_102 = arith.ori %or3A_95, %and3A_99 : vector<16xi1>
      %eq3A_103 = arith.cmpf oeq, %get3A_54, %max3A_84 : vector<16xf32>
      %not3A_104 = arith.constant dense<true> : vector<16xi1>
      %not3A_105 = arith.xori %or3A_102, %not3A_104 : vector<16xi1>
      %and3A_106 = arith.andi %eq3A_103, %not3A_105 : vector<16xi1>
      %select_n3A_107 = arith.select %and3A_106, %broadcast_in_dim3A_1, %get3A_54 : vector<16xi1>, vector<16xf32>
      %max3A_108 = arith.maximumf %max3A_101, %select_n3A_107 : vector<16xf32>
      %or3A_109 = arith.ori %or3A_102, %and3A_106 : vector<16xi1>
      %eq3A_110 = arith.cmpf oeq, %get3A_60, %max3A_84 : vector<16xf32>
      %not3A_111 = arith.constant dense<true> : vector<16xi1>
      %not3A_112 = arith.xori %or3A_109, %not3A_111 : vector<16xi1>
      %and3A_113 = arith.andi %eq3A_110, %not3A_112 : vector<16xi1>
      %select_n3A_114 = arith.select %and3A_113, %broadcast_in_dim3A_1, %get3A_60 : vector<16xi1>, vector<16xf32>
      %max3A_115 = arith.maximumf %max3A_108, %select_n3A_114 : vector<16xf32>
      %or3A_116 = arith.ori %or3A_109, %and3A_113 : vector<16xi1>
      %eq3A_117 = arith.cmpf oeq, %get3A_66, %max3A_84 : vector<16xf32>
      %not3A_118 = arith.constant dense<true> : vector<16xi1>
      %not3A_119 = arith.xori %or3A_116, %not3A_118 : vector<16xi1>
      %and3A_120 = arith.andi %eq3A_117, %not3A_119 : vector<16xi1>
      %select_n3A_121 = arith.select %and3A_120, %broadcast_in_dim3A_1, %get3A_66 : vector<16xi1>, vector<16xf32>
      %max3A_122 = arith.maximumf %max3A_115, %select_n3A_121 : vector<16xf32>
      %or3A_123 = arith.ori %or3A_116, %and3A_120 : vector<16xi1>
      %eq3A_124 = arith.cmpf oeq, %get3A_72, %max3A_84 : vector<16xf32>
      %not3A_125 = arith.constant dense<true> : vector<16xi1>
      %not3A_126 = arith.xori %or3A_123, %not3A_125 : vector<16xi1>
      %and3A_127 = arith.andi %eq3A_124, %not3A_126 : vector<16xi1>
      %select_n3A_128 = arith.select %and3A_127, %broadcast_in_dim3A_1, %get3A_72 : vector<16xi1>, vector<16xf32>
      %max3A_129 = arith.maximumf %max3A_122, %select_n3A_128 : vector<16xf32>
      %or3A_130 = arith.ori %or3A_123, %and3A_127 : vector<16xi1>
      %eq3A_131 = arith.cmpf oeq, %get3A_78, %max3A_84 : vector<16xf32>
      %not3A_132 = arith.constant dense<true> : vector<16xi1>
      %not3A_133 = arith.xori %or3A_130, %not3A_132 : vector<16xi1>
      %and3A_134 = arith.andi %eq3A_131, %not3A_133 : vector<16xi1>
      %select_n3A_135 = arith.select %and3A_134, %broadcast_in_dim3A_1, %get3A_78 : vector<16xi1>, vector<16xf32>
      %max3A_136 = arith.maximumf %max3A_129, %select_n3A_135 : vector<16xf32>
      %or3A_137 = arith.ori %or3A_130, %and3A_134 : vector<16xi1>
      %mul3A_138 = arith.constant 16 : i32
      %mul3A_139 = arith.muli %scan3A_32, %mul3A_138 : i32
      %add3A_140 = arith.addi %mul3A_0, %mul3A_139 : i32
      %swap3A = arith.index_cast %add3A_140 : i32 to index
      %swap3A_141 = tpu.vector_load %arg6[%swap3A] {strides = array<i32>} : memref<8192xf32, #tpu.memory_space<vmem>>, vector<16xf32>,
      tpu.vector_store %arg6[%swap3A], %max3A_136 {strides = array<i32>} : memref<8192xf32, #tpu.memory_space<vmem>>, vector<16xf32>,
    }
    %scan3A_23 = arith.constant 32 : i32
    "tpu.region"() ({
      %run_scoped3A_32 = tpu.sem_alloc : memref<!tpu.dma_semaphore, #tpu.memory_space<semaphore_mem>>
      %dma_start3A = tpu.memref_slice %arg6[%mul3A_0] : memref<8192xf32, #tpu.memory_space<vmem>> -> memref<512xf32, #tpu.memory_space<vmem>>
      %dma_start3A_33 = tpu.memref_slice %arg12[%mul3A_0] : memref<8192xf32, #tpu.memory_space<vmem_shared>> -> memref<512xf32, #tpu.memory_space<vmem_shared>>
      %dma_start3A_34 = tpu.memref_slice %arg12[%mul3A_0] : memref<8192xf32, #tpu.memory_space<vmem_shared>> -> memref<512xf32, #tpu.memory_space<vmem_shared>>
      %dma_start3A_35 = tpu.memref_slice %arg6[%mul3A_0] : memref<8192xf32, #tpu.memory_space<vmem>> -> memref<512xf32, #tpu.memory_space<vmem>>
      tpu.enqueue_dma source(%dma_start3A_35 : memref<512xf32, #tpu.memory_space<vmem>>) target(%dma_start3A_34 : memref<512xf32, #tpu.memory_space<vmem_shared>>) target_semaphore(%run_scoped3A_32 : memref<!tpu.dma_semaphore, #tpu.memory_space<semaphore_mem>>)
      %dma_wait3A = tpu.memref_slice %arg6[%mul3A_0] : memref<8192xf32, #tpu.memory_space<vmem>> -> memref<512xf32, #tpu.memory_space<vmem>>
      %dma_wait3A_36 = tpu.memref_slice %arg12[%mul3A_0] : memref<8192xf32, #tpu.memory_space<vmem_shared>> -> memref<512xf32, #tpu.memory_space<vmem_shared>>
      %dma_wait3A_37 = tpu.memref_slice %arg12[%mul3A_0] : memref<8192xf32, #tpu.memory_space<vmem_shared>> -> memref<512xf32, #tpu.memory_space<vmem_shared>>
      %dma_wait3A_38 = tpu.memref_slice %arg6[%mul3A_0] : memref<8192xf32, #tpu.memory_space<vmem>> -> memref<512xf32, #tpu.memory_space<vmem>>
      tpu.wait_dma2 semaphore(%run_scoped3A_32 : memref<!tpu.dma_semaphore, #tpu.memory_space<semaphore_mem>>) src(%dma_wait3A_38 : memref<512xf32, #tpu.memory_space<vmem>>) dst(%dma_wait3A_37 : memref<512xf32, #tpu.memory_space<vmem_shared>>)
      tpu.yield
    }) : () -> ()
    %barrier3A = arith.constant 0 : index
    tpu.barrier barrier_id(%barrier3A)
    "tpu.region"() ({
      %run_scoped3A_32 = tpu.sem_alloc : memref<!tpu.dma_semaphore, #tpu.memory_space<semaphore_mem>>
      tpu.enqueue_dma source(%arg12 : memref<8192xf32, #tpu.memory_space<vmem_shared>>) target(%arg6 : memref<8192xf32, #tpu.memory_space<vmem>>) target_semaphore(%run_scoped3A_32 : memref<!tpu.dma_semaphore, #tpu.memory_space<semaphore_mem>>)
      tpu.wait_dma2 semaphore(%run_scoped3A_32 : memref<!tpu.dma_semaphore, #tpu.memory_space<semaphore_mem>>) src(%arg12 : memref<8192xf32, #tpu.memory_space<vmem_shared>>) dst(%arg6 : memref<8192xf32, #tpu.memory_space<vmem>>)
      tpu.yield
    }) : () -> ()
    %mul3A_24 = arith.constant 64 : i32
    %mul3A_25 = arith.muli %arg1, %mul3A_24 : i32
    %scan3A_26 = arith.constant 0 : i32
    %scan3A_27 = arith.constant 0 : i32
    %scan3A_28 = arith.constant 4 : i32
    %scan3A_29 = arith.addi %scan3A_27, %scan3A_28 : i32
    %scan3A_30 = arith.constant 1 : i32
    scf.for %scan3A_32 = %scan3A_27 to %scan3A_29 step %scan3A_30  : i32 {
      %mul3A_33 = arith.constant 4 : i32
      %mul3A_34 = arith.muli %arg0, %mul3A_33 : i32
      %add3A = arith.addi %mul3A_34, %scan3A_32 : i32
      "tpu.region"() ({
        %run_scoped3A_69 = tpu.sem_alloc : memref<!tpu.dma_semaphore, #tpu.memory_space<semaphore_mem>>
        %dma_start3A = arith.constant 0 : i32
        %dma_start3A_70 = tpu.memref_slice %arg4[%add3A, %dma_start3A] : memref<8x8192xf32, #tpu.memory_space<hbm>> -> memref<1x8192xf32, #tpu.memory_space<hbm>>
        %dma_start3A_71 = tpu.memref_squeeze %dma_start3A_70 : memref<1x8192xf32, #tpu.memory_space<hbm>> -> memref<8192xf32, #tpu.memory_space<hbm>>
        %dma_start3A_72 = arith.constant 0 : i32
        %dma_start3A_73 = tpu.memref_slice %arg4[%add3A, %dma_start3A_72] : memref<8x8192xf32, #tpu.memory_space<hbm>> -> memref<1x8192xf32, #tpu.memory_space<hbm>>
        %dma_start3A_74 = tpu.memref_squeeze %dma_start3A_73 : memref<1x8192xf32, #tpu.memory_space<hbm>> -> memref<8192xf32, #tpu.memory_space<hbm>>
        tpu.enqueue_dma source(%dma_start3A_74 : memref<8192xf32, #tpu.memory_space<hbm>>) target(%arg7 : memref<8192xf32, #tpu.memory_space<vmem>>) target_semaphore(%run_scoped3A_69 : memref<!tpu.dma_semaphore, #tpu.memory_space<semaphore_mem>>)
        %dma_wait3A = arith.constant 0 : i32
        %dma_wait3A_75 = tpu.memref_slice %arg4[%add3A, %dma_wait3A] : memref<8x8192xf32, #tpu.memory_space<hbm>> -> memref<1x8192xf32, #tpu.memory_space<hbm>>
        %dma_wait3A_76 = tpu.memref_squeeze %dma_wait3A_75 : memref<1x8192xf32, #tpu.memory_space<hbm>> -> memref<8192xf32, #tpu.memory_space<hbm>>
        %dma_wait3A_77 = arith.constant 0 : i32
        %dma_wait3A_78 = tpu.memref_slice %arg4[%add3A, %dma_wait3A_77] : memref<8x8192xf32, #tpu.memory_space<hbm>> -> memref<1x8192xf32, #tpu.memory_space<hbm>>
        %dma_wait3A_79 = tpu.memref_squeeze %dma_wait3A_78 : memref<1x8192xf32, #tpu.memory_space<hbm>> -> memref<8192xf32, #tpu.memory_space<hbm>>
        tpu.wait_dma2 semaphore(%run_scoped3A_69 : memref<!tpu.dma_semaphore, #tpu.memory_space<semaphore_mem>>) src(%dma_wait3A_79 : memref<8192xf32, #tpu.memory_space<hbm>>) dst(%arg7 : memref<8192xf32, #tpu.memory_space<vmem>>)
        tpu.yield
      }) : () -> ()
      "tpu.region"() ({
        %run_scoped3A_69 = tpu.sem_alloc : memref<!tpu.dma_semaphore, #tpu.memory_space<semaphore_mem>>
        %dma_start3A = arith.constant 0 : i32
        %dma_start3A_70 = tpu.memref_slice %arg3[%add3A, %dma_start3A] : memref<8x8192xi32, #tpu.memory_space<hbm>> -> memref<1x8192xi32, #tpu.memory_space<hbm>>
        %dma_start3A_71 = tpu.memref_squeeze %dma_start3A_70 : memref<1x8192xi32, #tpu.memory_space<hbm>> -> memref<8192xi32, #tpu.memory_space<hbm>>
        %dma_start3A_72 = arith.constant 0 : i32
        %dma_start3A_73 = tpu.memref_slice %arg3[%add3A, %dma_start3A_72] : memref<8x8192xi32, #tpu.memory_space<hbm>> -> memref<1x8192xi32, #tpu.memory_space<hbm>>
        %dma_start3A_74 = tpu.memref_squeeze %dma_start3A_73 : memref<1x8192xi32, #tpu.memory_space<hbm>> -> memref<8192xi32, #tpu.memory_space<hbm>>
        tpu.enqueue_dma source(%dma_start3A_74 : memref<8192xi32, #tpu.memory_space<hbm>>) target(%arg8 : memref<8192xi32, #tpu.memory_space<vmem>>) target_semaphore(%run_scoped3A_69 : memref<!tpu.dma_semaphore, #tpu.memory_space<semaphore_mem>>)
        %dma_wait3A = arith.constant 0 : i32
        %dma_wait3A_75 = tpu.memref_slice %arg3[%add3A, %dma_wait3A] : memref<8x8192xi32, #tpu.memory_space<hbm>> -> memref<1x8192xi32, #tpu.memory_space<hbm>>
        %dma_wait3A_76 = tpu.memref_squeeze %dma_wait3A_75 : memref<1x8192xi32, #tpu.memory_space<hbm>> -> memref<8192xi32, #tpu.memory_space<hbm>>
        %dma_wait3A_77 = arith.constant 0 : i32
        %dma_wait3A_78 = tpu.memref_slice %arg3[%add3A, %dma_wait3A_77] : memref<8x8192xi32, #tpu.memory_space<hbm>> -> memref<1x8192xi32, #tpu.memory_space<hbm>>
        %dma_wait3A_79 = tpu.memref_squeeze %dma_wait3A_78 : memref<1x8192xi32, #tpu.memory_space<hbm>> -> memref<8192xi32, #tpu.memory_space<hbm>>
        tpu.wait_dma2 semaphore(%run_scoped3A_69 : memref<!tpu.dma_semaphore, #tpu.memory_space<semaphore_mem>>) src(%dma_wait3A_79 : memref<8192xi32, #tpu.memory_space<hbm>>) dst(%arg8 : memref<8192xi32, #tpu.memory_space<vmem>>)
        tpu.yield
      }) : () -> ()
      %scan3A_35 = arith.constant 0 : i32
      %scan3A_36 = arith.constant 0 : i32
      %scan3A_37 = arith.constant 64 : i32
      %scan3A_38 = arith.addi %scan3A_36, %scan3A_37 : i32
      %scan3A_39 = arith.constant 1 : i32
      scf.for %scan3A_69 = %scan3A_36 to %scan3A_38 step %scan3A_39  : i32 {
        %swap3A = arith.index_cast %scan3A_69 : i32 to index
        %swap3A_70 = arith.constant 0 : index
        %swap3A_71 = tpu.vector_load %arg11[%swap3A, %swap3A_70] {strides = array<i32>} : memref<64x1024xf32, #tpu.memory_space<vmem>>, vector<16xf32>,
        tpu.vector_store %arg11[%swap3A, %swap3A_70], %broadcast_in_dim3A_3 {strides = array<i32>} : memref<64x1024xf32, #tpu.memory_space<vmem>>, vector<16xf32>,
        %swap3A_72 = arith.index_cast %scan3A_69 : i32 to index
        %swap3A_73 = arith.constant 16 : index
        %swap3A_74 = tpu.vector_load %arg11[%swap3A_72, %swap3A_73] {strides = array<i32>} : memref<64x1024xf32, #tpu.memory_space<vmem>>, vector<16xf32>,
        tpu.vector_store %arg11[%swap3A_72, %swap3A_73], %broadcast_in_dim3A_3 {strides = array<i32>} : memref<64x1024xf32, #tpu.memory_space<vmem>>, vector<16xf32>,
        %swap3A_75 = arith.index_cast %scan3A_69 : i32 to index
        %swap3A_76 = arith.constant 32 : index
        %swap3A_77 = tpu.vector_load %arg11[%swap3A_75, %swap3A_76] {strides = array<i32>} : memref<64x1024xf32, #tpu.memory_space<vmem>>, vector<16xf32>,
        tpu.vector_store %arg11[%swap3A_75, %swap3A_76], %broadcast_in_dim3A_3 {strides = array<i32>} : memref<64x1024xf32, #tpu.memory_space<vmem>>, vector<16xf32>,
        %swap3A_78 = arith.index_cast %scan3A_69 : i32 to index
        %swap3A_79 = arith.constant 48 : index
        %swap3A_80 = tpu.vector_load %arg11[%swap3A_78, %swap3A_79] {strides = array<i32>} : memref<64x1024xf32, #tpu.memory_space<vmem>>, vector<16xf32>,
        tpu.vector_store %arg11[%swap3A_78, %swap3A_79], %broadcast_in_dim3A_3 {strides = array<i32>} : memref<64x1024xf32, #tpu.memory_space<vmem>>, vector<16xf32>,
        %swap3A_81 = arith.index_cast %scan3A_69 : i32 to index
        %swap3A_82 = arith.constant 64 : index
        %swap3A_83 = tpu.vector_load %arg11[%swap3A_81, %swap3A_82] {strides = array<i32>} : memref<64x1024xf32, #tpu.memory_space<vmem>>, vector<16xf32>,
        tpu.vector_store %arg11[%swap3A_81, %swap3A_82], %broadcast_in_dim3A_3 {strides = array<i32>} : memref<64x1024xf32, #tpu.memory_space<vmem>>, vector<16xf32>,
        %swap3A_84 = arith.index_cast %scan3A_69 : i32 to index
        %swap3A_85 = arith.constant 80 : index
        %swap3A_86 = tpu.vector_load %arg11[%swap3A_84, %swap3A_85] {strides = array<i32>} : memref<64x1024xf32, #tpu.memory_space<vmem>>, vector<16xf32>,
        tpu.vector_store %arg11[%swap3A_84, %swap3A_85], %broadcast_in_dim3A_3 {strides = array<i32>} : memref<64x1024xf32, #tpu.memory_space<vmem>>, vector<16xf32>,
        %swap3A_87 = arith.index_cast %scan3A_69 : i32 to index
        %swap3A_88 = arith.constant 96 : index
        %swap3A_89 = tpu.vector_load %arg11[%swap3A_87, %swap3A_88] {strides = array<i32>} : memref<64x1024xf32, #tpu.memory_space<vmem>>, vector<16xf32>,
        tpu.vector_store %arg11[%swap3A_87, %swap3A_88], %broadcast_in_dim3A_3 {strides = array<i32>} : memref<64x1024xf32, #tpu.memory_space<vmem>>, vector<16xf32>,
        %swap3A_90 = arith.index_cast %scan3A_69 : i32 to index
        %swap3A_91 = arith.constant 112 : index
        %swap3A_92 = tpu.vector_load %arg11[%swap3A_90, %swap3A_91] {strides = array<i32>} : memref<64x1024xf32, #tpu.memory_space<vmem>>, vector<16xf32>,
        tpu.vector_store %arg11[%swap3A_90, %swap3A_91], %broadcast_in_dim3A_3 {strides = array<i32>} : memref<64x1024xf32, #tpu.memory_space<vmem>>, vector<16xf32>,
        %swap3A_93 = arith.index_cast %scan3A_69 : i32 to index
        %swap3A_94 = arith.constant 128 : index
        %swap3A_95 = tpu.vector_load %arg11[%swap3A_93, %swap3A_94] {strides = array<i32>} : memref<64x1024xf32, #tpu.memory_space<vmem>>, vector<16xf32>,
        tpu.vector_store %arg11[%swap3A_93, %swap3A_94], %broadcast_in_dim3A_3 {strides = array<i32>} : memref<64x1024xf32, #tpu.memory_space<vmem>>, vector<16xf32>,
        %swap3A_96 = arith.index_cast %scan3A_69 : i32 to index
        %swap3A_97 = arith.constant 144 : index
        %swap3A_98 = tpu.vector_load %arg11[%swap3A_96, %swap3A_97] {strides = array<i32>} : memref<64x1024xf32, #tpu.memory_space<vmem>>, vector<16xf32>,
        tpu.vector_store %arg11[%swap3A_96, %swap3A_97], %broadcast_in_dim3A_3 {strides = array<i32>} : memref<64x1024xf32, #tpu.memory_space<vmem>>, vector<16xf32>,
        %swap3A_99 = arith.index_cast %scan3A_69 : i32 to index
        %swap3A_100 = arith.constant 160 : index
        %swap3A_101 = tpu.vector_load %arg11[%swap3A_99, %swap3A_100] {strides = array<i32>} : memref<64x1024xf32, #tpu.memory_space<vmem>>, vector<16xf32>,
        tpu.vector_store %arg11[%swap3A_99, %swap3A_100], %broadcast_in_dim3A_3 {strides = array<i32>} : memref<64x1024xf32, #tpu.memory_space<vmem>>, vector<16xf32>,
        %swap3A_102 = arith.index_cast %scan3A_69 : i32 to index
        %swap3A_103 = arith.constant 176 : index
        %swap3A_104 = tpu.vector_load %arg11[%swap3A_102, %swap3A_103] {strides = array<i32>} : memref<64x1024xf32, #tpu.memory_space<vmem>>, vector<16xf32>,
        tpu.vector_store %arg11[%swap3A_102, %swap3A_103], %broadcast_in_dim3A_3 {strides = array<i32>} : memref<64x1024xf32, #tpu.memory_space<vmem>>, vector<16xf32>,
        %swap3A_105 = arith.index_cast %scan3A_69 : i32 to index
        %swap3A_106 = arith.constant 192 : index
        %swap3A_107 = tpu.vector_load %arg11[%swap3A_105, %swap3A_106] {strides = array<i32>} : memref<64x1024xf32, #tpu.memory_space<vmem>>, vector<16xf32>,
        tpu.vector_store %arg11[%swap3A_105, %swap3A_106], %broadcast_in_dim3A_3 {strides = array<i32>} : memref<64x1024xf32, #tpu.memory_space<vmem>>, vector<16xf32>,
        %swap3A_108 = arith.index_cast %scan3A_69 : i32 to index
        %swap3A_109 = arith.constant 208 : index
        %swap3A_110 = tpu.vector_load %arg11[%swap3A_108, %swap3A_109] {strides = array<i32>} : memref<64x1024xf32, #tpu.memory_space<vmem>>, vector<16xf32>,
        tpu.vector_store %arg11[%swap3A_108, %swap3A_109], %broadcast_in_dim3A_3 {strides = array<i32>} : memref<64x1024xf32, #tpu.memory_space<vmem>>, vector<16xf32>,
        %swap3A_111 = arith.index_cast %scan3A_69 : i32 to index
        %swap3A_112 = arith.constant 224 : index
        %swap3A_113 = tpu.vector_load %arg11[%swap3A_111, %swap3A_112] {strides = array<i32>} : memref<64x1024xf32, #tpu.memory_space<vmem>>, vector<16xf32>,
        tpu.vector_store %arg11[%swap3A_111, %swap3A_112], %broadcast_in_dim3A_3 {strides = array<i32>} : memref<64x1024xf32, #tpu.memory_space<vmem>>, vector<16xf32>,
        %swap3A_114 = arith.index_cast %scan3A_69 : i32 to index
        %swap3A_115 = arith.constant 240 : index
        %swap3A_116 = tpu.vector_load %arg11[%swap3A_114, %swap3A_115] {strides = array<i32>} : memref<64x1024xf32, #tpu.memory_space<vmem>>, vector<16xf32>,
        tpu.vector_store %arg11[%swap3A_114, %swap3A_115], %broadcast_in_dim3A_3 {strides = array<i32>} : memref<64x1024xf32, #tpu.memory_space<vmem>>, vector<16xf32>,
        %swap3A_117 = arith.index_cast %scan3A_69 : i32 to index
        %swap3A_118 = arith.constant 256 : index
        %swap3A_119 = tpu.vector_load %arg11[%swap3A_117, %swap3A_118] {strides = array<i32>} : memref<64x1024xf32, #tpu.memory_space<vmem>>, vector<16xf32>,
        tpu.vector_store %arg11[%swap3A_117, %swap3A_118], %broadcast_in_dim3A_3 {strides = array<i32>} : memref<64x1024xf32, #tpu.memory_space<vmem>>, vector<16xf32>,
        %swap3A_120 = arith.index_cast %scan3A_69 : i32 to index
        %swap3A_121 = arith.constant 272 : index
        %swap3A_122 = tpu.vector_load %arg11[%swap3A_120, %swap3A_121] {strides = array<i32>} : memref<64x1024xf32, #tpu.memory_space<vmem>>, vector<16xf32>,
        tpu.vector_store %arg11[%swap3A_120, %swap3A_121], %broadcast_in_dim3A_3 {strides = array<i32>} : memref<64x1024xf32, #tpu.memory_space<vmem>>, vector<16xf32>,
        %swap3A_123 = arith.index_cast %scan3A_69 : i32 to index
        %swap3A_124 = arith.constant 288 : index
        %swap3A_125 = tpu.vector_load %arg11[%swap3A_123, %swap3A_124] {strides = array<i32>} : memref<64x1024xf32, #tpu.memory_space<vmem>>, vector<16xf32>,
        tpu.vector_store %arg11[%swap3A_123, %swap3A_124], %broadcast_in_dim3A_3 {strides = array<i32>} : memref<64x1024xf32, #tpu.memory_space<vmem>>, vector<16xf32>,
        %swap3A_126 = arith.index_cast %scan3A_69 : i32 to index
        %swap3A_127 = arith.constant 304 : index
        %swap3A_128 = tpu.vector_load %arg11[%swap3A_126, %swap3A_127] {strides = array<i32>} : memref<64x1024xf32, #tpu.memory_space<vmem>>, vector<16xf32>,
        tpu.vector_store %arg11[%swap3A_126, %swap3A_127], %broadcast_in_dim3A_3 {strides = array<i32>} : memref<64x1024xf32, #tpu.memory_space<vmem>>, vector<16xf32>,
        %swap3A_129 = arith.index_cast %scan3A_69 : i32 to index
        %swap3A_130 = arith.constant 320 : index
        %swap3A_131 = tpu.vector_load %arg11[%swap3A_129, %swap3A_130] {strides = array<i32>} : memref<64x1024xf32, #tpu.memory_space<vmem>>, vector<16xf32>,
        tpu.vector_store %arg11[%swap3A_129, %swap3A_130], %broadcast_in_dim3A_3 {strides = array<i32>} : memref<64x1024xf32, #tpu.memory_space<vmem>>, vector<16xf32>,
        %swap3A_132 = arith.index_cast %scan3A_69 : i32 to index
        %swap3A_133 = arith.constant 336 : index
        %swap3A_134 = tpu.vector_load %arg11[%swap3A_132, %swap3A_133] {strides = array<i32>} : memref<64x1024xf32, #tpu.memory_space<vmem>>, vector<16xf32>,
        tpu.vector_store %arg11[%swap3A_132, %swap3A_133], %broadcast_in_dim3A_3 {strides = array<i32>} : memref<64x1024xf32, #tpu.memory_space<vmem>>, vector<16xf32>,
        %swap3A_135 = arith.index_cast %scan3A_69 : i32 to index
        %swap3A_136 = arith.constant 352 : index
        %swap3A_137 = tpu.vector_load %arg11[%swap3A_135, %swap3A_136] {strides = array<i32>} : memref<64x1024xf32, #tpu.memory_space<vmem>>, vector<16xf32>,
        tpu.vector_store %arg11[%swap3A_135, %swap3A_136], %broadcast_in_dim3A_3 {strides = array<i32>} : memref<64x1024xf32, #tpu.memory_space<vmem>>, vector<16xf32>,
        %swap3A_138 = arith.index_cast %scan3A_69 : i32 to index
        %swap3A_139 = arith.constant 368 : index
        %swap3A_140 = tpu.vector_load %arg11[%swap3A_138, %swap3A_139] {strides = array<i32>} : memref<64x1024xf32, #tpu.memory_space<vmem>>, vector<16xf32>,
        tpu.vector_store %arg11[%swap3A_138, %swap3A_139], %broadcast_in_dim3A_3 {strides = array<i32>} : memref<64x1024xf32, #tpu.memory_space<vmem>>, vector<16xf32>,
        %swap3A_141 = arith.index_cast %scan3A_69 : i32 to index
        %swap3A_142 = arith.constant 384 : index
        %swap3A_143 = tpu.vector_load %arg11[%swap3A_141, %swap3A_142] {strides = array<i32>} : memref<64x1024xf32, #tpu.memory_space<vmem>>, vector<16xf32>,
        tpu.vector_store %arg11[%swap3A_141, %swap3A_142], %broadcast_in_dim3A_3 {strides = array<i32>} : memref<64x1024xf32, #tpu.memory_space<vmem>>, vector<16xf32>,
        %swap3A_144 = arith.index_cast %scan3A_69 : i32 to index
        %swap3A_145 = arith.constant 400 : index
        %swap3A_146 = tpu.vector_load %arg11[%swap3A_144, %swap3A_145] {strides = array<i32>} : memref<64x1024xf32, #tpu.memory_space<vmem>>, vector<16xf32>,
        tpu.vector_store %arg11[%swap3A_144, %swap3A_145], %broadcast_in_dim3A_3 {strides = array<i32>} : memref<64x1024xf32, #tpu.memory_space<vmem>>, vector<16xf32>,
        %swap3A_147 = arith.index_cast %scan3A_69 : i32 to index
        %swap3A_148 = arith.constant 416 : index
        %swap3A_149 = tpu.vector_load %arg11[%swap3A_147, %swap3A_148] {strides = array<i32>} : memref<64x1024xf32, #tpu.memory_space<vmem>>, vector<16xf32>,
        tpu.vector_store %arg11[%swap3A_147, %swap3A_148], %broadcast_in_dim3A_3 {strides = array<i32>} : memref<64x1024xf32, #tpu.memory_space<vmem>>, vector<16xf32>,
        %swap3A_150 = arith.index_cast %scan3A_69 : i32 to index
        %swap3A_151 = arith.constant 432 : index
        %swap3A_152 = tpu.vector_load %arg11[%swap3A_150, %swap3A_151] {strides = array<i32>} : memref<64x1024xf32, #tpu.memory_space<vmem>>, vector<16xf32>,
        tpu.vector_store %arg11[%swap3A_150, %swap3A_151], %broadcast_in_dim3A_3 {strides = array<i32>} : memref<64x1024xf32, #tpu.memory_space<vmem>>, vector<16xf32>,
        %swap3A_153 = arith.index_cast %scan3A_69 : i32 to index
        %swap3A_154 = arith.constant 448 : index
        %swap3A_155 = tpu.vector_load %arg11[%swap3A_153, %swap3A_154] {strides = array<i32>} : memref<64x1024xf32, #tpu.memory_space<vmem>>, vector<16xf32>,
        tpu.vector_store %arg11[%swap3A_153, %swap3A_154], %broadcast_in_dim3A_3 {strides = array<i32>} : memref<64x1024xf32, #tpu.memory_space<vmem>>, vector<16xf32>,
        %swap3A_156 = arith.index_cast %scan3A_69 : i32 to index
        %swap3A_157 = arith.constant 464 : index
        %swap3A_158 = tpu.vector_load %arg11[%swap3A_156, %swap3A_157] {strides = array<i32>} : memref<64x1024xf32, #tpu.memory_space<vmem>>, vector<16xf32>,
        tpu.vector_store %arg11[%swap3A_156, %swap3A_157], %broadcast_in_dim3A_3 {strides = array<i32>} : memref<64x1024xf32, #tpu.memory_space<vmem>>, vector<16xf32>,
        %swap3A_159 = arith.index_cast %scan3A_69 : i32 to index
        %swap3A_160 = arith.constant 480 : index
        %swap3A_161 = tpu.vector_load %arg11[%swap3A_159, %swap3A_160] {strides = array<i32>} : memref<64x1024xf32, #tpu.memory_space<vmem>>, vector<16xf32>,
        tpu.vector_store %arg11[%swap3A_159, %swap3A_160], %broadcast_in_dim3A_3 {strides = array<i32>} : memref<64x1024xf32, #tpu.memory_space<vmem>>, vector<16xf32>,
        %swap3A_162 = arith.index_cast %scan3A_69 : i32 to index
        %swap3A_163 = arith.constant 496 : index
        %swap3A_164 = tpu.vector_load %arg11[%swap3A_162, %swap3A_163] {strides = array<i32>} : memref<64x1024xf32, #tpu.memory_space<vmem>>, vector<16xf32>,
        tpu.vector_store %arg11[%swap3A_162, %swap3A_163], %broadcast_in_dim3A_3 {strides = array<i32>} : memref<64x1024xf32, #tpu.memory_space<vmem>>, vector<16xf32>,
        %swap3A_165 = arith.index_cast %scan3A_69 : i32 to index
        %swap3A_166 = arith.constant 512 : index
        %swap3A_167 = tpu.vector_load %arg11[%swap3A_165, %swap3A_166] {strides = array<i32>} : memref<64x1024xf32, #tpu.memory_space<vmem>>, vector<16xf32>,
        tpu.vector_store %arg11[%swap3A_165, %swap3A_166], %broadcast_in_dim3A_3 {strides = array<i32>} : memref<64x1024xf32, #tpu.memory_space<vmem>>, vector<16xf32>,
        %swap3A_168 = arith.index_cast %scan3A_69 : i32 to index
        %swap3A_169 = arith.constant 528 : index
        %swap3A_170 = tpu.vector_load %arg11[%swap3A_168, %swap3A_169] {strides = array<i32>} : memref<64x1024xf32, #tpu.memory_space<vmem>>, vector<16xf32>,
        tpu.vector_store %arg11[%swap3A_168, %swap3A_169], %broadcast_in_dim3A_3 {strides = array<i32>} : memref<64x1024xf32, #tpu.memory_space<vmem>>, vector<16xf32>,
        %swap3A_171 = arith.index_cast %scan3A_69 : i32 to index
        %swap3A_172 = arith.constant 544 : index
        %swap3A_173 = tpu.vector_load %arg11[%swap3A_171, %swap3A_172] {strides = array<i32>} : memref<64x1024xf32, #tpu.memory_space<vmem>>, vector<16xf32>,
        tpu.vector_store %arg11[%swap3A_171, %swap3A_172], %broadcast_in_dim3A_3 {strides = array<i32>} : memref<64x1024xf32, #tpu.memory_space<vmem>>, vector<16xf32>,
        %swap3A_174 = arith.index_cast %scan3A_69 : i32 to index
        %swap3A_175 = arith.constant 560 : index
        %swap3A_176 = tpu.vector_load %arg11[%swap3A_174, %swap3A_175] {strides = array<i32>} : memref<64x1024xf32, #tpu.memory_space<vmem>>, vector<16xf32>,
        tpu.vector_store %arg11[%swap3A_174, %swap3A_175], %broadcast_in_dim3A_3 {strides = array<i32>} : memref<64x1024xf32, #tpu.memory_space<vmem>>, vector<16xf32>,
        %swap3A_177 = arith.index_cast %scan3A_69 : i32 to index
        %swap3A_178 = arith.constant 576 : index
        %swap3A_179 = tpu.vector_load %arg11[%swap3A_177, %swap3A_178] {strides = array<i32>} : memref<64x1024xf32, #tpu.memory_space<vmem>>, vector<16xf32>,
        tpu.vector_store %arg11[%swap3A_177, %swap3A_178], %broadcast_in_dim3A_3 {strides = array<i32>} : memref<64x1024xf32, #tpu.memory_space<vmem>>, vector<16xf32>,
        %swap3A_180 = arith.index_cast %scan3A_69 : i32 to index
        %swap3A_181 = arith.constant 592 : index
        %swap3A_182 = tpu.vector_load %arg11[%swap3A_180, %swap3A_181] {strides = array<i32>} : memref<64x1024xf32, #tpu.memory_space<vmem>>, vector<16xf32>,
        tpu.vector_store %arg11[%swap3A_180, %swap3A_181], %broadcast_in_dim3A_3 {strides = array<i32>} : memref<64x1024xf32, #tpu.memory_space<vmem>>, vector<16xf32>,
        %swap3A_183 = arith.index_cast %scan3A_69 : i32 to index
        %swap3A_184 = arith.constant 608 : index
        %swap3A_185 = tpu.vector_load %arg11[%swap3A_183, %swap3A_184] {strides = array<i32>} : memref<64x1024xf32, #tpu.memory_space<vmem>>, vector<16xf32>,
        tpu.vector_store %arg11[%swap3A_183, %swap3A_184], %broadcast_in_dim3A_3 {strides = array<i32>} : memref<64x1024xf32, #tpu.memory_space<vmem>>, vector<16xf32>,
        %swap3A_186 = arith.index_cast %scan3A_69 : i32 to index
        %swap3A_187 = arith.constant 624 : index
        %swap3A_188 = tpu.vector_load %arg11[%swap3A_186, %swap3A_187] {strides = array<i32>} : memref<64x1024xf32, #tpu.memory_space<vmem>>, vector<16xf32>,
        tpu.vector_store %arg11[%swap3A_186, %swap3A_187], %broadcast_in_dim3A_3 {strides = array<i32>} : memref<64x1024xf32, #tpu.memory_space<vmem>>, vector<16xf32>,
        %swap3A_189 = arith.index_cast %scan3A_69 : i32 to index
        %swap3A_190 = arith.constant 640 : index
        %swap3A_191 = tpu.vector_load %arg11[%swap3A_189, %swap3A_190] {strides = array<i32>} : memref<64x1024xf32, #tpu.memory_space<vmem>>, vector<16xf32>,
        tpu.vector_store %arg11[%swap3A_189, %swap3A_190], %broadcast_in_dim3A_3 {strides = array<i32>} : memref<64x1024xf32, #tpu.memory_space<vmem>>, vector<16xf32>,
        %swap3A_192 = arith.index_cast %scan3A_69 : i32 to index
        %swap3A_193 = arith.constant 656 : index
        %swap3A_194 = tpu.vector_load %arg11[%swap3A_192, %swap3A_193] {strides = array<i32>} : memref<64x1024xf32, #tpu.memory_space<vmem>>, vector<16xf32>,
        tpu.vector_store %arg11[%swap3A_192, %swap3A_193], %broadcast_in_dim3A_3 {strides = array<i32>} : memref<64x1024xf32, #tpu.memory_space<vmem>>, vector<16xf32>,
        %swap3A_195 = arith.index_cast %scan3A_69 : i32 to index
        %swap3A_196 = arith.constant 672 : index
        %swap3A_197 = tpu.vector_load %arg11[%swap3A_195, %swap3A_196] {strides = array<i32>} : memref<64x1024xf32, #tpu.memory_space<vmem>>, vector<16xf32>,
        tpu.vector_store %arg11[%swap3A_195, %swap3A_196], %broadcast_in_dim3A_3 {strides = array<i32>} : memref<64x1024xf32, #tpu.memory_space<vmem>>, vector<16xf32>,
        %swap3A_198 = arith.index_cast %scan3A_69 : i32 to index
        %swap3A_199 = arith.constant 688 : index
        %swap3A_200 = tpu.vector_load %arg11[%swap3A_198, %swap3A_199] {strides = array<i32>} : memref<64x1024xf32, #tpu.memory_space<vmem>>, vector<16xf32>,
        tpu.vector_store %arg11[%swap3A_198, %swap3A_199], %broadcast_in_dim3A_3 {strides = array<i32>} : memref<64x1024xf32, #tpu.memory_space<vmem>>, vector<16xf32>,
        %swap3A_201 = arith.index_cast %scan3A_69 : i32 to index
        %swap3A_202 = arith.constant 704 : index
        %swap3A_203 = tpu.vector_load %arg11[%swap3A_201, %swap3A_202] {strides = array<i32>} : memref<64x1024xf32, #tpu.memory_space<vmem>>, vector<16xf32>,
        tpu.vector_store %arg11[%swap3A_201, %swap3A_202], %broadcast_in_dim3A_3 {strides = array<i32>} : memref<64x1024xf32, #tpu.memory_space<vmem>>, vector<16xf32>,
        %swap3A_204 = arith.index_cast %scan3A_69 : i32 to index
        %swap3A_205 = arith.constant 720 : index
        %swap3A_206 = tpu.vector_load %arg11[%swap3A_204, %swap3A_205] {strides = array<i32>} : memref<64x1024xf32, #tpu.memory_space<vmem>>, vector<16xf32>,
        tpu.vector_store %arg11[%swap3A_204, %swap3A_205], %broadcast_in_dim3A_3 {strides = array<i32>} : memref<64x1024xf32, #tpu.memory_space<vmem>>, vector<16xf32>,
        %swap3A_207 = arith.index_cast %scan3A_69 : i32 to index
        %swap3A_208 = arith.constant 736 : index
        %swap3A_209 = tpu.vector_load %arg11[%swap3A_207, %swap3A_208] {strides = array<i32>} : memref<64x1024xf32, #tpu.memory_space<vmem>>, vector<16xf32>,
        tpu.vector_store %arg11[%swap3A_207, %swap3A_208], %broadcast_in_dim3A_3 {strides = array<i32>} : memref<64x1024xf32, #tpu.memory_space<vmem>>, vector<16xf32>,
        %swap3A_210 = arith.index_cast %scan3A_69 : i32 to index
        %swap3A_211 = arith.constant 752 : index
        %swap3A_212 = tpu.vector_load %arg11[%swap3A_210, %swap3A_211] {strides = array<i32>} : memref<64x1024xf32, #tpu.memory_space<vmem>>, vector<16xf32>,
        tpu.vector_store %arg11[%swap3A_210, %swap3A_211], %broadcast_in_dim3A_3 {strides = array<i32>} : memref<64x1024xf32, #tpu.memory_space<vmem>>, vector<16xf32>,
        %swap3A_213 = arith.index_cast %scan3A_69 : i32 to index
        %swap3A_214 = arith.constant 768 : index
        %swap3A_215 = tpu.vector_load %arg11[%swap3A_213, %swap3A_214] {strides = array<i32>} : memref<64x1024xf32, #tpu.memory_space<vmem>>, vector<16xf32>,
        tpu.vector_store %arg11[%swap3A_213, %swap3A_214], %broadcast_in_dim3A_3 {strides = array<i32>} : memref<64x1024xf32, #tpu.memory_space<vmem>>, vector<16xf32>,
        %swap3A_216 = arith.index_cast %scan3A_69 : i32 to index
        %swap3A_217 = arith.constant 784 : index
        %swap3A_218 = tpu.vector_load %arg11[%swap3A_216, %swap3A_217] {strides = array<i32>} : memref<64x1024xf32, #tpu.memory_space<vmem>>, vector<16xf32>,
        tpu.vector_store %arg11[%swap3A_216, %swap3A_217], %broadcast_in_dim3A_3 {strides = array<i32>} : memref<64x1024xf32, #tpu.memory_space<vmem>>, vector<16xf32>,
        %swap3A_219 = arith.index_cast %scan3A_69 : i32 to index
        %swap3A_220 = arith.constant 800 : index
        %swap3A_221 = tpu.vector_load %arg11[%swap3A_219, %swap3A_220] {strides = array<i32>} : memref<64x1024xf32, #tpu.memory_space<vmem>>, vector<16xf32>,
        tpu.vector_store %arg11[%swap3A_219, %swap3A_220], %broadcast_in_dim3A_3 {strides = array<i32>} : memref<64x1024xf32, #tpu.memory_space<vmem>>, vector<16xf32>,
        %swap3A_222 = arith.index_cast %scan3A_69 : i32 to index
        %swap3A_223 = arith.constant 816 : index
        %swap3A_224 = tpu.vector_load %arg11[%swap3A_222, %swap3A_223] {strides = array<i32>} : memref<64x1024xf32, #tpu.memory_space<vmem>>, vector<16xf32>,
        tpu.vector_store %arg11[%swap3A_222, %swap3A_223], %broadcast_in_dim3A_3 {strides = array<i32>} : memref<64x1024xf32, #tpu.memory_space<vmem>>, vector<16xf32>,
        %swap3A_225 = arith.index_cast %scan3A_69 : i32 to index
        %swap3A_226 = arith.constant 832 : index
        %swap3A_227 = tpu.vector_load %arg11[%swap3A_225, %swap3A_226] {strides = array<i32>} : memref<64x1024xf32, #tpu.memory_space<vmem>>, vector<16xf32>,
        tpu.vector_store %arg11[%swap3A_225, %swap3A_226], %broadcast_in_dim3A_3 {strides = array<i32>} : memref<64x1024xf32, #tpu.memory_space<vmem>>, vector<16xf32>,
        %swap3A_228 = arith.index_cast %scan3A_69 : i32 to index
        %swap3A_229 = arith.constant 848 : index
        %swap3A_230 = tpu.vector_load %arg11[%swap3A_228, %swap3A_229] {strides = array<i32>} : memref<64x1024xf32, #tpu.memory_space<vmem>>, vector<16xf32>,
        tpu.vector_store %arg11[%swap3A_228, %swap3A_229], %broadcast_in_dim3A_3 {strides = array<i32>} : memref<64x1024xf32, #tpu.memory_space<vmem>>, vector<16xf32>,
        %swap3A_231 = arith.index_cast %scan3A_69 : i32 to index
        %swap3A_232 = arith.constant 864 : index
        %swap3A_233 = tpu.vector_load %arg11[%swap3A_231, %swap3A_232] {strides = array<i32>} : memref<64x1024xf32, #tpu.memory_space<vmem>>, vector<16xf32>,
        tpu.vector_store %arg11[%swap3A_231, %swap3A_232], %broadcast_in_dim3A_3 {strides = array<i32>} : memref<64x1024xf32, #tpu.memory_space<vmem>>, vector<16xf32>,
        %swap3A_234 = arith.index_cast %scan3A_69 : i32 to index
        %swap3A_235 = arith.constant 880 : index
        %swap3A_236 = tpu.vector_load %arg11[%swap3A_234, %swap3A_235] {strides = array<i32>} : memref<64x1024xf32, #tpu.memory_space<vmem>>, vector<16xf32>,
        tpu.vector_store %arg11[%swap3A_234, %swap3A_235], %broadcast_in_dim3A_3 {strides = array<i32>} : memref<64x1024xf32, #tpu.memory_space<vmem>>, vector<16xf32>,
        %swap3A_237 = arith.index_cast %scan3A_69 : i32 to index
        %swap3A_238 = arith.constant 896 : index
        %swap3A_239 = tpu.vector_load %arg11[%swap3A_237, %swap3A_238] {strides = array<i32>} : memref<64x1024xf32, #tpu.memory_space<vmem>>, vector<16xf32>,
        tpu.vector_store %arg11[%swap3A_237, %swap3A_238], %broadcast_in_dim3A_3 {strides = array<i32>} : memref<64x1024xf32, #tpu.memory_space<vmem>>, vector<16xf32>,
        %swap3A_240 = arith.index_cast %scan3A_69 : i32 to index
        %swap3A_241 = arith.constant 912 : index
        %swap3A_242 = tpu.vector_load %arg11[%swap3A_240, %swap3A_241] {strides = array<i32>} : memref<64x1024xf32, #tpu.memory_space<vmem>>, vector<16xf32>,
        tpu.vector_store %arg11[%swap3A_240, %swap3A_241], %broadcast_in_dim3A_3 {strides = array<i32>} : memref<64x1024xf32, #tpu.memory_space<vmem>>, vector<16xf32>,
        %swap3A_243 = arith.index_cast %scan3A_69 : i32 to index
        %swap3A_244 = arith.constant 928 : index
        %swap3A_245 = tpu.vector_load %arg11[%swap3A_243, %swap3A_244] {strides = array<i32>} : memref<64x1024xf32, #tpu.memory_space<vmem>>, vector<16xf32>,
        tpu.vector_store %arg11[%swap3A_243, %swap3A_244], %broadcast_in_dim3A_3 {strides = array<i32>} : memref<64x1024xf32, #tpu.memory_space<vmem>>, vector<16xf32>,
        %swap3A_246 = arith.index_cast %scan3A_69 : i32 to index
        %swap3A_247 = arith.constant 944 : index
        %swap3A_248 = tpu.vector_load %arg11[%swap3A_246, %swap3A_247] {strides = array<i32>} : memref<64x1024xf32, #tpu.memory_space<vmem>>, vector<16xf32>,
        tpu.vector_store %arg11[%swap3A_246, %swap3A_247], %broadcast_in_dim3A_3 {strides = array<i32>} : memref<64x1024xf32, #tpu.memory_space<vmem>>, vector<16xf32>,
        %swap3A_249 = arith.index_cast %scan3A_69 : i32 to index
        %swap3A_250 = arith.constant 960 : index
        %swap3A_251 = tpu.vector_load %arg11[%swap3A_249, %swap3A_250] {strides = array<i32>} : memref<64x1024xf32, #tpu.memory_space<vmem>>, vector<16xf32>,
        tpu.vector_store %arg11[%swap3A_249, %swap3A_250], %broadcast_in_dim3A_3 {strides = array<i32>} : memref<64x1024xf32, #tpu.memory_space<vmem>>, vector<16xf32>,
        %swap3A_252 = arith.index_cast %scan3A_69 : i32 to index
        %swap3A_253 = arith.constant 976 : index
        %swap3A_254 = tpu.vector_load %arg11[%swap3A_252, %swap3A_253] {strides = array<i32>} : memref<64x1024xf32, #tpu.memory_space<vmem>>, vector<16xf32>,
        tpu.vector_store %arg11[%swap3A_252, %swap3A_253], %broadcast_in_dim3A_3 {strides = array<i32>} : memref<64x1024xf32, #tpu.memory_space<vmem>>, vector<16xf32>,
        %swap3A_255 = arith.index_cast %scan3A_69 : i32 to index
        %swap3A_256 = arith.constant 992 : index
        %swap3A_257 = tpu.vector_load %arg11[%swap3A_255, %swap3A_256] {strides = array<i32>} : memref<64x1024xf32, #tpu.memory_space<vmem>>, vector<16xf32>,
        tpu.vector_store %arg11[%swap3A_255, %swap3A_256], %broadcast_in_dim3A_3 {strides = array<i32>} : memref<64x1024xf32, #tpu.memory_space<vmem>>, vector<16xf32>,
        %swap3A_258 = arith.index_cast %scan3A_69 : i32 to index
        %swap3A_259 = arith.constant 1008 : index
        %swap3A_260 = tpu.vector_load %arg11[%swap3A_258, %swap3A_259] {strides = array<i32>} : memref<64x1024xf32, #tpu.memory_space<vmem>>, vector<16xf32>,
        tpu.vector_store %arg11[%swap3A_258, %swap3A_259], %broadcast_in_dim3A_3 {strides = array<i32>} : memref<64x1024xf32, #tpu.memory_space<vmem>>, vector<16xf32>,
      }
      %scan3A_40 = arith.constant 64 : i32
      %scan3A_41 = arith.constant 0 : i32
      %scan3A_42 = arith.constant 512 : i32
      %scan3A_43 = arith.addi %scan3A_41, %scan3A_42 : i32
      %scan3A_44 = arith.constant 1 : i32
      %scan3A_45 = scf.for %scan3A_69 = %scan3A_41 to %scan3A_43 step %scan3A_44 iter_args(%scan3A_70 = %broadcast_in_dim3A_5) -> (vector<16xi32>)  : i32 {
        %mul3A_71 = arith.constant 16 : i32
        %mul3A_72 = arith.muli %scan3A_69, %mul3A_71 : i32
        %get3A = arith.index_cast %mul3A_72 : i32 to index
        %get3A_73 = tpu.vector_load %arg7[%get3A] {strides = array<i32>} : memref<8192xf32, #tpu.memory_space<vmem>>, vector<16xf32>,
        %mul3A_74 = arith.constant 16 : i32
        %mul3A_75 = arith.muli %scan3A_69, %mul3A_74 : i32
        %get3A_76 = arith.index_cast %mul3A_75 : i32 to index
        %get3A_77 = tpu.vector_load %arg6[%get3A_76] {strides = array<i32>} : memref<8192xf32, #tpu.memory_space<vmem>>, vector<16xf32>,
        %mul3A_78 = arith.constant 16 : i32
        %mul3A_79 = arith.muli %scan3A_69, %mul3A_78 : i32
        %get3A_80 = arith.index_cast %mul3A_79 : i32 to index
        %get3A_81 = tpu.vector_load %arg8[%get3A_80] {strides = array<i32>} : memref<8192xi32, #tpu.memory_space<vmem>>, vector<16xi32>,
        %sub3A_82 = vector.broadcast %mul3A_25 : i32 to vector<16xi32>
        %sub3A_83 = arith.subi %get3A_81, %sub3A_82 : vector<16xi32>
        %ge3A = arith.cmpf oge, %get3A_73, %get3A_77 : vector<16xf32>
        %gt3A = arith.constant 0.000000e+00 : f32
        %gt3A_84 = vector.broadcast %gt3A : f32 to vector<16xf32>
        %gt3A_85 = arith.cmpf ogt, %get3A_73, %gt3A_84 : vector<16xf32>
        %and3A = arith.andi %ge3A, %gt3A_85 : vector<16xi1>
        %ge3A_86 = arith.constant 0 : i32
        %ge3A_87 = vector.broadcast %ge3A_86 : i32 to vector<16xi32>
        %ge3A_88 = arith.cmpi sge, %sub3A_83, %ge3A_87 : vector<16xi32>
        %and3A_89 = arith.andi %and3A, %ge3A_88 : vector<16xi1>
        %broadcast_in_dim3A_90 = arith.constant 64 : i32
        %broadcast_in_dim3A_91 = vector.broadcast %broadcast_in_dim3A_90 : i32 to vector<16xi32>
        %lt3A = arith.cmpi slt, %sub3A_83, %broadcast_in_dim3A_91 : vector<16xi32>
        %and3A_92 = arith.andi %and3A_89, %lt3A : vector<16xi1>
        %convert_element_type3A = arith.extui %and3A_92 : vector<16xi1> to vector<16xi32>
        %broadcast_in_dim3A_93 = arith.constant true
        %broadcast_in_dim3A_94 = vector.broadcast %broadcast_in_dim3A_93 : i1 to vector<16xi1>
        %masked_cumsum3A = tpu.scan <sum>, %convert_element_type3A masked %broadcast_in_dim3A_94 : vector<16xi32>, vector<16xi1> -> vector<16xi32>
        %add3A_95 = arith.addi %scan3A_70, %masked_cumsum3A : vector<16xi32>
        %sub3A_96 = arith.constant 1 : i32
        %sub3A_97 = vector.broadcast %sub3A_96 : i32 to vector<16xi32>
        %sub3A_98 = arith.subi %add3A_95, %sub3A_97 : vector<16xi32>
        %broadcast_in_dim3A_99 = arith.constant 1024 : i32
        %broadcast_in_dim3A_100 = vector.broadcast %broadcast_in_dim3A_99 : i32 to vector<16xi32>
        %lt3A_101 = arith.cmpi slt, %sub3A_98, %broadcast_in_dim3A_100 : vector<16xi32>
        %and3A_102 = arith.andi %and3A_92, %lt3A_101 : vector<16xi1>
        %add3A_103 = arith.constant 1024 : i32
        %add3A_104 = vector.broadcast %add3A_103 : i32 to vector<16xi32>
        %add3A_105 = arith.addi %add3A_104, %iota3A : vector<16xi32>
        %select_n3A = arith.select %and3A_102, %sub3A_98, %add3A_105 : vector<16xi1>, vector<16xi32>
        %shift_right_logical3A_106 = arith.constant 4 : i32
        %shift_right_logical3A_107 = vector.broadcast %shift_right_logical3A_106 : i32 to vector<16xi32>
        %shift_right_logical3A_108 = arith.shrui %select_n3A, %shift_right_logical3A_107 : vector<16xi32>
        %and3A_109 = arith.constant 15 : i32
        %and3A_110 = vector.broadcast %and3A_109 : i32 to vector<16xi32>
        %and3A_111 = arith.andi %select_n3A, %and3A_110 : vector<16xi32>
        %mul3A_112 = arith.constant 16 : i32
        %mul3A_113 = arith.muli %scan3A_69, %mul3A_112 : i32
        %add3A_114 = vector.broadcast %mul3A_113 : i32 to vector<16xi32>
        %add3A_115 = arith.addi %add3A_114, %iota3A : vector<16xi32>
        tpu.vector_store_idx %arg9[%shift_right_logical3A_108, %and3A_111], %add3A_115 : memref<65x16xi32, #tpu.memory_space<vmem>>[vector<16xi32>, vector<16xi32>], vector<16xi32>,
        %broadcast_in_dim3A_116 = arith.constant 15 : i32
        %broadcast_in_dim3A_117 = vector.broadcast %broadcast_in_dim3A_116 : i32 to vector<16x1xi32>
        %gather3A = vector.shape_cast %broadcast_in_dim3A_117 : vector<16x1xi32> to vector<16xi32>
        %gather3A_118 = tpu.dynamic_gather %masked_cumsum3A[%gather3A] in [0] : vector<16xi32>, vector<16xi32> -> vector<16xi32>
        %add3A_119 = arith.addi %scan3A_70, %gather3A_118 : vector<16xi32>
        scf.yield %add3A_119 : vector<16xi32>
      }
      %scan3A_46 = arith.constant 512 : i32
      %reduce_max3A = arith.constant true
      %reduce_max3A_47 = vector.broadcast %reduce_max3A : i1 to vector<16xi1>
      %reduce_max3A_48 = arith.constant -2147483648 : i32
      %reduce_max3A_49 = vector.broadcast %reduce_max3A_48 : i32 to vector<16xi32>
      %reduce_max3A_50 = arith.xori %scan3A_45, %reduce_max3A_49 : vector<16xi32>
      %reduce_max3A_51 = tpu.scan <max>, %reduce_max3A_50 masked %reduce_max3A_47 : vector<16xi32>, vector<16xi1> -> vector<16xi32>
      %reduce_max3A_52 = arith.xori %reduce_max3A_51, %reduce_max3A_49 : vector<16xi32>
      %reduce_max3A_53 = vector.extract %reduce_max3A_52[15] : i32 from vector<16xi32>
      %min3A = arith.constant 1024 : i32
      %min3A_54 = arith.minsi %reduce_max3A_53, %min3A : i32
      %broadcast_in_dim3A_55 = vector.broadcast %min3A_54 : i32 to vector<16xi32>
      %add3A_56 = arith.constant 16 : i32
      %add3A_57 = arith.addi %min3A_54, %add3A_56 : i32
      %sub3A = arith.constant 1 : i32
      %sub3A_58 = arith.subi %add3A_57, %sub3A : i32
      %shift_right_logical3A = arith.constant 4 : i32
      %shift_right_logical3A_59 = arith.shrui %sub3A_58, %shift_right_logical3A : i32
      %while3A = arith.constant 0 : i32
      %while3A_60 = arith.constant 0 : i32
      %while3A_61 = arith.subi %shift_right_logical3A_59, %while3A_60 : i32
      %while3A_62 = arith.addi %while3A_60, %while3A_61 : i32
      %while3A_63 = arith.constant 1 : i32
      %while3A_64 = arith.divsi %while3A_61, %while3A_63 : i32
      %while3A_65 = arith.muli %while3A_64, %while3A_63 : i32
      %while3A_66 = arith.addi %while3A_60, %while3A_65 : i32
      %while3A_67 = arith.constant 1 : i32
      scf.for %while3A_69 = %while3A_60 to %while3A_66 step %while3A_67  : i32 {
        %mul3A_70 = arith.constant 16 : i32
        %mul3A_71 = arith.muli %while3A_69, %mul3A_70 : i32
        %shift_right_logical3A_72 = arith.constant 4 : i32
        %shift_right_logical3A_73 = arith.shrui %mul3A_71, %shift_right_logical3A_72 : i32
        %dma_start3A = arith.constant 0 : i32
        %dma_start3A_74 = tpu.memref_slice %arg9[%shift_right_logical3A_73, %dma_start3A] : memref<65x16xi32, #tpu.memory_space<vmem>> -> memref<1x16xi32, #tpu.memory_space<vmem>>
        %dma_start3A_75 = tpu.memref_squeeze %dma_start3A_74 : memref<1x16xi32, #tpu.memory_space<vmem>> -> memref<16xi32, #tpu.memory_space<vmem>>
        %dma_start3A_76 = arith.constant 0 : i32
        %dma_start3A_77 = arith.constant 0 : i32
        %dma_start3A_78 = tpu.memref_slice %arg2[%dma_start3A_76, %dma_start3A_77] : memref<8192x1024xf32, #tpu.memory_space<hbm>> -> memref<8192x1024xf32, #tpu.memory_space<hbm>>
        tpu.enqueue_indirect_dma source(%dma_start3A_78 : memref<8192x1024xf32, #tpu.memory_space<hbm>>) target(%arg10 : memref<16x1024xf32, #tpu.memory_space<vmem>>) offsets(%dma_start3A_75 : memref<16xi32, #tpu.memory_space<vmem>>) semaphore(%arg13 : memref<!tpu.dma_semaphore, #tpu.memory_space<semaphore_mem>>)
        %dma_wait3A = arith.constant 0 : i32
        %dma_wait3A_79 = tpu.memref_slice %arg9[%shift_right_logical3A_73, %dma_wait3A] : memref<65x16xi32, #tpu.memory_space<vmem>> -> memref<1x16xi32, #tpu.memory_space<vmem>>
        %dma_wait3A_80 = tpu.memref_squeeze %dma_wait3A_79 : memref<1x16xi32, #tpu.memory_space<vmem>> -> memref<16xi32, #tpu.memory_space<vmem>>
        %dma_wait3A_81 = arith.constant 0 : i32
        %dma_wait3A_82 = arith.constant 0 : i32
        %dma_wait3A_83 = tpu.memref_slice %arg2[%dma_wait3A_81, %dma_wait3A_82] : memref<8192x1024xf32, #tpu.memory_space<hbm>> -> memref<8192x1024xf32, #tpu.memory_space<hbm>>
        tpu.wait_indirect_dma semaphore(%arg13 : memref<!tpu.dma_semaphore, #tpu.memory_space<semaphore_mem>>) src(%dma_wait3A_83 : memref<8192x1024xf32, #tpu.memory_space<hbm>>) dst(%arg10 : memref<16x1024xf32, #tpu.memory_space<vmem>>)
        %shift_right_logical3A_84 = arith.constant 4 : i32
        %shift_right_logical3A_85 = arith.shrui %mul3A_71, %shift_right_logical3A_84 : i32
        %get3A = arith.index_cast %shift_right_logical3A_85 : i32 to index
        %get3A_86 = arith.constant 0 : index
        %get3A_87 = tpu.vector_load %arg9[%get3A, %get3A_86] {strides = array<i32>} : memref<65x16xi32, #tpu.memory_space<vmem>>, vector<16xi32>,
        %gather3A = tpu.vector_load_idx %arg7[%get3A_87] : memref<8192xf32, #tpu.memory_space<vmem>>[vector<16xi32>], vector<16xf32>,
        %gather3A_88 = tpu.vector_load_idx %arg6[%get3A_87] : memref<8192xf32, #tpu.memory_space<vmem>>[vector<16xi32>], vector<16xf32>,
        %gather3A_89 = tpu.vector_load_idx %arg8[%get3A_87] : memref<8192xi32, #tpu.memory_space<vmem>>[vector<16xi32>], vector<16xi32>,
        %sub3A_90 = vector.broadcast %mul3A_25 : i32 to vector<16xi32>
        %sub3A_91 = arith.subi %gather3A_89, %sub3A_90 : vector<16xi32>
        %add3A_92 = vector.broadcast %mul3A_71 : i32 to vector<16xi32>
        %add3A_93 = arith.addi %add3A_92, %iota3A : vector<16xi32>
        %lt3A = arith.cmpi slt, %add3A_93, %broadcast_in_dim3A_55 : vector<16xi32>
        %ge3A = arith.cmpf oge, %gather3A, %gather3A_88 : vector<16xf32>
        %and3A = arith.andi %lt3A, %ge3A : vector<16xi1>
        %gt3A = arith.constant 0.000000e+00 : f32
        %gt3A_94 = vector.broadcast %gt3A : f32 to vector<16xf32>
        %gt3A_95 = arith.cmpf ogt, %gather3A, %gt3A_94 : vector<16xf32>
        %and3A_96 = arith.andi %and3A, %gt3A_95 : vector<16xi1>
        %ge3A_97 = arith.constant 0 : i32
        %ge3A_98 = vector.broadcast %ge3A_97 : i32 to vector<16xi32>
        %ge3A_99 = arith.cmpi sge, %sub3A_91, %ge3A_98 : vector<16xi32>
        %and3A_100 = arith.andi %and3A_96, %ge3A_99 : vector<16xi1>
        %broadcast_in_dim3A_101 = arith.constant 64 : i32
        %broadcast_in_dim3A_102 = vector.broadcast %broadcast_in_dim3A_101 : i32 to vector<16xi32>
        %lt3A_103 = arith.cmpi slt, %sub3A_91, %broadcast_in_dim3A_102 : vector<16xi32>
        %and3A_104 = arith.andi %and3A_100, %lt3A_103 : vector<16xi1>
        %select_n3A = arith.select %and3A_104, %gather3A, %broadcast_in_dim3A_3 : vector<16xi1>, vector<16xf32>
        %select_n3A_105 = arith.select %and3A_104, %sub3A_91, %broadcast_in_dim3A_5 : vector<16xi1>, vector<16xi32>
        %scan3A_106 = arith.constant 0 : i32
        %scan3A_107 = arith.constant 0 : i32
        %scan3A_108 = arith.constant 16 : i32
        %scan3A_109 = arith.addi %scan3A_107, %scan3A_108 : i32
        %scan3A_110 = arith.constant 1 : i32
        scf.for %scan3A_112 = %scan3A_107 to %scan3A_109 step %scan3A_110  : i32 {
          %broadcast_in_dim3A_113 = vector.broadcast %scan3A_112 : i32 to vector<16x1xi32>
          %gather3A_114 = vector.shape_cast %broadcast_in_dim3A_113 : vector<16x1xi32> to vector<16xi32>
          %gather3A_115 = tpu.dynamic_gather %select_n3A[%gather3A_114] in [0] : vector<16xf32>, vector<16xi32> -> vector<16xf32>
          %broadcast_in_dim3A_116 = vector.broadcast %scan3A_112 : i32 to vector<16x1xi32>
          %gather3A_117 = vector.shape_cast %broadcast_in_dim3A_116 : vector<16x1xi32> to vector<16xi32>
          %gather3A_118 = tpu.dynamic_gather %select_n3A_105[%gather3A_117] in [0] : vector<16xi32>, vector<16xi32> -> vector<16xi32>
          %get3A_119 = arith.index_cast %scan3A_112 : i32 to index
          %get3A_120 = arith.constant 0 : index
          %get3A_121 = tpu.vector_load %arg10[%get3A_119, %get3A_120] {strides = array<i32>} : memref<16x1024xf32, #tpu.memory_space<vmem>>, vector<16xf32>,
          %mul3A_122 = arith.mulf %get3A_121, %gather3A_115 : vector<16xf32>
          %add3A_123 = arith.constant 0 : i32
          %add3A_124 = vector.broadcast %add3A_123 : i32 to vector<16xi32>
          %add3A_125 = arith.addi %add3A_124, %iota3A : vector<16xi32>
          tpu.vector_store_idx %arg11[%gather3A_118, %add3A_125], %mul3A_122 {add = true} : memref<64x1024xf32, #tpu.memory_space<vmem>>[vector<16xi32>, vector<16xi32>], vector<16xf32>,
          %get3A_126 = arith.index_cast %scan3A_112 : i32 to index
          %get3A_127 = arith.constant 16 : index
          %get3A_128 = tpu.vector_load %arg10[%get3A_126, %get3A_127] {strides = array<i32>} : memref<16x1024xf32, #tpu.memory_space<vmem>>, vector<16xf32>,
          %mul3A_129 = arith.mulf %get3A_128, %gather3A_115 : vector<16xf32>
          %add3A_130 = arith.constant 16 : i32
          %add3A_131 = vector.broadcast %add3A_130 : i32 to vector<16xi32>
          %add3A_132 = arith.addi %add3A_131, %iota3A : vector<16xi32>
          tpu.vector_store_idx %arg11[%gather3A_118, %add3A_132], %mul3A_129 {add = true} : memref<64x1024xf32, #tpu.memory_space<vmem>>[vector<16xi32>, vector<16xi32>], vector<16xf32>,
          %get3A_133 = arith.index_cast %scan3A_112 : i32 to index
          %get3A_134 = arith.constant 32 : index
          %get3A_135 = tpu.vector_load %arg10[%get3A_133, %get3A_134] {strides = array<i32>} : memref<16x1024xf32, #tpu.memory_space<vmem>>, vector<16xf32>,
          %mul3A_136 = arith.mulf %get3A_135, %gather3A_115 : vector<16xf32>
          %add3A_137 = arith.constant 32 : i32
          %add3A_138 = vector.broadcast %add3A_137 : i32 to vector<16xi32>
          %add3A_139 = arith.addi %add3A_138, %iota3A : vector<16xi32>
          tpu.vector_store_idx %arg11[%gather3A_118, %add3A_139], %mul3A_136 {add = true} : memref<64x1024xf32, #tpu.memory_space<vmem>>[vector<16xi32>, vector<16xi32>], vector<16xf32>,
          %get3A_140 = arith.index_cast %scan3A_112 : i32 to index
          %get3A_141 = arith.constant 48 : index
          %get3A_142 = tpu.vector_load %arg10[%get3A_140, %get3A_141] {strides = array<i32>} : memref<16x1024xf32, #tpu.memory_space<vmem>>, vector<16xf32>,
          %mul3A_143 = arith.mulf %get3A_142, %gather3A_115 : vector<16xf32>
          %add3A_144 = arith.constant 48 : i32
          %add3A_145 = vector.broadcast %add3A_144 : i32 to vector<16xi32>
          %add3A_146 = arith.addi %add3A_145, %iota3A : vector<16xi32>
          tpu.vector_store_idx %arg11[%gather3A_118, %add3A_146], %mul3A_143 {add = true} : memref<64x1024xf32, #tpu.memory_space<vmem>>[vector<16xi32>, vector<16xi32>], vector<16xf32>,
          %get3A_147 = arith.index_cast %scan3A_112 : i32 to index
          %get3A_148 = arith.constant 64 : index
          %get3A_149 = tpu.vector_load %arg10[%get3A_147, %get3A_148] {strides = array<i32>} : memref<16x1024xf32, #tpu.memory_space<vmem>>, vector<16xf32>,
          %mul3A_150 = arith.mulf %get3A_149, %gather3A_115 : vector<16xf32>
          %add3A_151 = arith.constant 64 : i32
          %add3A_152 = vector.broadcast %add3A_151 : i32 to vector<16xi32>
          %add3A_153 = arith.addi %add3A_152, %iota3A : vector<16xi32>
          tpu.vector_store_idx %arg11[%gather3A_118, %add3A_153], %mul3A_150 {add = true} : memref<64x1024xf32, #tpu.memory_space<vmem>>[vector<16xi32>, vector<16xi32>], vector<16xf32>,
          %get3A_154 = arith.index_cast %scan3A_112 : i32 to index
          %get3A_155 = arith.constant 80 : index
          %get3A_156 = tpu.vector_load %arg10[%get3A_154, %get3A_155] {strides = array<i32>} : memref<16x1024xf32, #tpu.memory_space<vmem>>, vector<16xf32>,
          %mul3A_157 = arith.mulf %get3A_156, %gather3A_115 : vector<16xf32>
          %add3A_158 = arith.constant 80 : i32
          %add3A_159 = vector.broadcast %add3A_158 : i32 to vector<16xi32>
          %add3A_160 = arith.addi %add3A_159, %iota3A : vector<16xi32>
          tpu.vector_store_idx %arg11[%gather3A_118, %add3A_160], %mul3A_157 {add = true} : memref<64x1024xf32, #tpu.memory_space<vmem>>[vector<16xi32>, vector<16xi32>], vector<16xf32>,
          %get3A_161 = arith.index_cast %scan3A_112 : i32 to index
          %get3A_162 = arith.constant 96 : index
          %get3A_163 = tpu.vector_load %arg10[%get3A_161, %get3A_162] {strides = array<i32>} : memref<16x1024xf32, #tpu.memory_space<vmem>>, vector<16xf32>,
          %mul3A_164 = arith.mulf %get3A_163, %gather3A_115 : vector<16xf32>
          %add3A_165 = arith.constant 96 : i32
          %add3A_166 = vector.broadcast %add3A_165 : i32 to vector<16xi32>
          %add3A_167 = arith.addi %add3A_166, %iota3A : vector<16xi32>
          tpu.vector_store_idx %arg11[%gather3A_118, %add3A_167], %mul3A_164 {add = true} : memref<64x1024xf32, #tpu.memory_space<vmem>>[vector<16xi32>, vector<16xi32>], vector<16xf32>,
          %get3A_168 = arith.index_cast %scan3A_112 : i32 to index
          %get3A_169 = arith.constant 112 : index
          %get3A_170 = tpu.vector_load %arg10[%get3A_168, %get3A_169] {strides = array<i32>} : memref<16x1024xf32, #tpu.memory_space<vmem>>, vector<16xf32>,
          %mul3A_171 = arith.mulf %get3A_170, %gather3A_115 : vector<16xf32>
          %add3A_172 = arith.constant 112 : i32
          %add3A_173 = vector.broadcast %add3A_172 : i32 to vector<16xi32>
          %add3A_174 = arith.addi %add3A_173, %iota3A : vector<16xi32>
          tpu.vector_store_idx %arg11[%gather3A_118, %add3A_174], %mul3A_171 {add = true} : memref<64x1024xf32, #tpu.memory_space<vmem>>[vector<16xi32>, vector<16xi32>], vector<16xf32>,
          %get3A_175 = arith.index_cast %scan3A_112 : i32 to index
          %get3A_176 = arith.constant 128 : index
          %get3A_177 = tpu.vector_load %arg10[%get3A_175, %get3A_176] {strides = array<i32>} : memref<16x1024xf32, #tpu.memory_space<vmem>>, vector<16xf32>,
          %mul3A_178 = arith.mulf %get3A_177, %gather3A_115 : vector<16xf32>
          %add3A_179 = arith.constant 128 : i32
          %add3A_180 = vector.broadcast %add3A_179 : i32 to vector<16xi32>
          %add3A_181 = arith.addi %add3A_180, %iota3A : vector<16xi32>
          tpu.vector_store_idx %arg11[%gather3A_118, %add3A_181], %mul3A_178 {add = true} : memref<64x1024xf32, #tpu.memory_space<vmem>>[vector<16xi32>, vector<16xi32>], vector<16xf32>,
          %get3A_182 = arith.index_cast %scan3A_112 : i32 to index
          %get3A_183 = arith.constant 144 : index
          %get3A_184 = tpu.vector_load %arg10[%get3A_182, %get3A_183] {strides = array<i32>} : memref<16x1024xf32, #tpu.memory_space<vmem>>, vector<16xf32>,
          %mul3A_185 = arith.mulf %get3A_184, %gather3A_115 : vector<16xf32>
          %add3A_186 = arith.constant 144 : i32
          %add3A_187 = vector.broadcast %add3A_186 : i32 to vector<16xi32>
          %add3A_188 = arith.addi %add3A_187, %iota3A : vector<16xi32>
          tpu.vector_store_idx %arg11[%gather3A_118, %add3A_188], %mul3A_185 {add = true} : memref<64x1024xf32, #tpu.memory_space<vmem>>[vector<16xi32>, vector<16xi32>], vector<16xf32>,
          %get3A_189 = arith.index_cast %scan3A_112 : i32 to index
          %get3A_190 = arith.constant 160 : index
          %get3A_191 = tpu.vector_load %arg10[%get3A_189, %get3A_190] {strides = array<i32>} : memref<16x1024xf32, #tpu.memory_space<vmem>>, vector<16xf32>,
          %mul3A_192 = arith.mulf %get3A_191, %gather3A_115 : vector<16xf32>
          %add3A_193 = arith.constant 160 : i32
          %add3A_194 = vector.broadcast %add3A_193 : i32 to vector<16xi32>
          %add3A_195 = arith.addi %add3A_194, %iota3A : vector<16xi32>
          tpu.vector_store_idx %arg11[%gather3A_118, %add3A_195], %mul3A_192 {add = true} : memref<64x1024xf32, #tpu.memory_space<vmem>>[vector<16xi32>, vector<16xi32>], vector<16xf32>,
          %get3A_196 = arith.index_cast %scan3A_112 : i32 to index
          %get3A_197 = arith.constant 176 : index
          %get3A_198 = tpu.vector_load %arg10[%get3A_196, %get3A_197] {strides = array<i32>} : memref<16x1024xf32, #tpu.memory_space<vmem>>, vector<16xf32>,
          %mul3A_199 = arith.mulf %get3A_198, %gather3A_115 : vector<16xf32>
          %add3A_200 = arith.constant 176 : i32
          %add3A_201 = vector.broadcast %add3A_200 : i32 to vector<16xi32>
          %add3A_202 = arith.addi %add3A_201, %iota3A : vector<16xi32>
          tpu.vector_store_idx %arg11[%gather3A_118, %add3A_202], %mul3A_199 {add = true} : memref<64x1024xf32, #tpu.memory_space<vmem>>[vector<16xi32>, vector<16xi32>], vector<16xf32>,
          %get3A_203 = arith.index_cast %scan3A_112 : i32 to index
          %get3A_204 = arith.constant 192 : index
          %get3A_205 = tpu.vector_load %arg10[%get3A_203, %get3A_204] {strides = array<i32>} : memref<16x1024xf32, #tpu.memory_space<vmem>>, vector<16xf32>,
          %mul3A_206 = arith.mulf %get3A_205, %gather3A_115 : vector<16xf32>
          %add3A_207 = arith.constant 192 : i32
          %add3A_208 = vector.broadcast %add3A_207 : i32 to vector<16xi32>
          %add3A_209 = arith.addi %add3A_208, %iota3A : vector<16xi32>
          tpu.vector_store_idx %arg11[%gather3A_118, %add3A_209], %mul3A_206 {add = true} : memref<64x1024xf32, #tpu.memory_space<vmem>>[vector<16xi32>, vector<16xi32>], vector<16xf32>,
          %get3A_210 = arith.index_cast %scan3A_112 : i32 to index
          %get3A_211 = arith.constant 208 : index
          %get3A_212 = tpu.vector_load %arg10[%get3A_210, %get3A_211] {strides = array<i32>} : memref<16x1024xf32, #tpu.memory_space<vmem>>, vector<16xf32>,
          %mul3A_213 = arith.mulf %get3A_212, %gather3A_115 : vector<16xf32>
          %add3A_214 = arith.constant 208 : i32
          %add3A_215 = vector.broadcast %add3A_214 : i32 to vector<16xi32>
          %add3A_216 = arith.addi %add3A_215, %iota3A : vector<16xi32>
          tpu.vector_store_idx %arg11[%gather3A_118, %add3A_216], %mul3A_213 {add = true} : memref<64x1024xf32, #tpu.memory_space<vmem>>[vector<16xi32>, vector<16xi32>], vector<16xf32>,
          %get3A_217 = arith.index_cast %scan3A_112 : i32 to index
          %get3A_218 = arith.constant 224 : index
          %get3A_219 = tpu.vector_load %arg10[%get3A_217, %get3A_218] {strides = array<i32>} : memref<16x1024xf32, #tpu.memory_space<vmem>>, vector<16xf32>,
          %mul3A_220 = arith.mulf %get3A_219, %gather3A_115 : vector<16xf32>
          %add3A_221 = arith.constant 224 : i32
          %add3A_222 = vector.broadcast %add3A_221 : i32 to vector<16xi32>
          %add3A_223 = arith.addi %add3A_222, %iota3A : vector<16xi32>
          tpu.vector_store_idx %arg11[%gather3A_118, %add3A_223], %mul3A_220 {add = true} : memref<64x1024xf32, #tpu.memory_space<vmem>>[vector<16xi32>, vector<16xi32>], vector<16xf32>,
          %get3A_224 = arith.index_cast %scan3A_112 : i32 to index
          %get3A_225 = arith.constant 240 : index
          %get3A_226 = tpu.vector_load %arg10[%get3A_224, %get3A_225] {strides = array<i32>} : memref<16x1024xf32, #tpu.memory_space<vmem>>, vector<16xf32>,
          %mul3A_227 = arith.mulf %get3A_226, %gather3A_115 : vector<16xf32>
          %add3A_228 = arith.constant 240 : i32
          %add3A_229 = vector.broadcast %add3A_228 : i32 to vector<16xi32>
          %add3A_230 = arith.addi %add3A_229, %iota3A : vector<16xi32>
          tpu.vector_store_idx %arg11[%gather3A_118, %add3A_230], %mul3A_227 {add = true} : memref<64x1024xf32, #tpu.memory_space<vmem>>[vector<16xi32>, vector<16xi32>], vector<16xf32>,
          %get3A_231 = arith.index_cast %scan3A_112 : i32 to index
          %get3A_232 = arith.constant 256 : index
          %get3A_233 = tpu.vector_load %arg10[%get3A_231, %get3A_232] {strides = array<i32>} : memref<16x1024xf32, #tpu.memory_space<vmem>>, vector<16xf32>,
          %mul3A_234 = arith.mulf %get3A_233, %gather3A_115 : vector<16xf32>
          %add3A_235 = arith.constant 256 : i32
          %add3A_236 = vector.broadcast %add3A_235 : i32 to vector<16xi32>
          %add3A_237 = arith.addi %add3A_236, %iota3A : vector<16xi32>
          tpu.vector_store_idx %arg11[%gather3A_118, %add3A_237], %mul3A_234 {add = true} : memref<64x1024xf32, #tpu.memory_space<vmem>>[vector<16xi32>, vector<16xi32>], vector<16xf32>,
          %get3A_238 = arith.index_cast %scan3A_112 : i32 to index
          %get3A_239 = arith.constant 272 : index
          %get3A_240 = tpu.vector_load %arg10[%get3A_238, %get3A_239] {strides = array<i32>} : memref<16x1024xf32, #tpu.memory_space<vmem>>, vector<16xf32>,
          %mul3A_241 = arith.mulf %get3A_240, %gather3A_115 : vector<16xf32>
          %add3A_242 = arith.constant 272 : i32
          %add3A_243 = vector.broadcast %add3A_242 : i32 to vector<16xi32>
          %add3A_244 = arith.addi %add3A_243, %iota3A : vector<16xi32>
          tpu.vector_store_idx %arg11[%gather3A_118, %add3A_244], %mul3A_241 {add = true} : memref<64x1024xf32, #tpu.memory_space<vmem>>[vector<16xi32>, vector<16xi32>], vector<16xf32>,
          %get3A_245 = arith.index_cast %scan3A_112 : i32 to index
          %get3A_246 = arith.constant 288 : index
          %get3A_247 = tpu.vector_load %arg10[%get3A_245, %get3A_246] {strides = array<i32>} : memref<16x1024xf32, #tpu.memory_space<vmem>>, vector<16xf32>,
          %mul3A_248 = arith.mulf %get3A_247, %gather3A_115 : vector<16xf32>
          %add3A_249 = arith.constant 288 : i32
          %add3A_250 = vector.broadcast %add3A_249 : i32 to vector<16xi32>
          %add3A_251 = arith.addi %add3A_250, %iota3A : vector<16xi32>
          tpu.vector_store_idx %arg11[%gather3A_118, %add3A_251], %mul3A_248 {add = true} : memref<64x1024xf32, #tpu.memory_space<vmem>>[vector<16xi32>, vector<16xi32>], vector<16xf32>,
          %get3A_252 = arith.index_cast %scan3A_112 : i32 to index
          %get3A_253 = arith.constant 304 : index
          %get3A_254 = tpu.vector_load %arg10[%get3A_252, %get3A_253] {strides = array<i32>} : memref<16x1024xf32, #tpu.memory_space<vmem>>, vector<16xf32>,
          %mul3A_255 = arith.mulf %get3A_254, %gather3A_115 : vector<16xf32>
          %add3A_256 = arith.constant 304 : i32
          %add3A_257 = vector.broadcast %add3A_256 : i32 to vector<16xi32>
          %add3A_258 = arith.addi %add3A_257, %iota3A : vector<16xi32>
          tpu.vector_store_idx %arg11[%gather3A_118, %add3A_258], %mul3A_255 {add = true} : memref<64x1024xf32, #tpu.memory_space<vmem>>[vector<16xi32>, vector<16xi32>], vector<16xf32>,
          %get3A_259 = arith.index_cast %scan3A_112 : i32 to index
          %get3A_260 = arith.constant 320 : index
          %get3A_261 = tpu.vector_load %arg10[%get3A_259, %get3A_260] {strides = array<i32>} : memref<16x1024xf32, #tpu.memory_space<vmem>>, vector<16xf32>,
          %mul3A_262 = arith.mulf %get3A_261, %gather3A_115 : vector<16xf32>
          %add3A_263 = arith.constant 320 : i32
          %add3A_264 = vector.broadcast %add3A_263 : i32 to vector<16xi32>
          %add3A_265 = arith.addi %add3A_264, %iota3A : vector<16xi32>
          tpu.vector_store_idx %arg11[%gather3A_118, %add3A_265], %mul3A_262 {add = true} : memref<64x1024xf32, #tpu.memory_space<vmem>>[vector<16xi32>, vector<16xi32>], vector<16xf32>,
          %get3A_266 = arith.index_cast %scan3A_112 : i32 to index
          %get3A_267 = arith.constant 336 : index
          %get3A_268 = tpu.vector_load %arg10[%get3A_266, %get3A_267] {strides = array<i32>} : memref<16x1024xf32, #tpu.memory_space<vmem>>, vector<16xf32>,
          %mul3A_269 = arith.mulf %get3A_268, %gather3A_115 : vector<16xf32>
          %add3A_270 = arith.constant 336 : i32
          %add3A_271 = vector.broadcast %add3A_270 : i32 to vector<16xi32>
          %add3A_272 = arith.addi %add3A_271, %iota3A : vector<16xi32>
          tpu.vector_store_idx %arg11[%gather3A_118, %add3A_272], %mul3A_269 {add = true} : memref<64x1024xf32, #tpu.memory_space<vmem>>[vector<16xi32>, vector<16xi32>], vector<16xf32>,
          %get3A_273 = arith.index_cast %scan3A_112 : i32 to index
          %get3A_274 = arith.constant 352 : index
          %get3A_275 = tpu.vector_load %arg10[%get3A_273, %get3A_274] {strides = array<i32>} : memref<16x1024xf32, #tpu.memory_space<vmem>>, vector<16xf32>,
          %mul3A_276 = arith.mulf %get3A_275, %gather3A_115 : vector<16xf32>
          %add3A_277 = arith.constant 352 : i32
          %add3A_278 = vector.broadcast %add3A_277 : i32 to vector<16xi32>
          %add3A_279 = arith.addi %add3A_278, %iota3A : vector<16xi32>
          tpu.vector_store_idx %arg11[%gather3A_118, %add3A_279], %mul3A_276 {add = true} : memref<64x1024xf32, #tpu.memory_space<vmem>>[vector<16xi32>, vector<16xi32>], vector<16xf32>,
          %get3A_280 = arith.index_cast %scan3A_112 : i32 to index
          %get3A_281 = arith.constant 368 : index
          %get3A_282 = tpu.vector_load %arg10[%get3A_280, %get3A_281] {strides = array<i32>} : memref<16x1024xf32, #tpu.memory_space<vmem>>, vector<16xf32>,
          %mul3A_283 = arith.mulf %get3A_282, %gather3A_115 : vector<16xf32>
          %add3A_284 = arith.constant 368 : i32
          %add3A_285 = vector.broadcast %add3A_284 : i32 to vector<16xi32>
          %add3A_286 = arith.addi %add3A_285, %iota3A : vector<16xi32>
          tpu.vector_store_idx %arg11[%gather3A_118, %add3A_286], %mul3A_283 {add = true} : memref<64x1024xf32, #tpu.memory_space<vmem>>[vector<16xi32>, vector<16xi32>], vector<16xf32>,
          %get3A_287 = arith.index_cast %scan3A_112 : i32 to index
          %get3A_288 = arith.constant 384 : index
          %get3A_289 = tpu.vector_load %arg10[%get3A_287, %get3A_288] {strides = array<i32>} : memref<16x1024xf32, #tpu.memory_space<vmem>>, vector<16xf32>,
          %mul3A_290 = arith.mulf %get3A_289, %gather3A_115 : vector<16xf32>
          %add3A_291 = arith.constant 384 : i32
          %add3A_292 = vector.broadcast %add3A_291 : i32 to vector<16xi32>
          %add3A_293 = arith.addi %add3A_292, %iota3A : vector<16xi32>
          tpu.vector_store_idx %arg11[%gather3A_118, %add3A_293], %mul3A_290 {add = true} : memref<64x1024xf32, #tpu.memory_space<vmem>>[vector<16xi32>, vector<16xi32>], vector<16xf32>,
          %get3A_294 = arith.index_cast %scan3A_112 : i32 to index
          %get3A_295 = arith.constant 400 : index
          %get3A_296 = tpu.vector_load %arg10[%get3A_294, %get3A_295] {strides = array<i32>} : memref<16x1024xf32, #tpu.memory_space<vmem>>, vector<16xf32>,
          %mul3A_297 = arith.mulf %get3A_296, %gather3A_115 : vector<16xf32>
          %add3A_298 = arith.constant 400 : i32
          %add3A_299 = vector.broadcast %add3A_298 : i32 to vector<16xi32>
          %add3A_300 = arith.addi %add3A_299, %iota3A : vector<16xi32>
          tpu.vector_store_idx %arg11[%gather3A_118, %add3A_300], %mul3A_297 {add = true} : memref<64x1024xf32, #tpu.memory_space<vmem>>[vector<16xi32>, vector<16xi32>], vector<16xf32>,
          %get3A_301 = arith.index_cast %scan3A_112 : i32 to index
          %get3A_302 = arith.constant 416 : index
          %get3A_303 = tpu.vector_load %arg10[%get3A_301, %get3A_302] {strides = array<i32>} : memref<16x1024xf32, #tpu.memory_space<vmem>>, vector<16xf32>,
          %mul3A_304 = arith.mulf %get3A_303, %gather3A_115 : vector<16xf32>
          %add3A_305 = arith.constant 416 : i32
          %add3A_306 = vector.broadcast %add3A_305 : i32 to vector<16xi32>
          %add3A_307 = arith.addi %add3A_306, %iota3A : vector<16xi32>
          tpu.vector_store_idx %arg11[%gather3A_118, %add3A_307], %mul3A_304 {add = true} : memref<64x1024xf32, #tpu.memory_space<vmem>>[vector<16xi32>, vector<16xi32>], vector<16xf32>,
          %get3A_308 = arith.index_cast %scan3A_112 : i32 to index
          %get3A_309 = arith.constant 432 : index
          %get3A_310 = tpu.vector_load %arg10[%get3A_308, %get3A_309] {strides = array<i32>} : memref<16x1024xf32, #tpu.memory_space<vmem>>, vector<16xf32>,
          %mul3A_311 = arith.mulf %get3A_310, %gather3A_115 : vector<16xf32>
          %add3A_312 = arith.constant 432 : i32
          %add3A_313 = vector.broadcast %add3A_312 : i32 to vector<16xi32>
          %add3A_314 = arith.addi %add3A_313, %iota3A : vector<16xi32>
          tpu.vector_store_idx %arg11[%gather3A_118, %add3A_314], %mul3A_311 {add = true} : memref<64x1024xf32, #tpu.memory_space<vmem>>[vector<16xi32>, vector<16xi32>], vector<16xf32>,
          %get3A_315 = arith.index_cast %scan3A_112 : i32 to index
          %get3A_316 = arith.constant 448 : index
          %get3A_317 = tpu.vector_load %arg10[%get3A_315, %get3A_316] {strides = array<i32>} : memref<16x1024xf32, #tpu.memory_space<vmem>>, vector<16xf32>,
          %mul3A_318 = arith.mulf %get3A_317, %gather3A_115 : vector<16xf32>
          %add3A_319 = arith.constant 448 : i32
          %add3A_320 = vector.broadcast %add3A_319 : i32 to vector<16xi32>
          %add3A_321 = arith.addi %add3A_320, %iota3A : vector<16xi32>
          tpu.vector_store_idx %arg11[%gather3A_118, %add3A_321], %mul3A_318 {add = true} : memref<64x1024xf32, #tpu.memory_space<vmem>>[vector<16xi32>, vector<16xi32>], vector<16xf32>,
          %get3A_322 = arith.index_cast %scan3A_112 : i32 to index
          %get3A_323 = arith.constant 464 : index
          %get3A_324 = tpu.vector_load %arg10[%get3A_322, %get3A_323] {strides = array<i32>} : memref<16x1024xf32, #tpu.memory_space<vmem>>, vector<16xf32>,
          %mul3A_325 = arith.mulf %get3A_324, %gather3A_115 : vector<16xf32>
          %add3A_326 = arith.constant 464 : i32
          %add3A_327 = vector.broadcast %add3A_326 : i32 to vector<16xi32>
          %add3A_328 = arith.addi %add3A_327, %iota3A : vector<16xi32>
          tpu.vector_store_idx %arg11[%gather3A_118, %add3A_328], %mul3A_325 {add = true} : memref<64x1024xf32, #tpu.memory_space<vmem>>[vector<16xi32>, vector<16xi32>], vector<16xf32>,
          %get3A_329 = arith.index_cast %scan3A_112 : i32 to index
          %get3A_330 = arith.constant 480 : index
          %get3A_331 = tpu.vector_load %arg10[%get3A_329, %get3A_330] {strides = array<i32>} : memref<16x1024xf32, #tpu.memory_space<vmem>>, vector<16xf32>,
          %mul3A_332 = arith.mulf %get3A_331, %gather3A_115 : vector<16xf32>
          %add3A_333 = arith.constant 480 : i32
          %add3A_334 = vector.broadcast %add3A_333 : i32 to vector<16xi32>
          %add3A_335 = arith.addi %add3A_334, %iota3A : vector<16xi32>
          tpu.vector_store_idx %arg11[%gather3A_118, %add3A_335], %mul3A_332 {add = true} : memref<64x1024xf32, #tpu.memory_space<vmem>>[vector<16xi32>, vector<16xi32>], vector<16xf32>,
          %get3A_336 = arith.index_cast %scan3A_112 : i32 to index
          %get3A_337 = arith.constant 496 : index
          %get3A_338 = tpu.vector_load %arg10[%get3A_336, %get3A_337] {strides = array<i32>} : memref<16x1024xf32, #tpu.memory_space<vmem>>, vector<16xf32>,
          %mul3A_339 = arith.mulf %get3A_338, %gather3A_115 : vector<16xf32>
          %add3A_340 = arith.constant 496 : i32
          %add3A_341 = vector.broadcast %add3A_340 : i32 to vector<16xi32>
          %add3A_342 = arith.addi %add3A_341, %iota3A : vector<16xi32>
          tpu.vector_store_idx %arg11[%gather3A_118, %add3A_342], %mul3A_339 {add = true} : memref<64x1024xf32, #tpu.memory_space<vmem>>[vector<16xi32>, vector<16xi32>], vector<16xf32>,
          %get3A_343 = arith.index_cast %scan3A_112 : i32 to index
          %get3A_344 = arith.constant 512 : index
          %get3A_345 = tpu.vector_load %arg10[%get3A_343, %get3A_344] {strides = array<i32>} : memref<16x1024xf32, #tpu.memory_space<vmem>>, vector<16xf32>,
          %mul3A_346 = arith.mulf %get3A_345, %gather3A_115 : vector<16xf32>
          %add3A_347 = arith.constant 512 : i32
          %add3A_348 = vector.broadcast %add3A_347 : i32 to vector<16xi32>
          %add3A_349 = arith.addi %add3A_348, %iota3A : vector<16xi32>
          tpu.vector_store_idx %arg11[%gather3A_118, %add3A_349], %mul3A_346 {add = true} : memref<64x1024xf32, #tpu.memory_space<vmem>>[vector<16xi32>, vector<16xi32>], vector<16xf32>,
          %get3A_350 = arith.index_cast %scan3A_112 : i32 to index
          %get3A_351 = arith.constant 528 : index
          %get3A_352 = tpu.vector_load %arg10[%get3A_350, %get3A_351] {strides = array<i32>} : memref<16x1024xf32, #tpu.memory_space<vmem>>, vector<16xf32>,
          %mul3A_353 = arith.mulf %get3A_352, %gather3A_115 : vector<16xf32>
          %add3A_354 = arith.constant 528 : i32
          %add3A_355 = vector.broadcast %add3A_354 : i32 to vector<16xi32>
          %add3A_356 = arith.addi %add3A_355, %iota3A : vector<16xi32>
          tpu.vector_store_idx %arg11[%gather3A_118, %add3A_356], %mul3A_353 {add = true} : memref<64x1024xf32, #tpu.memory_space<vmem>>[vector<16xi32>, vector<16xi32>], vector<16xf32>,
          %get3A_357 = arith.index_cast %scan3A_112 : i32 to index
          %get3A_358 = arith.constant 544 : index
          %get3A_359 = tpu.vector_load %arg10[%get3A_357, %get3A_358] {strides = array<i32>} : memref<16x1024xf32, #tpu.memory_space<vmem>>, vector<16xf32>,
          %mul3A_360 = arith.mulf %get3A_359, %gather3A_115 : vector<16xf32>
          %add3A_361 = arith.constant 544 : i32
          %add3A_362 = vector.broadcast %add3A_361 : i32 to vector<16xi32>
          %add3A_363 = arith.addi %add3A_362, %iota3A : vector<16xi32>
          tpu.vector_store_idx %arg11[%gather3A_118, %add3A_363], %mul3A_360 {add = true} : memref<64x1024xf32, #tpu.memory_space<vmem>>[vector<16xi32>, vector<16xi32>], vector<16xf32>,
          %get3A_364 = arith.index_cast %scan3A_112 : i32 to index
          %get3A_365 = arith.constant 560 : index
          %get3A_366 = tpu.vector_load %arg10[%get3A_364, %get3A_365] {strides = array<i32>} : memref<16x1024xf32, #tpu.memory_space<vmem>>, vector<16xf32>,
          %mul3A_367 = arith.mulf %get3A_366, %gather3A_115 : vector<16xf32>
          %add3A_368 = arith.constant 560 : i32
          %add3A_369 = vector.broadcast %add3A_368 : i32 to vector<16xi32>
          %add3A_370 = arith.addi %add3A_369, %iota3A : vector<16xi32>
          tpu.vector_store_idx %arg11[%gather3A_118, %add3A_370], %mul3A_367 {add = true} : memref<64x1024xf32, #tpu.memory_space<vmem>>[vector<16xi32>, vector<16xi32>], vector<16xf32>,
          %get3A_371 = arith.index_cast %scan3A_112 : i32 to index
          %get3A_372 = arith.constant 576 : index
          %get3A_373 = tpu.vector_load %arg10[%get3A_371, %get3A_372] {strides = array<i32>} : memref<16x1024xf32, #tpu.memory_space<vmem>>, vector<16xf32>,
          %mul3A_374 = arith.mulf %get3A_373, %gather3A_115 : vector<16xf32>
          %add3A_375 = arith.constant 576 : i32
          %add3A_376 = vector.broadcast %add3A_375 : i32 to vector<16xi32>
          %add3A_377 = arith.addi %add3A_376, %iota3A : vector<16xi32>
          tpu.vector_store_idx %arg11[%gather3A_118, %add3A_377], %mul3A_374 {add = true} : memref<64x1024xf32, #tpu.memory_space<vmem>>[vector<16xi32>, vector<16xi32>], vector<16xf32>,
          %get3A_378 = arith.index_cast %scan3A_112 : i32 to index
          %get3A_379 = arith.constant 592 : index
          %get3A_380 = tpu.vector_load %arg10[%get3A_378, %get3A_379] {strides = array<i32>} : memref<16x1024xf32, #tpu.memory_space<vmem>>, vector<16xf32>,
          %mul3A_381 = arith.mulf %get3A_380, %gather3A_115 : vector<16xf32>
          %add3A_382 = arith.constant 592 : i32
          %add3A_383 = vector.broadcast %add3A_382 : i32 to vector<16xi32>
          %add3A_384 = arith.addi %add3A_383, %iota3A : vector<16xi32>
          tpu.vector_store_idx %arg11[%gather3A_118, %add3A_384], %mul3A_381 {add = true} : memref<64x1024xf32, #tpu.memory_space<vmem>>[vector<16xi32>, vector<16xi32>], vector<16xf32>,
          %get3A_385 = arith.index_cast %scan3A_112 : i32 to index
          %get3A_386 = arith.constant 608 : index
          %get3A_387 = tpu.vector_load %arg10[%get3A_385, %get3A_386] {strides = array<i32>} : memref<16x1024xf32, #tpu.memory_space<vmem>>, vector<16xf32>,
          %mul3A_388 = arith.mulf %get3A_387, %gather3A_115 : vector<16xf32>
          %add3A_389 = arith.constant 608 : i32
          %add3A_390 = vector.broadcast %add3A_389 : i32 to vector<16xi32>
          %add3A_391 = arith.addi %add3A_390, %iota3A : vector<16xi32>
          tpu.vector_store_idx %arg11[%gather3A_118, %add3A_391], %mul3A_388 {add = true} : memref<64x1024xf32, #tpu.memory_space<vmem>>[vector<16xi32>, vector<16xi32>], vector<16xf32>,
          %get3A_392 = arith.index_cast %scan3A_112 : i32 to index
          %get3A_393 = arith.constant 624 : index
          %get3A_394 = tpu.vector_load %arg10[%get3A_392, %get3A_393] {strides = array<i32>} : memref<16x1024xf32, #tpu.memory_space<vmem>>, vector<16xf32>,
          %mul3A_395 = arith.mulf %get3A_394, %gather3A_115 : vector<16xf32>
          %add3A_396 = arith.constant 624 : i32
          %add3A_397 = vector.broadcast %add3A_396 : i32 to vector<16xi32>
          %add3A_398 = arith.addi %add3A_397, %iota3A : vector<16xi32>
          tpu.vector_store_idx %arg11[%gather3A_118, %add3A_398], %mul3A_395 {add = true} : memref<64x1024xf32, #tpu.memory_space<vmem>>[vector<16xi32>, vector<16xi32>], vector<16xf32>,
          %get3A_399 = arith.index_cast %scan3A_112 : i32 to index
          %get3A_400 = arith.constant 640 : index
          %get3A_401 = tpu.vector_load %arg10[%get3A_399, %get3A_400] {strides = array<i32>} : memref<16x1024xf32, #tpu.memory_space<vmem>>, vector<16xf32>,
          %mul3A_402 = arith.mulf %get3A_401, %gather3A_115 : vector<16xf32>
          %add3A_403 = arith.constant 640 : i32
          %add3A_404 = vector.broadcast %add3A_403 : i32 to vector<16xi32>
          %add3A_405 = arith.addi %add3A_404, %iota3A : vector<16xi32>
          tpu.vector_store_idx %arg11[%gather3A_118, %add3A_405], %mul3A_402 {add = true} : memref<64x1024xf32, #tpu.memory_space<vmem>>[vector<16xi32>, vector<16xi32>], vector<16xf32>,
          %get3A_406 = arith.index_cast %scan3A_112 : i32 to index
          %get3A_407 = arith.constant 656 : index
          %get3A_408 = tpu.vector_load %arg10[%get3A_406, %get3A_407] {strides = array<i32>} : memref<16x1024xf32, #tpu.memory_space<vmem>>, vector<16xf32>,
          %mul3A_409 = arith.mulf %get3A_408, %gather3A_115 : vector<16xf32>
          %add3A_410 = arith.constant 656 : i32
          %add3A_411 = vector.broadcast %add3A_410 : i32 to vector<16xi32>
          %add3A_412 = arith.addi %add3A_411, %iota3A : vector<16xi32>
          tpu.vector_store_idx %arg11[%gather3A_118, %add3A_412], %mul3A_409 {add = true} : memref<64x1024xf32, #tpu.memory_space<vmem>>[vector<16xi32>, vector<16xi32>], vector<16xf32>,
          %get3A_413 = arith.index_cast %scan3A_112 : i32 to index
          %get3A_414 = arith.constant 672 : index
          %get3A_415 = tpu.vector_load %arg10[%get3A_413, %get3A_414] {strides = array<i32>} : memref<16x1024xf32, #tpu.memory_space<vmem>>, vector<16xf32>,
          %mul3A_416 = arith.mulf %get3A_415, %gather3A_115 : vector<16xf32>
          %add3A_417 = arith.constant 672 : i32
          %add3A_418 = vector.broadcast %add3A_417 : i32 to vector<16xi32>
          %add3A_419 = arith.addi %add3A_418, %iota3A : vector<16xi32>
          tpu.vector_store_idx %arg11[%gather3A_118, %add3A_419], %mul3A_416 {add = true} : memref<64x1024xf32, #tpu.memory_space<vmem>>[vector<16xi32>, vector<16xi32>], vector<16xf32>,
          %get3A_420 = arith.index_cast %scan3A_112 : i32 to index
          %get3A_421 = arith.constant 688 : index
          %get3A_422 = tpu.vector_load %arg10[%get3A_420, %get3A_421] {strides = array<i32>} : memref<16x1024xf32, #tpu.memory_space<vmem>>, vector<16xf32>,
          %mul3A_423 = arith.mulf %get3A_422, %gather3A_115 : vector<16xf32>
          %add3A_424 = arith.constant 688 : i32
          %add3A_425 = vector.broadcast %add3A_424 : i32 to vector<16xi32>
          %add3A_426 = arith.addi %add3A_425, %iota3A : vector<16xi32>
          tpu.vector_store_idx %arg11[%gather3A_118, %add3A_426], %mul3A_423 {add = true} : memref<64x1024xf32, #tpu.memory_space<vmem>>[vector<16xi32>, vector<16xi32>], vector<16xf32>,
          %get3A_427 = arith.index_cast %scan3A_112 : i32 to index
          %get3A_428 = arith.constant 704 : index
          %get3A_429 = tpu.vector_load %arg10[%get3A_427, %get3A_428] {strides = array<i32>} : memref<16x1024xf32, #tpu.memory_space<vmem>>, vector<16xf32>,
          %mul3A_430 = arith.mulf %get3A_429, %gather3A_115 : vector<16xf32>
          %add3A_431 = arith.constant 704 : i32
          %add3A_432 = vector.broadcast %add3A_431 : i32 to vector<16xi32>
          %add3A_433 = arith.addi %add3A_432, %iota3A : vector<16xi32>
          tpu.vector_store_idx %arg11[%gather3A_118, %add3A_433], %mul3A_430 {add = true} : memref<64x1024xf32, #tpu.memory_space<vmem>>[vector<16xi32>, vector<16xi32>], vector<16xf32>,
          %get3A_434 = arith.index_cast %scan3A_112 : i32 to index
          %get3A_435 = arith.constant 720 : index
          %get3A_436 = tpu.vector_load %arg10[%get3A_434, %get3A_435] {strides = array<i32>} : memref<16x1024xf32, #tpu.memory_space<vmem>>, vector<16xf32>,
          %mul3A_437 = arith.mulf %get3A_436, %gather3A_115 : vector<16xf32>
          %add3A_438 = arith.constant 720 : i32
          %add3A_439 = vector.broadcast %add3A_438 : i32 to vector<16xi32>
          %add3A_440 = arith.addi %add3A_439, %iota3A : vector<16xi32>
          tpu.vector_store_idx %arg11[%gather3A_118, %add3A_440], %mul3A_437 {add = true} : memref<64x1024xf32, #tpu.memory_space<vmem>>[vector<16xi32>, vector<16xi32>], vector<16xf32>,
          %get3A_441 = arith.index_cast %scan3A_112 : i32 to index
          %get3A_442 = arith.constant 736 : index
          %get3A_443 = tpu.vector_load %arg10[%get3A_441, %get3A_442] {strides = array<i32>} : memref<16x1024xf32, #tpu.memory_space<vmem>>, vector<16xf32>,
          %mul3A_444 = arith.mulf %get3A_443, %gather3A_115 : vector<16xf32>
          %add3A_445 = arith.constant 736 : i32
          %add3A_446 = vector.broadcast %add3A_445 : i32 to vector<16xi32>
          %add3A_447 = arith.addi %add3A_446, %iota3A : vector<16xi32>
          tpu.vector_store_idx %arg11[%gather3A_118, %add3A_447], %mul3A_444 {add = true} : memref<64x1024xf32, #tpu.memory_space<vmem>>[vector<16xi32>, vector<16xi32>], vector<16xf32>,
          %get3A_448 = arith.index_cast %scan3A_112 : i32 to index
          %get3A_449 = arith.constant 752 : index
          %get3A_450 = tpu.vector_load %arg10[%get3A_448, %get3A_449] {strides = array<i32>} : memref<16x1024xf32, #tpu.memory_space<vmem>>, vector<16xf32>,
          %mul3A_451 = arith.mulf %get3A_450, %gather3A_115 : vector<16xf32>
          %add3A_452 = arith.constant 752 : i32
          %add3A_453 = vector.broadcast %add3A_452 : i32 to vector<16xi32>
          %add3A_454 = arith.addi %add3A_453, %iota3A : vector<16xi32>
          tpu.vector_store_idx %arg11[%gather3A_118, %add3A_454], %mul3A_451 {add = true} : memref<64x1024xf32, #tpu.memory_space<vmem>>[vector<16xi32>, vector<16xi32>], vector<16xf32>,
          %get3A_455 = arith.index_cast %scan3A_112 : i32 to index
          %get3A_456 = arith.constant 768 : index
          %get3A_457 = tpu.vector_load %arg10[%get3A_455, %get3A_456] {strides = array<i32>} : memref<16x1024xf32, #tpu.memory_space<vmem>>, vector<16xf32>,
          %mul3A_458 = arith.mulf %get3A_457, %gather3A_115 : vector<16xf32>
          %add3A_459 = arith.constant 768 : i32
          %add3A_460 = vector.broadcast %add3A_459 : i32 to vector<16xi32>
          %add3A_461 = arith.addi %add3A_460, %iota3A : vector<16xi32>
          tpu.vector_store_idx %arg11[%gather3A_118, %add3A_461], %mul3A_458 {add = true} : memref<64x1024xf32, #tpu.memory_space<vmem>>[vector<16xi32>, vector<16xi32>], vector<16xf32>,
          %get3A_462 = arith.index_cast %scan3A_112 : i32 to index
          %get3A_463 = arith.constant 784 : index
          %get3A_464 = tpu.vector_load %arg10[%get3A_462, %get3A_463] {strides = array<i32>} : memref<16x1024xf32, #tpu.memory_space<vmem>>, vector<16xf32>,
          %mul3A_465 = arith.mulf %get3A_464, %gather3A_115 : vector<16xf32>
          %add3A_466 = arith.constant 784 : i32
          %add3A_467 = vector.broadcast %add3A_466 : i32 to vector<16xi32>
          %add3A_468 = arith.addi %add3A_467, %iota3A : vector<16xi32>
          tpu.vector_store_idx %arg11[%gather3A_118, %add3A_468], %mul3A_465 {add = true} : memref<64x1024xf32, #tpu.memory_space<vmem>>[vector<16xi32>, vector<16xi32>], vector<16xf32>,
          %get3A_469 = arith.index_cast %scan3A_112 : i32 to index
          %get3A_470 = arith.constant 800 : index
          %get3A_471 = tpu.vector_load %arg10[%get3A_469, %get3A_470] {strides = array<i32>} : memref<16x1024xf32, #tpu.memory_space<vmem>>, vector<16xf32>,
          %mul3A_472 = arith.mulf %get3A_471, %gather3A_115 : vector<16xf32>
          %add3A_473 = arith.constant 800 : i32
          %add3A_474 = vector.broadcast %add3A_473 : i32 to vector<16xi32>
          %add3A_475 = arith.addi %add3A_474, %iota3A : vector<16xi32>
          tpu.vector_store_idx %arg11[%gather3A_118, %add3A_475], %mul3A_472 {add = true} : memref<64x1024xf32, #tpu.memory_space<vmem>>[vector<16xi32>, vector<16xi32>], vector<16xf32>,
          %get3A_476 = arith.index_cast %scan3A_112 : i32 to index
          %get3A_477 = arith.constant 816 : index
          %get3A_478 = tpu.vector_load %arg10[%get3A_476, %get3A_477] {strides = array<i32>} : memref<16x1024xf32, #tpu.memory_space<vmem>>, vector<16xf32>,
          %mul3A_479 = arith.mulf %get3A_478, %gather3A_115 : vector<16xf32>
          %add3A_480 = arith.constant 816 : i32
          %add3A_481 = vector.broadcast %add3A_480 : i32 to vector<16xi32>
          %add3A_482 = arith.addi %add3A_481, %iota3A : vector<16xi32>
          tpu.vector_store_idx %arg11[%gather3A_118, %add3A_482], %mul3A_479 {add = true} : memref<64x1024xf32, #tpu.memory_space<vmem>>[vector<16xi32>, vector<16xi32>], vector<16xf32>,
          %get3A_483 = arith.index_cast %scan3A_112 : i32 to index
          %get3A_484 = arith.constant 832 : index
          %get3A_485 = tpu.vector_load %arg10[%get3A_483, %get3A_484] {strides = array<i32>} : memref<16x1024xf32, #tpu.memory_space<vmem>>, vector<16xf32>,
          %mul3A_486 = arith.mulf %get3A_485, %gather3A_115 : vector<16xf32>
          %add3A_487 = arith.constant 832 : i32
          %add3A_488 = vector.broadcast %add3A_487 : i32 to vector<16xi32>
          %add3A_489 = arith.addi %add3A_488, %iota3A : vector<16xi32>
          tpu.vector_store_idx %arg11[%gather3A_118, %add3A_489], %mul3A_486 {add = true} : memref<64x1024xf32, #tpu.memory_space<vmem>>[vector<16xi32>, vector<16xi32>], vector<16xf32>,
          %get3A_490 = arith.index_cast %scan3A_112 : i32 to index
          %get3A_491 = arith.constant 848 : index
          %get3A_492 = tpu.vector_load %arg10[%get3A_490, %get3A_491] {strides = array<i32>} : memref<16x1024xf32, #tpu.memory_space<vmem>>, vector<16xf32>,
          %mul3A_493 = arith.mulf %get3A_492, %gather3A_115 : vector<16xf32>
          %add3A_494 = arith.constant 848 : i32
          %add3A_495 = vector.broadcast %add3A_494 : i32 to vector<16xi32>
          %add3A_496 = arith.addi %add3A_495, %iota3A : vector<16xi32>
          tpu.vector_store_idx %arg11[%gather3A_118, %add3A_496], %mul3A_493 {add = true} : memref<64x1024xf32, #tpu.memory_space<vmem>>[vector<16xi32>, vector<16xi32>], vector<16xf32>,
          %get3A_497 = arith.index_cast %scan3A_112 : i32 to index
          %get3A_498 = arith.constant 864 : index
          %get3A_499 = tpu.vector_load %arg10[%get3A_497, %get3A_498] {strides = array<i32>} : memref<16x1024xf32, #tpu.memory_space<vmem>>, vector<16xf32>,
          %mul3A_500 = arith.mulf %get3A_499, %gather3A_115 : vector<16xf32>
          %add3A_501 = arith.constant 864 : i32
          %add3A_502 = vector.broadcast %add3A_501 : i32 to vector<16xi32>
          %add3A_503 = arith.addi %add3A_502, %iota3A : vector<16xi32>
          tpu.vector_store_idx %arg11[%gather3A_118, %add3A_503], %mul3A_500 {add = true} : memref<64x1024xf32, #tpu.memory_space<vmem>>[vector<16xi32>, vector<16xi32>], vector<16xf32>,
          %get3A_504 = arith.index_cast %scan3A_112 : i32 to index
          %get3A_505 = arith.constant 880 : index
          %get3A_506 = tpu.vector_load %arg10[%get3A_504, %get3A_505] {strides = array<i32>} : memref<16x1024xf32, #tpu.memory_space<vmem>>, vector<16xf32>,
          %mul3A_507 = arith.mulf %get3A_506, %gather3A_115 : vector<16xf32>
          %add3A_508 = arith.constant 880 : i32
          %add3A_509 = vector.broadcast %add3A_508 : i32 to vector<16xi32>
          %add3A_510 = arith.addi %add3A_509, %iota3A : vector<16xi32>
          tpu.vector_store_idx %arg11[%gather3A_118, %add3A_510], %mul3A_507 {add = true} : memref<64x1024xf32, #tpu.memory_space<vmem>>[vector<16xi32>, vector<16xi32>], vector<16xf32>,
          %get3A_511 = arith.index_cast %scan3A_112 : i32 to index
          %get3A_512 = arith.constant 896 : index
          %get3A_513 = tpu.vector_load %arg10[%get3A_511, %get3A_512] {strides = array<i32>} : memref<16x1024xf32, #tpu.memory_space<vmem>>, vector<16xf32>,
          %mul3A_514 = arith.mulf %get3A_513, %gather3A_115 : vector<16xf32>
          %add3A_515 = arith.constant 896 : i32
          %add3A_516 = vector.broadcast %add3A_515 : i32 to vector<16xi32>
          %add3A_517 = arith.addi %add3A_516, %iota3A : vector<16xi32>
          tpu.vector_store_idx %arg11[%gather3A_118, %add3A_517], %mul3A_514 {add = true} : memref<64x1024xf32, #tpu.memory_space<vmem>>[vector<16xi32>, vector<16xi32>], vector<16xf32>,
          %get3A_518 = arith.index_cast %scan3A_112 : i32 to index
          %get3A_519 = arith.constant 912 : index
          %get3A_520 = tpu.vector_load %arg10[%get3A_518, %get3A_519] {strides = array<i32>} : memref<16x1024xf32, #tpu.memory_space<vmem>>, vector<16xf32>,
          %mul3A_521 = arith.mulf %get3A_520, %gather3A_115 : vector<16xf32>
          %add3A_522 = arith.constant 912 : i32
          %add3A_523 = vector.broadcast %add3A_522 : i32 to vector<16xi32>
          %add3A_524 = arith.addi %add3A_523, %iota3A : vector<16xi32>
          tpu.vector_store_idx %arg11[%gather3A_118, %add3A_524], %mul3A_521 {add = true} : memref<64x1024xf32, #tpu.memory_space<vmem>>[vector<16xi32>, vector<16xi32>], vector<16xf32>,
          %get3A_525 = arith.index_cast %scan3A_112 : i32 to index
          %get3A_526 = arith.constant 928 : index
          %get3A_527 = tpu.vector_load %arg10[%get3A_525, %get3A_526] {strides = array<i32>} : memref<16x1024xf32, #tpu.memory_space<vmem>>, vector<16xf32>,
          %mul3A_528 = arith.mulf %get3A_527, %gather3A_115 : vector<16xf32>
          %add3A_529 = arith.constant 928 : i32
          %add3A_530 = vector.broadcast %add3A_529 : i32 to vector<16xi32>
          %add3A_531 = arith.addi %add3A_530, %iota3A : vector<16xi32>
          tpu.vector_store_idx %arg11[%gather3A_118, %add3A_531], %mul3A_528 {add = true} : memref<64x1024xf32, #tpu.memory_space<vmem>>[vector<16xi32>, vector<16xi32>], vector<16xf32>,
          %get3A_532 = arith.index_cast %scan3A_112 : i32 to index
          %get3A_533 = arith.constant 944 : index
          %get3A_534 = tpu.vector_load %arg10[%get3A_532, %get3A_533] {strides = array<i32>} : memref<16x1024xf32, #tpu.memory_space<vmem>>, vector<16xf32>,
          %mul3A_535 = arith.mulf %get3A_534, %gather3A_115 : vector<16xf32>
          %add3A_536 = arith.constant 944 : i32
          %add3A_537 = vector.broadcast %add3A_536 : i32 to vector<16xi32>
          %add3A_538 = arith.addi %add3A_537, %iota3A : vector<16xi32>
          tpu.vector_store_idx %arg11[%gather3A_118, %add3A_538], %mul3A_535 {add = true} : memref<64x1024xf32, #tpu.memory_space<vmem>>[vector<16xi32>, vector<16xi32>], vector<16xf32>,
          %get3A_539 = arith.index_cast %scan3A_112 : i32 to index
          %get3A_540 = arith.constant 960 : index
          %get3A_541 = tpu.vector_load %arg10[%get3A_539, %get3A_540] {strides = array<i32>} : memref<16x1024xf32, #tpu.memory_space<vmem>>, vector<16xf32>,
          %mul3A_542 = arith.mulf %get3A_541, %gather3A_115 : vector<16xf32>
          %add3A_543 = arith.constant 960 : i32
          %add3A_544 = vector.broadcast %add3A_543 : i32 to vector<16xi32>
          %add3A_545 = arith.addi %add3A_544, %iota3A : vector<16xi32>
          tpu.vector_store_idx %arg11[%gather3A_118, %add3A_545], %mul3A_542 {add = true} : memref<64x1024xf32, #tpu.memory_space<vmem>>[vector<16xi32>, vector<16xi32>], vector<16xf32>,
          %get3A_546 = arith.index_cast %scan3A_112 : i32 to index
          %get3A_547 = arith.constant 976 : index
          %get3A_548 = tpu.vector_load %arg10[%get3A_546, %get3A_547] {strides = array<i32>} : memref<16x1024xf32, #tpu.memory_space<vmem>>, vector<16xf32>,
          %mul3A_549 = arith.mulf %get3A_548, %gather3A_115 : vector<16xf32>
          %add3A_550 = arith.constant 976 : i32
          %add3A_551 = vector.broadcast %add3A_550 : i32 to vector<16xi32>
          %add3A_552 = arith.addi %add3A_551, %iota3A : vector<16xi32>
          tpu.vector_store_idx %arg11[%gather3A_118, %add3A_552], %mul3A_549 {add = true} : memref<64x1024xf32, #tpu.memory_space<vmem>>[vector<16xi32>, vector<16xi32>], vector<16xf32>,
          %get3A_553 = arith.index_cast %scan3A_112 : i32 to index
          %get3A_554 = arith.constant 992 : index
          %get3A_555 = tpu.vector_load %arg10[%get3A_553, %get3A_554] {strides = array<i32>} : memref<16x1024xf32, #tpu.memory_space<vmem>>, vector<16xf32>,
          %mul3A_556 = arith.mulf %get3A_555, %gather3A_115 : vector<16xf32>
          %add3A_557 = arith.constant 992 : i32
          %add3A_558 = vector.broadcast %add3A_557 : i32 to vector<16xi32>
          %add3A_559 = arith.addi %add3A_558, %iota3A : vector<16xi32>
          tpu.vector_store_idx %arg11[%gather3A_118, %add3A_559], %mul3A_556 {add = true} : memref<64x1024xf32, #tpu.memory_space<vmem>>[vector<16xi32>, vector<16xi32>], vector<16xf32>,
          %get3A_560 = arith.index_cast %scan3A_112 : i32 to index
          %get3A_561 = arith.constant 1008 : index
          %get3A_562 = tpu.vector_load %arg10[%get3A_560, %get3A_561] {strides = array<i32>} : memref<16x1024xf32, #tpu.memory_space<vmem>>, vector<16xf32>,
          %mul3A_563 = arith.mulf %get3A_562, %gather3A_115 : vector<16xf32>
          %add3A_564 = arith.constant 1008 : i32
          %add3A_565 = vector.broadcast %add3A_564 : i32 to vector<16xi32>
          %add3A_566 = arith.addi %add3A_565, %iota3A : vector<16xi32>
          tpu.vector_store_idx %arg11[%gather3A_118, %add3A_566], %mul3A_563 {add = true} : memref<64x1024xf32, #tpu.memory_space<vmem>>[vector<16xi32>, vector<16xi32>], vector<16xf32>,
        }
        %scan3A_111 = arith.constant 16 : i32
      }
      %while3A_68 = arith.constant 1 : i32
      scf.for %while3A_69 = %while3A_66 to %while3A_62 step %while3A_68  : i32 {
        %mul3A_70 = arith.constant 16 : i32
        %mul3A_71 = arith.muli %while3A_69, %mul3A_70 : i32
        %shift_right_logical3A_72 = arith.constant 4 : i32
        %shift_right_logical3A_73 = arith.shrui %mul3A_71, %shift_right_logical3A_72 : i32
        %dma_start3A = arith.constant 0 : i32
        %dma_start3A_74 = tpu.memref_slice %arg9[%shift_right_logical3A_73, %dma_start3A] : memref<65x16xi32, #tpu.memory_space<vmem>> -> memref<1x16xi32, #tpu.memory_space<vmem>>
        %dma_start3A_75 = tpu.memref_squeeze %dma_start3A_74 : memref<1x16xi32, #tpu.memory_space<vmem>> -> memref<16xi32, #tpu.memory_space<vmem>>
        %dma_start3A_76 = arith.constant 0 : i32
        %dma_start3A_77 = arith.constant 0 : i32
        %dma_start3A_78 = tpu.memref_slice %arg2[%dma_start3A_76, %dma_start3A_77] : memref<8192x1024xf32, #tpu.memory_space<hbm>> -> memref<8192x1024xf32, #tpu.memory_space<hbm>>
        tpu.enqueue_indirect_dma source(%dma_start3A_78 : memref<8192x1024xf32, #tpu.memory_space<hbm>>) target(%arg10 : memref<16x1024xf32, #tpu.memory_space<vmem>>) offsets(%dma_start3A_75 : memref<16xi32, #tpu.memory_space<vmem>>) semaphore(%arg13 : memref<!tpu.dma_semaphore, #tpu.memory_space<semaphore_mem>>)
        %dma_wait3A = arith.constant 0 : i32
        %dma_wait3A_79 = tpu.memref_slice %arg9[%shift_right_logical3A_73, %dma_wait3A] : memref<65x16xi32, #tpu.memory_space<vmem>> -> memref<1x16xi32, #tpu.memory_space<vmem>>
        %dma_wait3A_80 = tpu.memref_squeeze %dma_wait3A_79 : memref<1x16xi32, #tpu.memory_space<vmem>> -> memref<16xi32, #tpu.memory_space<vmem>>
        %dma_wait3A_81 = arith.constant 0 : i32
        %dma_wait3A_82 = arith.constant 0 : i32
        %dma_wait3A_83 = tpu.memref_slice %arg2[%dma_wait3A_81, %dma_wait3A_82] : memref<8192x1024xf32, #tpu.memory_space<hbm>> -> memref<8192x1024xf32, #tpu.memory_space<hbm>>
        tpu.wait_indirect_dma semaphore(%arg13 : memref<!tpu.dma_semaphore, #tpu.memory_space<semaphore_mem>>) src(%dma_wait3A_83 : memref<8192x1024xf32, #tpu.memory_space<hbm>>) dst(%arg10 : memref<16x1024xf32, #tpu.memory_space<vmem>>)
        %shift_right_logical3A_84 = arith.constant 4 : i32
        %shift_right_logical3A_85 = arith.shrui %mul3A_71, %shift_right_logical3A_84 : i32
        %get3A = arith.index_cast %shift_right_logical3A_85 : i32 to index
        %get3A_86 = arith.constant 0 : index
        %get3A_87 = tpu.vector_load %arg9[%get3A, %get3A_86] {strides = array<i32>} : memref<65x16xi32, #tpu.memory_space<vmem>>, vector<16xi32>,
        %gather3A = tpu.vector_load_idx %arg7[%get3A_87] : memref<8192xf32, #tpu.memory_space<vmem>>[vector<16xi32>], vector<16xf32>,
        %gather3A_88 = tpu.vector_load_idx %arg6[%get3A_87] : memref<8192xf32, #tpu.memory_space<vmem>>[vector<16xi32>], vector<16xf32>,
        %gather3A_89 = tpu.vector_load_idx %arg8[%get3A_87] : memref<8192xi32, #tpu.memory_space<vmem>>[vector<16xi32>], vector<16xi32>,
        %sub3A_90 = vector.broadcast %mul3A_25 : i32 to vector<16xi32>
        %sub3A_91 = arith.subi %gather3A_89, %sub3A_90 : vector<16xi32>
        %add3A_92 = vector.broadcast %mul3A_71 : i32 to vector<16xi32>
        %add3A_93 = arith.addi %add3A_92, %iota3A : vector<16xi32>
        %lt3A = arith.cmpi slt, %add3A_93, %broadcast_in_dim3A_55 : vector<16xi32>
        %ge3A = arith.cmpf oge, %gather3A, %gather3A_88 : vector<16xf32>
        %and3A = arith.andi %lt3A, %ge3A : vector<16xi1>
        %gt3A = arith.constant 0.000000e+00 : f32
        %gt3A_94 = vector.broadcast %gt3A : f32 to vector<16xf32>
        %gt3A_95 = arith.cmpf ogt, %gather3A, %gt3A_94 : vector<16xf32>
        %and3A_96 = arith.andi %and3A, %gt3A_95 : vector<16xi1>
        %ge3A_97 = arith.constant 0 : i32
        %ge3A_98 = vector.broadcast %ge3A_97 : i32 to vector<16xi32>
        %ge3A_99 = arith.cmpi sge, %sub3A_91, %ge3A_98 : vector<16xi32>
        %and3A_100 = arith.andi %and3A_96, %ge3A_99 : vector<16xi1>
        %broadcast_in_dim3A_101 = arith.constant 64 : i32
        %broadcast_in_dim3A_102 = vector.broadcast %broadcast_in_dim3A_101 : i32 to vector<16xi32>
        %lt3A_103 = arith.cmpi slt, %sub3A_91, %broadcast_in_dim3A_102 : vector<16xi32>
        %and3A_104 = arith.andi %and3A_100, %lt3A_103 : vector<16xi1>
        %select_n3A = arith.select %and3A_104, %gather3A, %broadcast_in_dim3A_3 : vector<16xi1>, vector<16xf32>
        %select_n3A_105 = arith.select %and3A_104, %sub3A_91, %broadcast_in_dim3A_5 : vector<16xi1>, vector<16xi32>
        %scan3A_106 = arith.constant 0 : i32
        %scan3A_107 = arith.constant 0 : i32
        %scan3A_108 = arith.constant 16 : i32
        %scan3A_109 = arith.addi %scan3A_107, %scan3A_108 : i32
        %scan3A_110 = arith.constant 1 : i32
        scf.for %scan3A_112 = %scan3A_107 to %scan3A_109 step %scan3A_110  : i32 {
          %broadcast_in_dim3A_113 = vector.broadcast %scan3A_112 : i32 to vector<16x1xi32>
          %gather3A_114 = vector.shape_cast %broadcast_in_dim3A_113 : vector<16x1xi32> to vector<16xi32>
          %gather3A_115 = tpu.dynamic_gather %select_n3A[%gather3A_114] in [0] : vector<16xf32>, vector<16xi32> -> vector<16xf32>
          %broadcast_in_dim3A_116 = vector.broadcast %scan3A_112 : i32 to vector<16x1xi32>
          %gather3A_117 = vector.shape_cast %broadcast_in_dim3A_116 : vector<16x1xi32> to vector<16xi32>
          %gather3A_118 = tpu.dynamic_gather %select_n3A_105[%gather3A_117] in [0] : vector<16xi32>, vector<16xi32> -> vector<16xi32>
          %get3A_119 = arith.index_cast %scan3A_112 : i32 to index
          %get3A_120 = arith.constant 0 : index
          %get3A_121 = tpu.vector_load %arg10[%get3A_119, %get3A_120] {strides = array<i32>} : memref<16x1024xf32, #tpu.memory_space<vmem>>, vector<16xf32>,
          %mul3A_122 = arith.mulf %get3A_121, %gather3A_115 : vector<16xf32>
          %add3A_123 = arith.constant 0 : i32
          %add3A_124 = vector.broadcast %add3A_123 : i32 to vector<16xi32>
          %add3A_125 = arith.addi %add3A_124, %iota3A : vector<16xi32>
          tpu.vector_store_idx %arg11[%gather3A_118, %add3A_125], %mul3A_122 {add = true} : memref<64x1024xf32, #tpu.memory_space<vmem>>[vector<16xi32>, vector<16xi32>], vector<16xf32>,
          %get3A_126 = arith.index_cast %scan3A_112 : i32 to index
          %get3A_127 = arith.constant 16 : index
          %get3A_128 = tpu.vector_load %arg10[%get3A_126, %get3A_127] {strides = array<i32>} : memref<16x1024xf32, #tpu.memory_space<vmem>>, vector<16xf32>,
          %mul3A_129 = arith.mulf %get3A_128, %gather3A_115 : vector<16xf32>
          %add3A_130 = arith.constant 16 : i32
          %add3A_131 = vector.broadcast %add3A_130 : i32 to vector<16xi32>
          %add3A_132 = arith.addi %add3A_131, %iota3A : vector<16xi32>
          tpu.vector_store_idx %arg11[%gather3A_118, %add3A_132], %mul3A_129 {add = true} : memref<64x1024xf32, #tpu.memory_space<vmem>>[vector<16xi32>, vector<16xi32>], vector<16xf32>,
          %get3A_133 = arith.index_cast %scan3A_112 : i32 to index
          %get3A_134 = arith.constant 32 : index
          %get3A_135 = tpu.vector_load %arg10[%get3A_133, %get3A_134] {strides = array<i32>} : memref<16x1024xf32, #tpu.memory_space<vmem>>, vector<16xf32>,
          %mul3A_136 = arith.mulf %get3A_135, %gather3A_115 : vector<16xf32>
          %add3A_137 = arith.constant 32 : i32
          %add3A_138 = vector.broadcast %add3A_137 : i32 to vector<16xi32>
          %add3A_139 = arith.addi %add3A_138, %iota3A : vector<16xi32>
          tpu.vector_store_idx %arg11[%gather3A_118, %add3A_139], %mul3A_136 {add = true} : memref<64x1024xf32, #tpu.memory_space<vmem>>[vector<16xi32>, vector<16xi32>], vector<16xf32>,
          %get3A_140 = arith.index_cast %scan3A_112 : i32 to index
          %get3A_141 = arith.constant 48 : index
          %get3A_142 = tpu.vector_load %arg10[%get3A_140, %get3A_141] {strides = array<i32>} : memref<16x1024xf32, #tpu.memory_space<vmem>>, vector<16xf32>,
          %mul3A_143 = arith.mulf %get3A_142, %gather3A_115 : vector<16xf32>
          %add3A_144 = arith.constant 48 : i32
          %add3A_145 = vector.broadcast %add3A_144 : i32 to vector<16xi32>
          %add3A_146 = arith.addi %add3A_145, %iota3A : vector<16xi32>
          tpu.vector_store_idx %arg11[%gather3A_118, %add3A_146], %mul3A_143 {add = true} : memref<64x1024xf32, #tpu.memory_space<vmem>>[vector<16xi32>, vector<16xi32>], vector<16xf32>,
          %get3A_147 = arith.index_cast %scan3A_112 : i32 to index
          %get3A_148 = arith.constant 64 : index
          %get3A_149 = tpu.vector_load %arg10[%get3A_147, %get3A_148] {strides = array<i32>} : memref<16x1024xf32, #tpu.memory_space<vmem>>, vector<16xf32>,
          %mul3A_150 = arith.mulf %get3A_149, %gather3A_115 : vector<16xf32>
          %add3A_151 = arith.constant 64 : i32
          %add3A_152 = vector.broadcast %add3A_151 : i32 to vector<16xi32>
          %add3A_153 = arith.addi %add3A_152, %iota3A : vector<16xi32>
          tpu.vector_store_idx %arg11[%gather3A_118, %add3A_153], %mul3A_150 {add = true} : memref<64x1024xf32, #tpu.memory_space<vmem>>[vector<16xi32>, vector<16xi32>], vector<16xf32>,
          %get3A_154 = arith.index_cast %scan3A_112 : i32 to index
          %get3A_155 = arith.constant 80 : index
          %get3A_156 = tpu.vector_load %arg10[%get3A_154, %get3A_155] {strides = array<i32>} : memref<16x1024xf32, #tpu.memory_space<vmem>>, vector<16xf32>,
          %mul3A_157 = arith.mulf %get3A_156, %gather3A_115 : vector<16xf32>
          %add3A_158 = arith.constant 80 : i32
          %add3A_159 = vector.broadcast %add3A_158 : i32 to vector<16xi32>
          %add3A_160 = arith.addi %add3A_159, %iota3A : vector<16xi32>
          tpu.vector_store_idx %arg11[%gather3A_118, %add3A_160], %mul3A_157 {add = true} : memref<64x1024xf32, #tpu.memory_space<vmem>>[vector<16xi32>, vector<16xi32>], vector<16xf32>,
          %get3A_161 = arith.index_cast %scan3A_112 : i32 to index
          %get3A_162 = arith.constant 96 : index
          %get3A_163 = tpu.vector_load %arg10[%get3A_161, %get3A_162] {strides = array<i32>} : memref<16x1024xf32, #tpu.memory_space<vmem>>, vector<16xf32>,
          %mul3A_164 = arith.mulf %get3A_163, %gather3A_115 : vector<16xf32>
          %add3A_165 = arith.constant 96 : i32
          %add3A_166 = vector.broadcast %add3A_165 : i32 to vector<16xi32>
          %add3A_167 = arith.addi %add3A_166, %iota3A : vector<16xi32>
          tpu.vector_store_idx %arg11[%gather3A_118, %add3A_167], %mul3A_164 {add = true} : memref<64x1024xf32, #tpu.memory_space<vmem>>[vector<16xi32>, vector<16xi32>], vector<16xf32>,
          %get3A_168 = arith.index_cast %scan3A_112 : i32 to index
          %get3A_169 = arith.constant 112 : index
          %get3A_170 = tpu.vector_load %arg10[%get3A_168, %get3A_169] {strides = array<i32>} : memref<16x1024xf32, #tpu.memory_space<vmem>>, vector<16xf32>,
          %mul3A_171 = arith.mulf %get3A_170, %gather3A_115 : vector<16xf32>
          %add3A_172 = arith.constant 112 : i32
          %add3A_173 = vector.broadcast %add3A_172 : i32 to vector<16xi32>
          %add3A_174 = arith.addi %add3A_173, %iota3A : vector<16xi32>
          tpu.vector_store_idx %arg11[%gather3A_118, %add3A_174], %mul3A_171 {add = true} : memref<64x1024xf32, #tpu.memory_space<vmem>>[vector<16xi32>, vector<16xi32>], vector<16xf32>,
          %get3A_175 = arith.index_cast %scan3A_112 : i32 to index
          %get3A_176 = arith.constant 128 : index
          %get3A_177 = tpu.vector_load %arg10[%get3A_175, %get3A_176] {strides = array<i32>} : memref<16x1024xf32, #tpu.memory_space<vmem>>, vector<16xf32>,
          %mul3A_178 = arith.mulf %get3A_177, %gather3A_115 : vector<16xf32>
          %add3A_179 = arith.constant 128 : i32
          %add3A_180 = vector.broadcast %add3A_179 : i32 to vector<16xi32>
          %add3A_181 = arith.addi %add3A_180, %iota3A : vector<16xi32>
          tpu.vector_store_idx %arg11[%gather3A_118, %add3A_181], %mul3A_178 {add = true} : memref<64x1024xf32, #tpu.memory_space<vmem>>[vector<16xi32>, vector<16xi32>], vector<16xf32>,
          %get3A_182 = arith.index_cast %scan3A_112 : i32 to index
          %get3A_183 = arith.constant 144 : index
          %get3A_184 = tpu.vector_load %arg10[%get3A_182, %get3A_183] {strides = array<i32>} : memref<16x1024xf32, #tpu.memory_space<vmem>>, vector<16xf32>,
          %mul3A_185 = arith.mulf %get3A_184, %gather3A_115 : vector<16xf32>
          %add3A_186 = arith.constant 144 : i32
          %add3A_187 = vector.broadcast %add3A_186 : i32 to vector<16xi32>
          %add3A_188 = arith.addi %add3A_187, %iota3A : vector<16xi32>
          tpu.vector_store_idx %arg11[%gather3A_118, %add3A_188], %mul3A_185 {add = true} : memref<64x1024xf32, #tpu.memory_space<vmem>>[vector<16xi32>, vector<16xi32>], vector<16xf32>,
          %get3A_189 = arith.index_cast %scan3A_112 : i32 to index
          %get3A_190 = arith.constant 160 : index
          %get3A_191 = tpu.vector_load %arg10[%get3A_189, %get3A_190] {strides = array<i32>} : memref<16x1024xf32, #tpu.memory_space<vmem>>, vector<16xf32>,
          %mul3A_192 = arith.mulf %get3A_191, %gather3A_115 : vector<16xf32>
          %add3A_193 = arith.constant 160 : i32
          %add3A_194 = vector.broadcast %add3A_193 : i32 to vector<16xi32>
          %add3A_195 = arith.addi %add3A_194, %iota3A : vector<16xi32>
          tpu.vector_store_idx %arg11[%gather3A_118, %add3A_195], %mul3A_192 {add = true} : memref<64x1024xf32, #tpu.memory_space<vmem>>[vector<16xi32>, vector<16xi32>], vector<16xf32>,
          %get3A_196 = arith.index_cast %scan3A_112 : i32 to index
          %get3A_197 = arith.constant 176 : index
          %get3A_198 = tpu.vector_load %arg10[%get3A_196, %get3A_197] {strides = array<i32>} : memref<16x1024xf32, #tpu.memory_space<vmem>>, vector<16xf32>,
          %mul3A_199 = arith.mulf %get3A_198, %gather3A_115 : vector<16xf32>
          %add3A_200 = arith.constant 176 : i32
          %add3A_201 = vector.broadcast %add3A_200 : i32 to vector<16xi32>
          %add3A_202 = arith.addi %add3A_201, %iota3A : vector<16xi32>
          tpu.vector_store_idx %arg11[%gather3A_118, %add3A_202], %mul3A_199 {add = true} : memref<64x1024xf32, #tpu.memory_space<vmem>>[vector<16xi32>, vector<16xi32>], vector<16xf32>,
          %get3A_203 = arith.index_cast %scan3A_112 : i32 to index
          %get3A_204 = arith.constant 192 : index
          %get3A_205 = tpu.vector_load %arg10[%get3A_203, %get3A_204] {strides = array<i32>} : memref<16x1024xf32, #tpu.memory_space<vmem>>, vector<16xf32>,
          %mul3A_206 = arith.mulf %get3A_205, %gather3A_115 : vector<16xf32>
          %add3A_207 = arith.constant 192 : i32
          %add3A_208 = vector.broadcast %add3A_207 : i32 to vector<16xi32>
          %add3A_209 = arith.addi %add3A_208, %iota3A : vector<16xi32>
          tpu.vector_store_idx %arg11[%gather3A_118, %add3A_209], %mul3A_206 {add = true} : memref<64x1024xf32, #tpu.memory_space<vmem>>[vector<16xi32>, vector<16xi32>], vector<16xf32>,
          %get3A_210 = arith.index_cast %scan3A_112 : i32 to index
          %get3A_211 = arith.constant 208 : index
          %get3A_212 = tpu.vector_load %arg10[%get3A_210, %get3A_211] {strides = array<i32>} : memref<16x1024xf32, #tpu.memory_space<vmem>>, vector<16xf32>,
          %mul3A_213 = arith.mulf %get3A_212, %gather3A_115 : vector<16xf32>
          %add3A_214 = arith.constant 208 : i32
          %add3A_215 = vector.broadcast %add3A_214 : i32 to vector<16xi32>
          %add3A_216 = arith.addi %add3A_215, %iota3A : vector<16xi32>
          tpu.vector_store_idx %arg11[%gather3A_118, %add3A_216], %mul3A_213 {add = true} : memref<64x1024xf32, #tpu.memory_space<vmem>>[vector<16xi32>, vector<16xi32>], vector<16xf32>,
          %get3A_217 = arith.index_cast %scan3A_112 : i32 to index
          %get3A_218 = arith.constant 224 : index
          %get3A_219 = tpu.vector_load %arg10[%get3A_217, %get3A_218] {strides = array<i32>} : memref<16x1024xf32, #tpu.memory_space<vmem>>, vector<16xf32>,
          %mul3A_220 = arith.mulf %get3A_219, %gather3A_115 : vector<16xf32>
          %add3A_221 = arith.constant 224 : i32
          %add3A_222 = vector.broadcast %add3A_221 : i32 to vector<16xi32>
          %add3A_223 = arith.addi %add3A_222, %iota3A : vector<16xi32>
          tpu.vector_store_idx %arg11[%gather3A_118, %add3A_223], %mul3A_220 {add = true} : memref<64x1024xf32, #tpu.memory_space<vmem>>[vector<16xi32>, vector<16xi32>], vector<16xf32>,
          %get3A_224 = arith.index_cast %scan3A_112 : i32 to index
          %get3A_225 = arith.constant 240 : index
          %get3A_226 = tpu.vector_load %arg10[%get3A_224, %get3A_225] {strides = array<i32>} : memref<16x1024xf32, #tpu.memory_space<vmem>>, vector<16xf32>,
          %mul3A_227 = arith.mulf %get3A_226, %gather3A_115 : vector<16xf32>
          %add3A_228 = arith.constant 240 : i32
          %add3A_229 = vector.broadcast %add3A_228 : i32 to vector<16xi32>
          %add3A_230 = arith.addi %add3A_229, %iota3A : vector<16xi32>
          tpu.vector_store_idx %arg11[%gather3A_118, %add3A_230], %mul3A_227 {add = true} : memref<64x1024xf32, #tpu.memory_space<vmem>>[vector<16xi32>, vector<16xi32>], vector<16xf32>,
          %get3A_231 = arith.index_cast %scan3A_112 : i32 to index
          %get3A_232 = arith.constant 256 : index
          %get3A_233 = tpu.vector_load %arg10[%get3A_231, %get3A_232] {strides = array<i32>} : memref<16x1024xf32, #tpu.memory_space<vmem>>, vector<16xf32>,
          %mul3A_234 = arith.mulf %get3A_233, %gather3A_115 : vector<16xf32>
          %add3A_235 = arith.constant 256 : i32
          %add3A_236 = vector.broadcast %add3A_235 : i32 to vector<16xi32>
          %add3A_237 = arith.addi %add3A_236, %iota3A : vector<16xi32>
          tpu.vector_store_idx %arg11[%gather3A_118, %add3A_237], %mul3A_234 {add = true} : memref<64x1024xf32, #tpu.memory_space<vmem>>[vector<16xi32>, vector<16xi32>], vector<16xf32>,
          %get3A_238 = arith.index_cast %scan3A_112 : i32 to index
          %get3A_239 = arith.constant 272 : index
          %get3A_240 = tpu.vector_load %arg10[%get3A_238, %get3A_239] {strides = array<i32>} : memref<16x1024xf32, #tpu.memory_space<vmem>>, vector<16xf32>,
          %mul3A_241 = arith.mulf %get3A_240, %gather3A_115 : vector<16xf32>
          %add3A_242 = arith.constant 272 : i32
          %add3A_243 = vector.broadcast %add3A_242 : i32 to vector<16xi32>
          %add3A_244 = arith.addi %add3A_243, %iota3A : vector<16xi32>
          tpu.vector_store_idx %arg11[%gather3A_118, %add3A_244], %mul3A_241 {add = true} : memref<64x1024xf32, #tpu.memory_space<vmem>>[vector<16xi32>, vector<16xi32>], vector<16xf32>,
          %get3A_245 = arith.index_cast %scan3A_112 : i32 to index
          %get3A_246 = arith.constant 288 : index
          %get3A_247 = tpu.vector_load %arg10[%get3A_245, %get3A_246] {strides = array<i32>} : memref<16x1024xf32, #tpu.memory_space<vmem>>, vector<16xf32>,
          %mul3A_248 = arith.mulf %get3A_247, %gather3A_115 : vector<16xf32>
          %add3A_249 = arith.constant 288 : i32
          %add3A_250 = vector.broadcast %add3A_249 : i32 to vector<16xi32>
          %add3A_251 = arith.addi %add3A_250, %iota3A : vector<16xi32>
          tpu.vector_store_idx %arg11[%gather3A_118, %add3A_251], %mul3A_248 {add = true} : memref<64x1024xf32, #tpu.memory_space<vmem>>[vector<16xi32>, vector<16xi32>], vector<16xf32>,
          %get3A_252 = arith.index_cast %scan3A_112 : i32 to index
          %get3A_253 = arith.constant 304 : index
          %get3A_254 = tpu.vector_load %arg10[%get3A_252, %get3A_253] {strides = array<i32>} : memref<16x1024xf32, #tpu.memory_space<vmem>>, vector<16xf32>,
          %mul3A_255 = arith.mulf %get3A_254, %gather3A_115 : vector<16xf32>
          %add3A_256 = arith.constant 304 : i32
          %add3A_257 = vector.broadcast %add3A_256 : i32 to vector<16xi32>
          %add3A_258 = arith.addi %add3A_257, %iota3A : vector<16xi32>
          tpu.vector_store_idx %arg11[%gather3A_118, %add3A_258], %mul3A_255 {add = true} : memref<64x1024xf32, #tpu.memory_space<vmem>>[vector<16xi32>, vector<16xi32>], vector<16xf32>,
          %get3A_259 = arith.index_cast %scan3A_112 : i32 to index
          %get3A_260 = arith.constant 320 : index
          %get3A_261 = tpu.vector_load %arg10[%get3A_259, %get3A_260] {strides = array<i32>} : memref<16x1024xf32, #tpu.memory_space<vmem>>, vector<16xf32>,
          %mul3A_262 = arith.mulf %get3A_261, %gather3A_115 : vector<16xf32>
          %add3A_263 = arith.constant 320 : i32
          %add3A_264 = vector.broadcast %add3A_263 : i32 to vector<16xi32>
          %add3A_265 = arith.addi %add3A_264, %iota3A : vector<16xi32>
          tpu.vector_store_idx %arg11[%gather3A_118, %add3A_265], %mul3A_262 {add = true} : memref<64x1024xf32, #tpu.memory_space<vmem>>[vector<16xi32>, vector<16xi32>], vector<16xf32>,
          %get3A_266 = arith.index_cast %scan3A_112 : i32 to index
          %get3A_267 = arith.constant 336 : index
          %get3A_268 = tpu.vector_load %arg10[%get3A_266, %get3A_267] {strides = array<i32>} : memref<16x1024xf32, #tpu.memory_space<vmem>>, vector<16xf32>,
          %mul3A_269 = arith.mulf %get3A_268, %gather3A_115 : vector<16xf32>
          %add3A_270 = arith.constant 336 : i32
          %add3A_271 = vector.broadcast %add3A_270 : i32 to vector<16xi32>
          %add3A_272 = arith.addi %add3A_271, %iota3A : vector<16xi32>
          tpu.vector_store_idx %arg11[%gather3A_118, %add3A_272], %mul3A_269 {add = true} : memref<64x1024xf32, #tpu.memory_space<vmem>>[vector<16xi32>, vector<16xi32>], vector<16xf32>,
          %get3A_273 = arith.index_cast %scan3A_112 : i32 to index
          %get3A_274 = arith.constant 352 : index
          %get3A_275 = tpu.vector_load %arg10[%get3A_273, %get3A_274] {strides = array<i32>} : memref<16x1024xf32, #tpu.memory_space<vmem>>, vector<16xf32>,
          %mul3A_276 = arith.mulf %get3A_275, %gather3A_115 : vector<16xf32>
          %add3A_277 = arith.constant 352 : i32
          %add3A_278 = vector.broadcast %add3A_277 : i32 to vector<16xi32>
          %add3A_279 = arith.addi %add3A_278, %iota3A : vector<16xi32>
          tpu.vector_store_idx %arg11[%gather3A_118, %add3A_279], %mul3A_276 {add = true} : memref<64x1024xf32, #tpu.memory_space<vmem>>[vector<16xi32>, vector<16xi32>], vector<16xf32>,
          %get3A_280 = arith.index_cast %scan3A_112 : i32 to index
          %get3A_281 = arith.constant 368 : index
          %get3A_282 = tpu.vector_load %arg10[%get3A_280, %get3A_281] {strides = array<i32>} : memref<16x1024xf32, #tpu.memory_space<vmem>>, vector<16xf32>,
          %mul3A_283 = arith.mulf %get3A_282, %gather3A_115 : vector<16xf32>
          %add3A_284 = arith.constant 368 : i32
          %add3A_285 = vector.broadcast %add3A_284 : i32 to vector<16xi32>
          %add3A_286 = arith.addi %add3A_285, %iota3A : vector<16xi32>
          tpu.vector_store_idx %arg11[%gather3A_118, %add3A_286], %mul3A_283 {add = true} : memref<64x1024xf32, #tpu.memory_space<vmem>>[vector<16xi32>, vector<16xi32>], vector<16xf32>,
          %get3A_287 = arith.index_cast %scan3A_112 : i32 to index
          %get3A_288 = arith.constant 384 : index
          %get3A_289 = tpu.vector_load %arg10[%get3A_287, %get3A_288] {strides = array<i32>} : memref<16x1024xf32, #tpu.memory_space<vmem>>, vector<16xf32>,
          %mul3A_290 = arith.mulf %get3A_289, %gather3A_115 : vector<16xf32>
          %add3A_291 = arith.constant 384 : i32
          %add3A_292 = vector.broadcast %add3A_291 : i32 to vector<16xi32>
          %add3A_293 = arith.addi %add3A_292, %iota3A : vector<16xi32>
          tpu.vector_store_idx %arg11[%gather3A_118, %add3A_293], %mul3A_290 {add = true} : memref<64x1024xf32, #tpu.memory_space<vmem>>[vector<16xi32>, vector<16xi32>], vector<16xf32>,
          %get3A_294 = arith.index_cast %scan3A_112 : i32 to index
          %get3A_295 = arith.constant 400 : index
          %get3A_296 = tpu.vector_load %arg10[%get3A_294, %get3A_295] {strides = array<i32>} : memref<16x1024xf32, #tpu.memory_space<vmem>>, vector<16xf32>,
          %mul3A_297 = arith.mulf %get3A_296, %gather3A_115 : vector<16xf32>
          %add3A_298 = arith.constant 400 : i32
          %add3A_299 = vector.broadcast %add3A_298 : i32 to vector<16xi32>
          %add3A_300 = arith.addi %add3A_299, %iota3A : vector<16xi32>
          tpu.vector_store_idx %arg11[%gather3A_118, %add3A_300], %mul3A_297 {add = true} : memref<64x1024xf32, #tpu.memory_space<vmem>>[vector<16xi32>, vector<16xi32>], vector<16xf32>,
          %get3A_301 = arith.index_cast %scan3A_112 : i32 to index
          %get3A_302 = arith.constant 416 : index
          %get3A_303 = tpu.vector_load %arg10[%get3A_301, %get3A_302] {strides = array<i32>} : memref<16x1024xf32, #tpu.memory_space<vmem>>, vector<16xf32>,
          %mul3A_304 = arith.mulf %get3A_303, %gather3A_115 : vector<16xf32>
          %add3A_305 = arith.constant 416 : i32
          %add3A_306 = vector.broadcast %add3A_305 : i32 to vector<16xi32>
          %add3A_307 = arith.addi %add3A_306, %iota3A : vector<16xi32>
          tpu.vector_store_idx %arg11[%gather3A_118, %add3A_307], %mul3A_304 {add = true} : memref<64x1024xf32, #tpu.memory_space<vmem>>[vector<16xi32>, vector<16xi32>], vector<16xf32>,
          %get3A_308 = arith.index_cast %scan3A_112 : i32 to index
          %get3A_309 = arith.constant 432 : index
          %get3A_310 = tpu.vector_load %arg10[%get3A_308, %get3A_309] {strides = array<i32>} : memref<16x1024xf32, #tpu.memory_space<vmem>>, vector<16xf32>,
          %mul3A_311 = arith.mulf %get3A_310, %gather3A_115 : vector<16xf32>
          %add3A_312 = arith.constant 432 : i32
          %add3A_313 = vector.broadcast %add3A_312 : i32 to vector<16xi32>
          %add3A_314 = arith.addi %add3A_313, %iota3A : vector<16xi32>
          tpu.vector_store_idx %arg11[%gather3A_118, %add3A_314], %mul3A_311 {add = true} : memref<64x1024xf32, #tpu.memory_space<vmem>>[vector<16xi32>, vector<16xi32>], vector<16xf32>,
          %get3A_315 = arith.index_cast %scan3A_112 : i32 to index
          %get3A_316 = arith.constant 448 : index
          %get3A_317 = tpu.vector_load %arg10[%get3A_315, %get3A_316] {strides = array<i32>} : memref<16x1024xf32, #tpu.memory_space<vmem>>, vector<16xf32>,
          %mul3A_318 = arith.mulf %get3A_317, %gather3A_115 : vector<16xf32>
          %add3A_319 = arith.constant 448 : i32
          %add3A_320 = vector.broadcast %add3A_319 : i32 to vector<16xi32>
          %add3A_321 = arith.addi %add3A_320, %iota3A : vector<16xi32>
          tpu.vector_store_idx %arg11[%gather3A_118, %add3A_321], %mul3A_318 {add = true} : memref<64x1024xf32, #tpu.memory_space<vmem>>[vector<16xi32>, vector<16xi32>], vector<16xf32>,
          %get3A_322 = arith.index_cast %scan3A_112 : i32 to index
          %get3A_323 = arith.constant 464 : index
          %get3A_324 = tpu.vector_load %arg10[%get3A_322, %get3A_323] {strides = array<i32>} : memref<16x1024xf32, #tpu.memory_space<vmem>>, vector<16xf32>,
          %mul3A_325 = arith.mulf %get3A_324, %gather3A_115 : vector<16xf32>
          %add3A_326 = arith.constant 464 : i32
          %add3A_327 = vector.broadcast %add3A_326 : i32 to vector<16xi32>
          %add3A_328 = arith.addi %add3A_327, %iota3A : vector<16xi32>
          tpu.vector_store_idx %arg11[%gather3A_118, %add3A_328], %mul3A_325 {add = true} : memref<64x1024xf32, #tpu.memory_space<vmem>>[vector<16xi32>, vector<16xi32>], vector<16xf32>,
          %get3A_329 = arith.index_cast %scan3A_112 : i32 to index
          %get3A_330 = arith.constant 480 : index
          %get3A_331 = tpu.vector_load %arg10[%get3A_329, %get3A_330] {strides = array<i32>} : memref<16x1024xf32, #tpu.memory_space<vmem>>, vector<16xf32>,
          %mul3A_332 = arith.mulf %get3A_331, %gather3A_115 : vector<16xf32>
          %add3A_333 = arith.constant 480 : i32
          %add3A_334 = vector.broadcast %add3A_333 : i32 to vector<16xi32>
          %add3A_335 = arith.addi %add3A_334, %iota3A : vector<16xi32>
          tpu.vector_store_idx %arg11[%gather3A_118, %add3A_335], %mul3A_332 {add = true} : memref<64x1024xf32, #tpu.memory_space<vmem>>[vector<16xi32>, vector<16xi32>], vector<16xf32>,
          %get3A_336 = arith.index_cast %scan3A_112 : i32 to index
          %get3A_337 = arith.constant 496 : index
          %get3A_338 = tpu.vector_load %arg10[%get3A_336, %get3A_337] {strides = array<i32>} : memref<16x1024xf32, #tpu.memory_space<vmem>>, vector<16xf32>,
          %mul3A_339 = arith.mulf %get3A_338, %gather3A_115 : vector<16xf32>
          %add3A_340 = arith.constant 496 : i32
          %add3A_341 = vector.broadcast %add3A_340 : i32 to vector<16xi32>
          %add3A_342 = arith.addi %add3A_341, %iota3A : vector<16xi32>
          tpu.vector_store_idx %arg11[%gather3A_118, %add3A_342], %mul3A_339 {add = true} : memref<64x1024xf32, #tpu.memory_space<vmem>>[vector<16xi32>, vector<16xi32>], vector<16xf32>,
          %get3A_343 = arith.index_cast %scan3A_112 : i32 to index
          %get3A_344 = arith.constant 512 : index
          %get3A_345 = tpu.vector_load %arg10[%get3A_343, %get3A_344] {strides = array<i32>} : memref<16x1024xf32, #tpu.memory_space<vmem>>, vector<16xf32>,
          %mul3A_346 = arith.mulf %get3A_345, %gather3A_115 : vector<16xf32>
          %add3A_347 = arith.constant 512 : i32
          %add3A_348 = vector.broadcast %add3A_347 : i32 to vector<16xi32>
          %add3A_349 = arith.addi %add3A_348, %iota3A : vector<16xi32>
          tpu.vector_store_idx %arg11[%gather3A_118, %add3A_349], %mul3A_346 {add = true} : memref<64x1024xf32, #tpu.memory_space<vmem>>[vector<16xi32>, vector<16xi32>], vector<16xf32>,
          %get3A_350 = arith.index_cast %scan3A_112 : i32 to index
          %get3A_351 = arith.constant 528 : index
          %get3A_352 = tpu.vector_load %arg10[%get3A_350, %get3A_351] {strides = array<i32>} : memref<16x1024xf32, #tpu.memory_space<vmem>>, vector<16xf32>,
          %mul3A_353 = arith.mulf %get3A_352, %gather3A_115 : vector<16xf32>
          %add3A_354 = arith.constant 528 : i32
          %add3A_355 = vector.broadcast %add3A_354 : i32 to vector<16xi32>
          %add3A_356 = arith.addi %add3A_355, %iota3A : vector<16xi32>
          tpu.vector_store_idx %arg11[%gather3A_118, %add3A_356], %mul3A_353 {add = true} : memref<64x1024xf32, #tpu.memory_space<vmem>>[vector<16xi32>, vector<16xi32>], vector<16xf32>,
          %get3A_357 = arith.index_cast %scan3A_112 : i32 to index
          %get3A_358 = arith.constant 544 : index
          %get3A_359 = tpu.vector_load %arg10[%get3A_357, %get3A_358] {strides = array<i32>} : memref<16x1024xf32, #tpu.memory_space<vmem>>, vector<16xf32>,
          %mul3A_360 = arith.mulf %get3A_359, %gather3A_115 : vector<16xf32>
          %add3A_361 = arith.constant 544 : i32
          %add3A_362 = vector.broadcast %add3A_361 : i32 to vector<16xi32>
          %add3A_363 = arith.addi %add3A_362, %iota3A : vector<16xi32>
          tpu.vector_store_idx %arg11[%gather3A_118, %add3A_363], %mul3A_360 {add = true} : memref<64x1024xf32, #tpu.memory_space<vmem>>[vector<16xi32>, vector<16xi32>], vector<16xf32>,
          %get3A_364 = arith.index_cast %scan3A_112 : i32 to index
          %get3A_365 = arith.constant 560 : index
          %get3A_366 = tpu.vector_load %arg10[%get3A_364, %get3A_365] {strides = array<i32>} : memref<16x1024xf32, #tpu.memory_space<vmem>>, vector<16xf32>,
          %mul3A_367 = arith.mulf %get3A_366, %gather3A_115 : vector<16xf32>
          %add3A_368 = arith.constant 560 : i32
          %add3A_369 = vector.broadcast %add3A_368 : i32 to vector<16xi32>
          %add3A_370 = arith.addi %add3A_369, %iota3A : vector<16xi32>
          tpu.vector_store_idx %arg11[%gather3A_118, %add3A_370], %mul3A_367 {add = true} : memref<64x1024xf32, #tpu.memory_space<vmem>>[vector<16xi32>, vector<16xi32>], vector<16xf32>,
          %get3A_371 = arith.index_cast %scan3A_112 : i32 to index
          %get3A_372 = arith.constant 576 : index
          %get3A_373 = tpu.vector_load %arg10[%get3A_371, %get3A_372] {strides = array<i32>} : memref<16x1024xf32, #tpu.memory_space<vmem>>, vector<16xf32>,
          %mul3A_374 = arith.mulf %get3A_373, %gather3A_115 : vector<16xf32>
          %add3A_375 = arith.constant 576 : i32
          %add3A_376 = vector.broadcast %add3A_375 : i32 to vector<16xi32>
          %add3A_377 = arith.addi %add3A_376, %iota3A : vector<16xi32>
          tpu.vector_store_idx %arg11[%gather3A_118, %add3A_377], %mul3A_374 {add = true} : memref<64x1024xf32, #tpu.memory_space<vmem>>[vector<16xi32>, vector<16xi32>], vector<16xf32>,
          %get3A_378 = arith.index_cast %scan3A_112 : i32 to index
          %get3A_379 = arith.constant 592 : index
          %get3A_380 = tpu.vector_load %arg10[%get3A_378, %get3A_379] {strides = array<i32>} : memref<16x1024xf32, #tpu.memory_space<vmem>>, vector<16xf32>,
          %mul3A_381 = arith.mulf %get3A_380, %gather3A_115 : vector<16xf32>
          %add3A_382 = arith.constant 592 : i32
          %add3A_383 = vector.broadcast %add3A_382 : i32 to vector<16xi32>
          %add3A_384 = arith.addi %add3A_383, %iota3A : vector<16xi32>
          tpu.vector_store_idx %arg11[%gather3A_118, %add3A_384], %mul3A_381 {add = true} : memref<64x1024xf32, #tpu.memory_space<vmem>>[vector<16xi32>, vector<16xi32>], vector<16xf32>,
          %get3A_385 = arith.index_cast %scan3A_112 : i32 to index
          %get3A_386 = arith.constant 608 : index
          %get3A_387 = tpu.vector_load %arg10[%get3A_385, %get3A_386] {strides = array<i32>} : memref<16x1024xf32, #tpu.memory_space<vmem>>, vector<16xf32>,
          %mul3A_388 = arith.mulf %get3A_387, %gather3A_115 : vector<16xf32>
          %add3A_389 = arith.constant 608 : i32
          %add3A_390 = vector.broadcast %add3A_389 : i32 to vector<16xi32>
          %add3A_391 = arith.addi %add3A_390, %iota3A : vector<16xi32>
          tpu.vector_store_idx %arg11[%gather3A_118, %add3A_391], %mul3A_388 {add = true} : memref<64x1024xf32, #tpu.memory_space<vmem>>[vector<16xi32>, vector<16xi32>], vector<16xf32>,
          %get3A_392 = arith.index_cast %scan3A_112 : i32 to index
          %get3A_393 = arith.constant 624 : index
          %get3A_394 = tpu.vector_load %arg10[%get3A_392, %get3A_393] {strides = array<i32>} : memref<16x1024xf32, #tpu.memory_space<vmem>>, vector<16xf32>,
          %mul3A_395 = arith.mulf %get3A_394, %gather3A_115 : vector<16xf32>
          %add3A_396 = arith.constant 624 : i32
          %add3A_397 = vector.broadcast %add3A_396 : i32 to vector<16xi32>
          %add3A_398 = arith.addi %add3A_397, %iota3A : vector<16xi32>
          tpu.vector_store_idx %arg11[%gather3A_118, %add3A_398], %mul3A_395 {add = true} : memref<64x1024xf32, #tpu.memory_space<vmem>>[vector<16xi32>, vector<16xi32>], vector<16xf32>,
          %get3A_399 = arith.index_cast %scan3A_112 : i32 to index
          %get3A_400 = arith.constant 640 : index
          %get3A_401 = tpu.vector_load %arg10[%get3A_399, %get3A_400] {strides = array<i32>} : memref<16x1024xf32, #tpu.memory_space<vmem>>, vector<16xf32>,
          %mul3A_402 = arith.mulf %get3A_401, %gather3A_115 : vector<16xf32>
          %add3A_403 = arith.constant 640 : i32
          %add3A_404 = vector.broadcast %add3A_403 : i32 to vector<16xi32>
          %add3A_405 = arith.addi %add3A_404, %iota3A : vector<16xi32>
          tpu.vector_store_idx %arg11[%gather3A_118, %add3A_405], %mul3A_402 {add = true} : memref<64x1024xf32, #tpu.memory_space<vmem>>[vector<16xi32>, vector<16xi32>], vector<16xf32>,
          %get3A_406 = arith.index_cast %scan3A_112 : i32 to index
          %get3A_407 = arith.constant 656 : index
          %get3A_408 = tpu.vector_load %arg10[%get3A_406, %get3A_407] {strides = array<i32>} : memref<16x1024xf32, #tpu.memory_space<vmem>>, vector<16xf32>,
          %mul3A_409 = arith.mulf %get3A_408, %gather3A_115 : vector<16xf32>
          %add3A_410 = arith.constant 656 : i32
          %add3A_411 = vector.broadcast %add3A_410 : i32 to vector<16xi32>
          %add3A_412 = arith.addi %add3A_411, %iota3A : vector<16xi32>
          tpu.vector_store_idx %arg11[%gather3A_118, %add3A_412], %mul3A_409 {add = true} : memref<64x1024xf32, #tpu.memory_space<vmem>>[vector<16xi32>, vector<16xi32>], vector<16xf32>,
          %get3A_413 = arith.index_cast %scan3A_112 : i32 to index
          %get3A_414 = arith.constant 672 : index
          %get3A_415 = tpu.vector_load %arg10[%get3A_413, %get3A_414] {strides = array<i32>} : memref<16x1024xf32, #tpu.memory_space<vmem>>, vector<16xf32>,
          %mul3A_416 = arith.mulf %get3A_415, %gather3A_115 : vector<16xf32>
          %add3A_417 = arith.constant 672 : i32
          %add3A_418 = vector.broadcast %add3A_417 : i32 to vector<16xi32>
          %add3A_419 = arith.addi %add3A_418, %iota3A : vector<16xi32>
          tpu.vector_store_idx %arg11[%gather3A_118, %add3A_419], %mul3A_416 {add = true} : memref<64x1024xf32, #tpu.memory_space<vmem>>[vector<16xi32>, vector<16xi32>], vector<16xf32>,
          %get3A_420 = arith.index_cast %scan3A_112 : i32 to index
          %get3A_421 = arith.constant 688 : index
          %get3A_422 = tpu.vector_load %arg10[%get3A_420, %get3A_421] {strides = array<i32>} : memref<16x1024xf32, #tpu.memory_space<vmem>>, vector<16xf32>,
          %mul3A_423 = arith.mulf %get3A_422, %gather3A_115 : vector<16xf32>
          %add3A_424 = arith.constant 688 : i32
          %add3A_425 = vector.broadcast %add3A_424 : i32 to vector<16xi32>
          %add3A_426 = arith.addi %add3A_425, %iota3A : vector<16xi32>
          tpu.vector_store_idx %arg11[%gather3A_118, %add3A_426], %mul3A_423 {add = true} : memref<64x1024xf32, #tpu.memory_space<vmem>>[vector<16xi32>, vector<16xi32>], vector<16xf32>,
          %get3A_427 = arith.index_cast %scan3A_112 : i32 to index
          %get3A_428 = arith.constant 704 : index
          %get3A_429 = tpu.vector_load %arg10[%get3A_427, %get3A_428] {strides = array<i32>} : memref<16x1024xf32, #tpu.memory_space<vmem>>, vector<16xf32>,
          %mul3A_430 = arith.mulf %get3A_429, %gather3A_115 : vector<16xf32>
          %add3A_431 = arith.constant 704 : i32
          %add3A_432 = vector.broadcast %add3A_431 : i32 to vector<16xi32>
          %add3A_433 = arith.addi %add3A_432, %iota3A : vector<16xi32>
          tpu.vector_store_idx %arg11[%gather3A_118, %add3A_433], %mul3A_430 {add = true} : memref<64x1024xf32, #tpu.memory_space<vmem>>[vector<16xi32>, vector<16xi32>], vector<16xf32>,
          %get3A_434 = arith.index_cast %scan3A_112 : i32 to index
          %get3A_435 = arith.constant 720 : index
          %get3A_436 = tpu.vector_load %arg10[%get3A_434, %get3A_435] {strides = array<i32>} : memref<16x1024xf32, #tpu.memory_space<vmem>>, vector<16xf32>,
          %mul3A_437 = arith.mulf %get3A_436, %gather3A_115 : vector<16xf32>
          %add3A_438 = arith.constant 720 : i32
          %add3A_439 = vector.broadcast %add3A_438 : i32 to vector<16xi32>
          %add3A_440 = arith.addi %add3A_439, %iota3A : vector<16xi32>
          tpu.vector_store_idx %arg11[%gather3A_118, %add3A_440], %mul3A_437 {add = true} : memref<64x1024xf32, #tpu.memory_space<vmem>>[vector<16xi32>, vector<16xi32>], vector<16xf32>,
          %get3A_441 = arith.index_cast %scan3A_112 : i32 to index
          %get3A_442 = arith.constant 736 : index
          %get3A_443 = tpu.vector_load %arg10[%get3A_441, %get3A_442] {strides = array<i32>} : memref<16x1024xf32, #tpu.memory_space<vmem>>, vector<16xf32>,
          %mul3A_444 = arith.mulf %get3A_443, %gather3A_115 : vector<16xf32>
          %add3A_445 = arith.constant 736 : i32
          %add3A_446 = vector.broadcast %add3A_445 : i32 to vector<16xi32>
          %add3A_447 = arith.addi %add3A_446, %iota3A : vector<16xi32>
          tpu.vector_store_idx %arg11[%gather3A_118, %add3A_447], %mul3A_444 {add = true} : memref<64x1024xf32, #tpu.memory_space<vmem>>[vector<16xi32>, vector<16xi32>], vector<16xf32>,
          %get3A_448 = arith.index_cast %scan3A_112 : i32 to index
          %get3A_449 = arith.constant 752 : index
          %get3A_450 = tpu.vector_load %arg10[%get3A_448, %get3A_449] {strides = array<i32>} : memref<16x1024xf32, #tpu.memory_space<vmem>>, vector<16xf32>,
          %mul3A_451 = arith.mulf %get3A_450, %gather3A_115 : vector<16xf32>
          %add3A_452 = arith.constant 752 : i32
          %add3A_453 = vector.broadcast %add3A_452 : i32 to vector<16xi32>
          %add3A_454 = arith.addi %add3A_453, %iota3A : vector<16xi32>
          tpu.vector_store_idx %arg11[%gather3A_118, %add3A_454], %mul3A_451 {add = true} : memref<64x1024xf32, #tpu.memory_space<vmem>>[vector<16xi32>, vector<16xi32>], vector<16xf32>,
          %get3A_455 = arith.index_cast %scan3A_112 : i32 to index
          %get3A_456 = arith.constant 768 : index
          %get3A_457 = tpu.vector_load %arg10[%get3A_455, %get3A_456] {strides = array<i32>} : memref<16x1024xf32, #tpu.memory_space<vmem>>, vector<16xf32>,
          %mul3A_458 = arith.mulf %get3A_457, %gather3A_115 : vector<16xf32>
          %add3A_459 = arith.constant 768 : i32
          %add3A_460 = vector.broadcast %add3A_459 : i32 to vector<16xi32>
          %add3A_461 = arith.addi %add3A_460, %iota3A : vector<16xi32>
          tpu.vector_store_idx %arg11[%gather3A_118, %add3A_461], %mul3A_458 {add = true} : memref<64x1024xf32, #tpu.memory_space<vmem>>[vector<16xi32>, vector<16xi32>], vector<16xf32>,
          %get3A_462 = arith.index_cast %scan3A_112 : i32 to index
          %get3A_463 = arith.constant 784 : index
          %get3A_464 = tpu.vector_load %arg10[%get3A_462, %get3A_463] {strides = array<i32>} : memref<16x1024xf32, #tpu.memory_space<vmem>>, vector<16xf32>,
          %mul3A_465 = arith.mulf %get3A_464, %gather3A_115 : vector<16xf32>
          %add3A_466 = arith.constant 784 : i32
          %add3A_467 = vector.broadcast %add3A_466 : i32 to vector<16xi32>
          %add3A_468 = arith.addi %add3A_467, %iota3A : vector<16xi32>
          tpu.vector_store_idx %arg11[%gather3A_118, %add3A_468], %mul3A_465 {add = true} : memref<64x1024xf32, #tpu.memory_space<vmem>>[vector<16xi32>, vector<16xi32>], vector<16xf32>,
          %get3A_469 = arith.index_cast %scan3A_112 : i32 to index
          %get3A_470 = arith.constant 800 : index
          %get3A_471 = tpu.vector_load %arg10[%get3A_469, %get3A_470] {strides = array<i32>} : memref<16x1024xf32, #tpu.memory_space<vmem>>, vector<16xf32>,
          %mul3A_472 = arith.mulf %get3A_471, %gather3A_115 : vector<16xf32>
          %add3A_473 = arith.constant 800 : i32
          %add3A_474 = vector.broadcast %add3A_473 : i32 to vector<16xi32>
          %add3A_475 = arith.addi %add3A_474, %iota3A : vector<16xi32>
          tpu.vector_store_idx %arg11[%gather3A_118, %add3A_475], %mul3A_472 {add = true} : memref<64x1024xf32, #tpu.memory_space<vmem>>[vector<16xi32>, vector<16xi32>], vector<16xf32>,
          %get3A_476 = arith.index_cast %scan3A_112 : i32 to index
          %get3A_477 = arith.constant 816 : index
          %get3A_478 = tpu.vector_load %arg10[%get3A_476, %get3A_477] {strides = array<i32>} : memref<16x1024xf32, #tpu.memory_space<vmem>>, vector<16xf32>,
          %mul3A_479 = arith.mulf %get3A_478, %gather3A_115 : vector<16xf32>
          %add3A_480 = arith.constant 816 : i32
          %add3A_481 = vector.broadcast %add3A_480 : i32 to vector<16xi32>
          %add3A_482 = arith.addi %add3A_481, %iota3A : vector<16xi32>
          tpu.vector_store_idx %arg11[%gather3A_118, %add3A_482], %mul3A_479 {add = true} : memref<64x1024xf32, #tpu.memory_space<vmem>>[vector<16xi32>, vector<16xi32>], vector<16xf32>,
          %get3A_483 = arith.index_cast %scan3A_112 : i32 to index
          %get3A_484 = arith.constant 832 : index
          %get3A_485 = tpu.vector_load %arg10[%get3A_483, %get3A_484] {strides = array<i32>} : memref<16x1024xf32, #tpu.memory_space<vmem>>, vector<16xf32>,
          %mul3A_486 = arith.mulf %get3A_485, %gather3A_115 : vector<16xf32>
          %add3A_487 = arith.constant 832 : i32
          %add3A_488 = vector.broadcast %add3A_487 : i32 to vector<16xi32>
          %add3A_489 = arith.addi %add3A_488, %iota3A : vector<16xi32>
          tpu.vector_store_idx %arg11[%gather3A_118, %add3A_489], %mul3A_486 {add = true} : memref<64x1024xf32, #tpu.memory_space<vmem>>[vector<16xi32>, vector<16xi32>], vector<16xf32>,
          %get3A_490 = arith.index_cast %scan3A_112 : i32 to index
          %get3A_491 = arith.constant 848 : index
          %get3A_492 = tpu.vector_load %arg10[%get3A_490, %get3A_491] {strides = array<i32>} : memref<16x1024xf32, #tpu.memory_space<vmem>>, vector<16xf32>,
          %mul3A_493 = arith.mulf %get3A_492, %gather3A_115 : vector<16xf32>
          %add3A_494 = arith.constant 848 : i32
          %add3A_495 = vector.broadcast %add3A_494 : i32 to vector<16xi32>
          %add3A_496 = arith.addi %add3A_495, %iota3A : vector<16xi32>
          tpu.vector_store_idx %arg11[%gather3A_118, %add3A_496], %mul3A_493 {add = true} : memref<64x1024xf32, #tpu.memory_space<vmem>>[vector<16xi32>, vector<16xi32>], vector<16xf32>,
          %get3A_497 = arith.index_cast %scan3A_112 : i32 to index
          %get3A_498 = arith.constant 864 : index
          %get3A_499 = tpu.vector_load %arg10[%get3A_497, %get3A_498] {strides = array<i32>} : memref<16x1024xf32, #tpu.memory_space<vmem>>, vector<16xf32>,
          %mul3A_500 = arith.mulf %get3A_499, %gather3A_115 : vector<16xf32>
          %add3A_501 = arith.constant 864 : i32
          %add3A_502 = vector.broadcast %add3A_501 : i32 to vector<16xi32>
          %add3A_503 = arith.addi %add3A_502, %iota3A : vector<16xi32>
          tpu.vector_store_idx %arg11[%gather3A_118, %add3A_503], %mul3A_500 {add = true} : memref<64x1024xf32, #tpu.memory_space<vmem>>[vector<16xi32>, vector<16xi32>], vector<16xf32>,
          %get3A_504 = arith.index_cast %scan3A_112 : i32 to index
          %get3A_505 = arith.constant 880 : index
          %get3A_506 = tpu.vector_load %arg10[%get3A_504, %get3A_505] {strides = array<i32>} : memref<16x1024xf32, #tpu.memory_space<vmem>>, vector<16xf32>,
          %mul3A_507 = arith.mulf %get3A_506, %gather3A_115 : vector<16xf32>
          %add3A_508 = arith.constant 880 : i32
          %add3A_509 = vector.broadcast %add3A_508 : i32 to vector<16xi32>
          %add3A_510 = arith.addi %add3A_509, %iota3A : vector<16xi32>
          tpu.vector_store_idx %arg11[%gather3A_118, %add3A_510], %mul3A_507 {add = true} : memref<64x1024xf32, #tpu.memory_space<vmem>>[vector<16xi32>, vector<16xi32>], vector<16xf32>,
          %get3A_511 = arith.index_cast %scan3A_112 : i32 to index
          %get3A_512 = arith.constant 896 : index
          %get3A_513 = tpu.vector_load %arg10[%get3A_511, %get3A_512] {strides = array<i32>} : memref<16x1024xf32, #tpu.memory_space<vmem>>, vector<16xf32>,
          %mul3A_514 = arith.mulf %get3A_513, %gather3A_115 : vector<16xf32>
          %add3A_515 = arith.constant 896 : i32
          %add3A_516 = vector.broadcast %add3A_515 : i32 to vector<16xi32>
          %add3A_517 = arith.addi %add3A_516, %iota3A : vector<16xi32>
          tpu.vector_store_idx %arg11[%gather3A_118, %add3A_517], %mul3A_514 {add = true} : memref<64x1024xf32, #tpu.memory_space<vmem>>[vector<16xi32>, vector<16xi32>], vector<16xf32>,
          %get3A_518 = arith.index_cast %scan3A_112 : i32 to index
          %get3A_519 = arith.constant 912 : index
          %get3A_520 = tpu.vector_load %arg10[%get3A_518, %get3A_519] {strides = array<i32>} : memref<16x1024xf32, #tpu.memory_space<vmem>>, vector<16xf32>,
          %mul3A_521 = arith.mulf %get3A_520, %gather3A_115 : vector<16xf32>
          %add3A_522 = arith.constant 912 : i32
          %add3A_523 = vector.broadcast %add3A_522 : i32 to vector<16xi32>
          %add3A_524 = arith.addi %add3A_523, %iota3A : vector<16xi32>
          tpu.vector_store_idx %arg11[%gather3A_118, %add3A_524], %mul3A_521 {add = true} : memref<64x1024xf32, #tpu.memory_space<vmem>>[vector<16xi32>, vector<16xi32>], vector<16xf32>,
          %get3A_525 = arith.index_cast %scan3A_112 : i32 to index
          %get3A_526 = arith.constant 928 : index
          %get3A_527 = tpu.vector_load %arg10[%get3A_525, %get3A_526] {strides = array<i32>} : memref<16x1024xf32, #tpu.memory_space<vmem>>, vector<16xf32>,
          %mul3A_528 = arith.mulf %get3A_527, %gather3A_115 : vector<16xf32>
          %add3A_529 = arith.constant 928 : i32
          %add3A_530 = vector.broadcast %add3A_529 : i32 to vector<16xi32>
          %add3A_531 = arith.addi %add3A_530, %iota3A : vector<16xi32>
          tpu.vector_store_idx %arg11[%gather3A_118, %add3A_531], %mul3A_528 {add = true} : memref<64x1024xf32, #tpu.memory_space<vmem>>[vector<16xi32>, vector<16xi32>], vector<16xf32>,
          %get3A_532 = arith.index_cast %scan3A_112 : i32 to index
          %get3A_533 = arith.constant 944 : index
          %get3A_534 = tpu.vector_load %arg10[%get3A_532, %get3A_533] {strides = array<i32>} : memref<16x1024xf32, #tpu.memory_space<vmem>>, vector<16xf32>,
          %mul3A_535 = arith.mulf %get3A_534, %gather3A_115 : vector<16xf32>
          %add3A_536 = arith.constant 944 : i32
          %add3A_537 = vector.broadcast %add3A_536 : i32 to vector<16xi32>
          %add3A_538 = arith.addi %add3A_537, %iota3A : vector<16xi32>
          tpu.vector_store_idx %arg11[%gather3A_118, %add3A_538], %mul3A_535 {add = true} : memref<64x1024xf32, #tpu.memory_space<vmem>>[vector<16xi32>, vector<16xi32>], vector<16xf32>,
          %get3A_539 = arith.index_cast %scan3A_112 : i32 to index
          %get3A_540 = arith.constant 960 : index
          %get3A_541 = tpu.vector_load %arg10[%get3A_539, %get3A_540] {strides = array<i32>} : memref<16x1024xf32, #tpu.memory_space<vmem>>, vector<16xf32>,
          %mul3A_542 = arith.mulf %get3A_541, %gather3A_115 : vector<16xf32>
          %add3A_543 = arith.constant 960 : i32
          %add3A_544 = vector.broadcast %add3A_543 : i32 to vector<16xi32>
          %add3A_545 = arith.addi %add3A_544, %iota3A : vector<16xi32>
          tpu.vector_store_idx %arg11[%gather3A_118, %add3A_545], %mul3A_542 {add = true} : memref<64x1024xf32, #tpu.memory_space<vmem>>[vector<16xi32>, vector<16xi32>], vector<16xf32>,
          %get3A_546 = arith.index_cast %scan3A_112 : i32 to index
          %get3A_547 = arith.constant 976 : index
          %get3A_548 = tpu.vector_load %arg10[%get3A_546, %get3A_547] {strides = array<i32>} : memref<16x1024xf32, #tpu.memory_space<vmem>>, vector<16xf32>,
          %mul3A_549 = arith.mulf %get3A_548, %gather3A_115 : vector<16xf32>
          %add3A_550 = arith.constant 976 : i32
          %add3A_551 = vector.broadcast %add3A_550 : i32 to vector<16xi32>
          %add3A_552 = arith.addi %add3A_551, %iota3A : vector<16xi32>
          tpu.vector_store_idx %arg11[%gather3A_118, %add3A_552], %mul3A_549 {add = true} : memref<64x1024xf32, #tpu.memory_space<vmem>>[vector<16xi32>, vector<16xi32>], vector<16xf32>,
          %get3A_553 = arith.index_cast %scan3A_112 : i32 to index
          %get3A_554 = arith.constant 992 : index
          %get3A_555 = tpu.vector_load %arg10[%get3A_553, %get3A_554] {strides = array<i32>} : memref<16x1024xf32, #tpu.memory_space<vmem>>, vector<16xf32>,
          %mul3A_556 = arith.mulf %get3A_555, %gather3A_115 : vector<16xf32>
          %add3A_557 = arith.constant 992 : i32
          %add3A_558 = vector.broadcast %add3A_557 : i32 to vector<16xi32>
          %add3A_559 = arith.addi %add3A_558, %iota3A : vector<16xi32>
          tpu.vector_store_idx %arg11[%gather3A_118, %add3A_559], %mul3A_556 {add = true} : memref<64x1024xf32, #tpu.memory_space<vmem>>[vector<16xi32>, vector<16xi32>], vector<16xf32>,
          %get3A_560 = arith.index_cast %scan3A_112 : i32 to index
          %get3A_561 = arith.constant 1008 : index
          %get3A_562 = tpu.vector_load %arg10[%get3A_560, %get3A_561] {strides = array<i32>} : memref<16x1024xf32, #tpu.memory_space<vmem>>, vector<16xf32>,
          %mul3A_563 = arith.mulf %get3A_562, %gather3A_115 : vector<16xf32>
          %add3A_564 = arith.constant 1008 : i32
          %add3A_565 = vector.broadcast %add3A_564 : i32 to vector<16xi32>
          %add3A_566 = arith.addi %add3A_565, %iota3A : vector<16xi32>
          tpu.vector_store_idx %arg11[%gather3A_118, %add3A_566], %mul3A_563 {add = true} : memref<64x1024xf32, #tpu.memory_space<vmem>>[vector<16xi32>, vector<16xi32>], vector<16xf32>,
        }
        %scan3A_111 = arith.constant 16 : i32
      }
      "tpu.region"() ({
        %run_scoped3A_69 = tpu.sem_alloc : memref<!tpu.dma_semaphore, #tpu.memory_space<semaphore_mem>>
        %dma_start3A = arith.constant 0 : i32
        %dma_start3A_70 = tpu.memref_slice %arg5[%add3A, %mul3A_25, %dma_start3A] : memref<8x1024x1024xf32, #tpu.memory_space<hbm>> -> memref<1x64x1024xf32, #tpu.memory_space<hbm>>
        %dma_start3A_71 = tpu.memref_squeeze %dma_start3A_70 : memref<1x64x1024xf32, #tpu.memory_space<hbm>> -> memref<64x1024xf32, #tpu.memory_space<hbm>>
        %dma_start3A_72 = arith.constant 0 : i32
        %dma_start3A_73 = tpu.memref_slice %arg5[%add3A, %mul3A_25, %dma_start3A_72] : memref<8x1024x1024xf32, #tpu.memory_space<hbm>> -> memref<1x64x1024xf32, #tpu.memory_space<hbm>>
        %dma_start3A_74 = tpu.memref_squeeze %dma_start3A_73 : memref<1x64x1024xf32, #tpu.memory_space<hbm>> -> memref<64x1024xf32, #tpu.memory_space<hbm>>
        tpu.enqueue_dma source(%arg11 : memref<64x1024xf32, #tpu.memory_space<vmem>>) target(%dma_start3A_74 : memref<64x1024xf32, #tpu.memory_space<hbm>>) target_semaphore(%run_scoped3A_69 : memref<!tpu.dma_semaphore, #tpu.memory_space<semaphore_mem>>)
        %dma_wait3A = arith.constant 0 : i32
        %dma_wait3A_75 = tpu.memref_slice %arg5[%add3A, %mul3A_25, %dma_wait3A] : memref<8x1024x1024xf32, #tpu.memory_space<hbm>> -> memref<1x64x1024xf32, #tpu.memory_space<hbm>>
        %dma_wait3A_76 = tpu.memref_squeeze %dma_wait3A_75 : memref<1x64x1024xf32, #tpu.memory_space<hbm>> -> memref<64x1024xf32, #tpu.memory_space<hbm>>
        %dma_wait3A_77 = arith.constant 0 : i32
        %dma_wait3A_78 = tpu.memref_slice %arg5[%add3A, %mul3A_25, %dma_wait3A_77] : memref<8x1024x1024xf32, #tpu.memory_space<hbm>> -> memref<1x64x1024xf32, #tpu.memory_space<hbm>>
        %dma_wait3A_79 = tpu.memref_squeeze %dma_wait3A_78 : memref<1x64x1024xf32, #tpu.memory_space<hbm>> -> memref<64x1024xf32, #tpu.memory_space<hbm>>
        tpu.wait_dma2 semaphore(%run_scoped3A_69 : memref<!tpu.dma_semaphore, #tpu.memory_space<semaphore_mem>>) src(%arg11 : memref<64x1024xf32, #tpu.memory_space<vmem>>) dst(%dma_wait3A_79 : memref<64x1024xf32, #tpu.memory_space<hbm>>)
        tpu.yield
      }) : () -> ()
    }
    %scan3A_31 = arith.constant 4 : i32
    return
  }
}

</mosaic_0001>

<sc_bundles>
// kernel: kernel.3.cloned.1.call-start
scs
__scs_entry_jumppad:
0x0: {  	(pc) =	sbr.rel $0x88, $3  }
0x1: {  	(tag) =	ssettag $0x0;
	lr =	simm.s32 $0x1  }
0x2: {  	[smem:$0x3F9E] =	sst lr;
	_ =	strace $0xD0000000  }
0x3: {  	_ = 	snop  }
0x4: {  	_ = 	snop  }
0x5: {  	_ = 	snop  }
0x6: {  	_ = 	snop  }
0x7: {  	_ = 	snop  }
__scs_overlays_trampoline_lowered:
0x8: {  	[smem:$0x3FAD] =	sst s0  }
0x9: {  	[smem:$0x3FAE] =	sst s1  }
0xa: {  	[smem:$0x3FAF] =	sst s2  }
0xb: {  	[smem:$0x3FB0] =	sst s3  }
0xc: {  	[smem:$0x3FB1] =	sst s4  }
0xd: {  	[smem:$0x3FB2] =	sst s5  }
0xe: {  	[smem:$0x3FB3] =	sst s6  }
0xf: {  	[smem:$0x3FB4] =	sst s7  }
0x10: {  	[smem:$0x3FB5] =	sst s8  }
0x11: {  	[smem:$0x3FB6] =	sst s9;
	s0 =	simm.s32 @!p0 $0x0  }
0x12: {  	s1 =	sld [smem:$0x3F9C];
	s0 =	simm.s32 @p0 $0x1  }
0x13: {  	[smem:$0x3FB7] =	sst s0;
	s0 =	simm.s32 @!p1 $0x0  }
0x14: {  	s2 =	sld [smem:$0x3F9B];
	s0 =	simm.s32 @p1 $0x1  }
0x15: {  	[smem:$0x3FB8] =	sst s0;
	s0 =	simm.s32 @!p2 $0x0  }
0x16: {  	s3 =	sld [smem:$0x3FDB];
	s0 =	simm.s32 @p2 $0x1  }
0x17: {  	s4 =	simm.s32 $0x1BF5;
	[smem:$0x3FBA] =	sst s0  }
0x18: {  	s0 =	sld [smem:$0x3F9D];
	_ =	swait.ge [sflag:s4], $0x0  }
0x19: {  	s7 =	sld [smem:$0x3F9E]  }
0x1a: {  	s8 =	sadd.s32 $0xFFFFE003, lr  }
0x1b: {  	s9 =	sadd.s32 $0xFFFFFEF7, lr;
	s5 =	simm.s32 $0xFFFFFFFF;
	p2 =	slt.u32 s8, $0xFFFFF086  }
0x1c: {  	p1 =	slt.u32 s9, $0xF7A;
	s5 =	simm.s32 @!p2 $0x0  }
0x1d: {  	s5 =	simm.s32 @p1 $0x1;
	p0 =	seq.s32 s7, s2  }
0x1e: {  	s7 =	smul.u32 @!p0 $0xF7A, s2;
	p2 =	seq.s32 @!p0 s5, $0x0  }
0x1f: {  	s9 =	smul.u32 $0xF7A, s1;
	s8 =	simm.s32 @!p0 $0x1BF5;
	p2 =	por !p2, p0  }
0x20: {  	[sflag:s8] =	ssyncset.s32 @!p0 $0xFFFFF086;
	s6 =	sadd.s32 @!p0 s3, s7;
	s7 =	simm.s32 @!p0 $0x108  }
0x21: {  	s3 =	sadd.s32 s3, s9;
	s6 =	sadd.s32 @!p0 $0x88, s6;
	s7 =	simm.s32 @p2 $0x1082  }
0x22: {  	[simem:s7], [sflag:s8] =	dma.local @!p0 [hbm:s6], $0xF7A  }
0x23: {  	s9 =	sor.u32 $0xD0000000, s2;
	s6 =	simm.s32 $0x108;
	_ =	swait.ge @!p0 [sflag:s8], $0x0  }
0x24: {  	s3 =	sadd.s32 $0x88, s3;
	s6 =	simm.s32 @!p1 $0x1082;
	[sflag:s4] =	ssyncset.s32 $0xFFFFF086  }
0x25: {  	[simem:s6], [sflag:s4] =	dma.local [hbm:s3], $0xF7A  }
0x26: {  	[smem:$0x3F9E] =	sst s1;
	(tag) =	ssettag s2;
	_ =	strace s9  }
0x27: {  	s1 =	sld [smem:$0x3FAE]  }
0x28: {  	s2 =	sld [smem:$0x3FAF]  }
0x29: {  	s4 =	sld [smem:$0x3FB1]  }
0x2a: {  	p0 =	seq.s32 s5, $0x0;
	s5 =	sld [smem:$0x3FB2]  }
0x2b: {  	s6 =	sld [smem:$0x3FB3]  }
0x2c: {  	s7 =	sld [smem:$0x3FB4]  }
0x2d: {  	s3 =	simm.s32 $0x108;
	s8 =	sld [smem:$0x3FB5]  }
0x2e: {  	s3 =	simm.s32 @!p0 $0x1082;
	s9 =	sld [smem:$0x3FB6]  }
0x2f: {  	lr =	sadd.s32 s0, s3;
	s0 =	sld [smem:$0x3FAD]  }
0x30: {  	s3 =	sld [smem:$0x3FB0]  }
0x31: {  	[smem:$0x3FB9] =	sst s10  }
0x32: {  	s10 =	sld [smem:$0x3FB7];
	_ =	sdelay $0x3  }
0x33: {  	p0 =	seq.s32 s10, $0x1;
	s10 =	sld [smem:$0x3FB9];
	_ =	sdelay $0x3  }
0x34: {  	[smem:$0x3FB9] =	sst s10  }
0x35: {  	s10 =	sld [smem:$0x3FB8];
	_ =	sdelay $0x3  }
0x36: {  	p1 =	seq.s32 s10, $0x1;
	s10 =	sld [smem:$0x3FB9];
	_ =	sdelay $0x3  }
0x37: {  	[smem:$0x3FB9] =	sst s10  }
0x38: {  	s10 =	sld [smem:$0x3FBA]  }
0x39: {  	_ = 	snop;
	(pc) =	sbr.ind lr, $3  }
0x3a: {  	_ = 	snop  }
0x3b: {  	_ = 	snop  }
0x3c: {  	p2 =	seq.s32 s10, $0x1;
	s10 =	sld [smem:$0x3FB9]  }
0x3d: {  	_ =	shalt  }
0x3e: {  	_ =	shalt  }
0x3f: {  	_ =	shalt  }
0x40: {  	_ =	shalt  }
0x41: {  	_ =	shalt  }
0x42: {  	_ =	shalt  }
0x43: {  	_ =	shalt  }
0x44: {  	_ =	shalt  }
0x45: {  	_ =	shalt  }
0x46: {  	_ =	shalt  }
0x47: {  	_ =	shalt  }
0x48: {  	_ =	shalt  }
0x49: {  	_ =	shalt  }
0x4a: {  	_ =	shalt  }
0x4b: {  	_ =	shalt  }
0x4c: {  	_ =	shalt  }
0x4d: {  	_ =	shalt  }
0x4e: {  	_ =	shalt  }
0x4f: {  	_ =	shalt  }
0x50: {  	_ =	shalt  }
0x51: {  	_ =	shalt  }
0x52: {  	_ =	shalt  }
0x53: {  	_ =	shalt  }
0x54: {  	_ =	shalt  }
0x55: {  	_ =	shalt  }
0x56: {  	_ =	shalt  }
0x57: {  	_ =	shalt  }
0x58: {  	_ =	shalt  }
0x59: {  	_ =	shalt  }
0x5a: {  	_ =	shalt  }
0x5b: {  	_ =	shalt  }
0x5c: {  	_ =	shalt  }
0x5d: {  	_ =	shalt  }
0x5e: {  	_ =	shalt  }
0x5f: {  	_ =	shalt  }
0x60: {  	_ =	shalt  }
0x61: {  	_ =	shalt  }
0x62: {  	_ =	shalt  }
0x63: {  	_ =	shalt  }
0x64: {  	_ =	shalt  }
0x65: {  	_ =	shalt  }
0x66: {  	_ =	shalt  }
0x67: {  	_ =	shalt  }
0x68: {  	_ =	shalt  }
0x69: {  	_ =	shalt  }
0x6a: {  	_ =	shalt  }
0x6b: {  	_ =	shalt  }
0x6c: {  	_ =	shalt  }
0x6d: {  	_ =	shalt  }
0x6e: {  	_ =	shalt  }
0x6f: {  	_ =	shalt  }
0x70: {  	_ =	shalt  }
0x71: {  	_ =	shalt  }
0x72: {  	_ =	shalt  }
0x73: {  	_ =	shalt  }
0x74: {  	_ =	shalt  }
0x75: {  	_ =	shalt  }
0x76: {  	_ =	shalt  }
0x77: {  	_ =	shalt  }
0x78: {  	_ =	shalt  }
0x79: {  	_ =	shalt  }
0x7a: {  	_ =	shalt  }
0x7b: {  	_ =	shalt  }
0x7c: {  	_ =	shalt  }
0x7d: {  	_ =	shalt  }
0x7e: {  	_ =	shalt  }
0x7f: {  	_ =	shalt  }
0x80: {  	_ =	shalt  }
0x81: {  	_ =	shalt  }
0x82: {  	_ =	shalt  }
0x83: {  	_ =	shalt  }
0x84: {  	_ =	shalt  }
0x85: {  	_ =	shalt  }
0x86: {  	_ =	shalt  }
0x87: {  	_ =	shalt  }
.Lfunc_end0:
.L_simem_size_0:
called_computation_lowered:
.L_overlay_start_0:
0x88: {  	s2 =	sld [smem:$0x3FD9]  }
0x89: {  	s3 =	sld [smem:$0x3FFE];
	_ =	sdelay $0x1  }
0x8a: {  	s1 =	srdreg.scid  }
0x8b: {  	s0 =	sand.u32 $0x1, s1  }
0x8c: {  	s18 =	sshll.u32 s0, $0xA;
	s2 =	sadd.s32 s3, s2  }
0x8d: {  	s2 =	sadd.s32 s2, s18  }
0x8e: {  	[smem:$0x3FC5] =	sst s2  }
0x8f: {  	_ = 	snop  }
0x90: {  	s2 =	sld [smem:$0x3FC9]  }
0x91: {  	s19 =	sld [smem:$0x3FC8]  }
0x92: {  	s4 =	sld [smem:$0x3FC7]  }
0x93: {  	s5 =	sld [smem:$0x3FD0];
	(tm) =	ssettm $0x1  }
0x94: {  	s6 =	sld [smem:$0x3FFB];
	_ =	sdelay $0x3  }
0x95: {  	_ =	strace s6  }
0x96: {  	s6 =	sld [smem:$0x3FFC];
	_ =	sdelay $0x3  }
0x97: {  	_ =	strace s6  }
0x98: {  	s6 =	sld [smem:$0x3FFD];
	_ =	sdelay $0x3  }
0x99: {  	_ =	strace s6  }
0x9a: {  	_ =	strace $0x8FFFFFFF  }
0x9b: {  	s20 =	sld [smem:$0x3FDB];
	_ =	sdelay $0x1  }
0x9c: {  	s7 =	simm.s32 $_scs_section_size  }
0x9d: {  	s8 =	simm.s32 $_size__tile_overlayer_lowered;
	s9 =	simm.s32 $_tile_overlayer_lowered  }
0x9e: {  	s23 =	simm.s32 $0x1BFF;
	s22 =	sshll.u32 s9, $0x1;
	s6 =	sadd.s32 s7, s20  }
0x9f: {  	s10 =	simm.s32 $0x0;
	s21 =	sshll.u32 s8, $0x1;
	s8 =	sadd.s32 s22, s6  }
0xa0: {  	[timem:s10], [sflag:s23] =	dma.local [hbm:s8], s21  }
0xa1: {  	_ =	swait.ge [sflag:s23], s21  }
0xa2: {  	s7 =	ssub.s32 $0x0, s21;
	[sflag:s23] =	ssyncset.done $0x0  }
0xa3: {  	[sflag:s23] =	ssyncadd.s32 s7;
	_ =	sdelay $0x1  }
0xa4: {  	s24 =	simm.s32 $0x1B8B  }
0xa5: {  	_ =	swait.ge [sflag:s24], $0x1  }
0xa6: {  	[sflag:s24] =	ssyncset.done $0x0  }
0xa7: {  	s25 =	simm.s32 $0x1B8E;
	[sflag:s24] =	ssyncadd.s32 $0xFFFFFFFF  }
0xa8: {  	s26 =	simm.s32 $execute0_lowered;
	[smem:$0x3FD2] =	sst s25  }
0xa9: {  	s7 =	sshll.u32 s26, $0x1;
	_ =	strace $0x80000046;
	[dreg:$0x1] =	wrdreg $0xFFFFFFFF  }
0xaa: {  	s28 =	simm.s32 $_size_execute0_lowered;
	s6 =	sadd.s32 s6, s7;
	[dreg:$0x0] =	wrdreg $0x0  }
0xab: {  	s7 =	sshll.u32 s28, $0x1;
	[dreg:$0x2] =	wrdreg s6  }
0xac: {  	[dreg:$0x3] =	wrdreg s7  }
0xad: {  	[dreg:$0x4] =	wrdreg $0xC0  }
0xae: {  	_ =	task [dreg:s10], $0x5FFFF  }
0xaf: {  	[dreg:$0x1] =	wrdreg $0xFFFFFFFF  }
0xb0: {  	[dreg:$0x0] =	wrdreg $0x60  }
0xb1: {  	[dreg:$0x2] =	wrdreg s2  }
0xb2: {  	[dreg:$0x3] =	wrdreg s19  }
0xb3: {  	[dreg:$0x4] =	wrdreg s4  }
0xb4: {  	[dreg:$0x5] =	wrdreg s5  }
0xb5: {  	[dreg:$0x6] =	wrdreg $0x1C4000  }
0xb6: {  	[dreg:$0x7] =	wrdreg $0x9  }
0xb7: {  	_ =	task.clear_ibuf [dreg:s10], $0x8FFFF;
	_ =	strace $0x90000046  }
0xb8: {  	s29 =	simm.s32 $0x9;
	_ =	strace $0x80000048  }
0xb9: {  	_ =	swait.ge [sflag:s29], $0x1  }
0xba: {  	[sflag:s29] =	ssyncadd.s32 $0xFFFFFFFF  }
0xbb: {  	_ =	strace $0x90000048  }
0xbc: {  	_ =	sfence  }
0xbd: {  	s30 =	sld [smem:$0x0];
	_ =	sdelay $0x2  }
0xbe: {  	s31 =	sshll.u32 s1, $0xD;
	s1 =	sshrl.u32 s1, $0x2  }
0xbf: {  	s3 =	sand.u32 $0x4000, s31;
	s1 =	sadd.s32 s1, s30  }
0xc0: {  	s0 =	sor.u32 s3, s0;
	s1 =	sshll.u32 s1, $0x11  }
0xc1: {  	s0 =	sor.u32 s1, s0  }
0xc2: {  	s0 =	sadd.s32 $0x8F2B, s0  }
0xc3: {  	[sflag:s0] =	ssyncadd.remote.s32 $0x1  }
0xc4: {  	_ =	sfence.sel $0xFFFF  }
0xc5: {  	[dreg:$0x0] =	wrdreg $0xFFFFFFFF;
	(pc) =	sbr.abs _section_cstart, $3  }
0xc6: {  	[dreg:$0x1] =	wrdreg $0xFFFFFFFF  }
0xc7: {  	_ =	task.clear_ibuf [dreg:s10], $0x2FFFF;
	_ =	strace $0x9FFFFFFF  }
0xc8: {  	(tm) =	ssettm $0x7FFFFFFF  }
0xc9: {  	_ =	shalt  }
tec
execute0_lowered:
.L_overlay_start_1:
0x0: {  	(tag) =	ssettag $0x1  }
0x1: {  	s1 =	rddreg [dreg:$0x0]  }
0x2: {  	s5 =	rddreg [dreg:$0x2]  }
0x3: {  	s0 =	rddreg [dreg:$0x3]  }
0x4: {  	s6 =	rddreg [dreg:$0x4];
	s2 =	srdreg.scid;
	s3 =	simm.s32 $0x0  }
0x5: {  	s8 =	stileid.u32;
	s28 =	simm.s32 $0x6000;
	s29 =	simm.s32 $0xC400  }
0x6: {  	s30 =	simm.s32 $0x8400;
	s31 =	simm.s32 $0x8C00;
	s10 =	simm.s32 $0xAC00  }
0x7: {  	s11 =	simm.s32 $0xB400;
	s2 =	sand.u32 $0x1, s2;
	s7 =	sshll.u32 s8, $0x9  }
0x8: {  	[smem:$0x7FF] =	sst s3;
	s25 =	sshll.u32 s8, $0xD;
	s5 =	sadd.s32 s5, s7  }
0x9: {  	_ =	strace $0x80000047;
	s24 =	sadd.s32 s7, s6;
	[dreg:$0x6] =	wrdreg s5  }
0xa: {  	v1 =	vlaneseq.u32;
	v2 =	vimm.s32 $0x0;
	s16 =	ssub.s32 $0x2, s2;
	s2 =	sshll.u32 s2, $0x2;
	[dreg:$0xe] =	wrdreg s24  }
0xb: {  	v3 =	vimm.f32 $0.0e+00;
	v5 =	vimm.s32 $0xF;
	vm0 =	vmmov $0xffff;
	s12 =	simm.s32 $0xBC00;
	s0 =	sadd.s32 s0, s25;
	[dreg:$0xf] =	wrdreg s2  }
0xc: {  	s13 =	simm.s32 $0x1;
	v4 =	vor.u32 $0x400, v1;
	v6 =	vand.u32 $0x7, v1;
	v7 =	vshrl.u32 v1, $0x3;
	s9 =	sadd.s32 $0x10, s5;
	[dreg:$0x10] =	wrdreg s0  }
0xd: {  	s17 =	sshll.u32 s8, $0x6;
	v8 =	vor.u32 $0x8, v1;
	v9 =	vor.u32 $0x10, v1;
	v10 =	vor.u32 $0x20, v1;
	s18 =	sadd.s32 $0x20, s5;
	[dreg:$0x7] =	wrdreg s9  }
0xe: {  	v11 =	vor.u32 $0x30, v1;
	v12 =	vor.u32 $0x40, v1;
	v13 =	vor.u32 $0x50, v1;
	s25 =	simm.s32 $0x2;
	s19 =	sadd.s32 $0x30, s5;
	[dreg:$0x8] =	wrdreg s18  }
0xf: {  	v14 =	vor.u32 $0x60, v1;
	v15 =	vor.u32 $0x70, v1;
	v16 =	vor.u32 $0x410, v1;
	s4 =	sshrl.u32 s16, $0x1;
	s20 =	sadd.s32 $0x40, s5;
	[dreg:$0x9] =	wrdreg s19  }
0x10: {  	v17 =	vor.u32 $0x420, v1;
	v18 =	vor.u32 $0x430, v1;
	v19 =	vor.u32 $0x440, v1;
	s21 =	sadd.s32 $0x50, s5;
	s22 =	sadd.s32 $0x60, s5;
	[dreg:$0xa] =	wrdreg s20  }
0x11: {  	v20 =	vor.u32 $0x450, v1;
	v21 =	vor.u32 $0x460, v1;
	v22 =	vor.u32 $0x470, v1;
	s23 =	sadd.s32 $0x70, s5;
	s24 =	simm.s32 $0x400;
	[dreg:$0xb] =	wrdreg s21  }
.Ltmp0:
0x12: {  	v23 =	vor.u32 $0x800, v1;
	v24 =	vor.u32 $0x810, v1;
	v25 =	vor.u32 $0x820, v1;
	s0 =	simm.s32 $0x9400;
	[dreg:$0xc] =	wrdreg s22;
	(pc) =	sbr.rel .LBB2_1-.Ltmp0, $4  }
0x13: {  	v26 =	vor.u32 $0x830, v1;
	v27 =	vor.u32 $0x840, v1;
	v28 =	vor.u32 $0x850, v1;
	s5 =	simm.s32 $0x9C00;
	s3 =	ssub.s32 s16, s4;
	[dreg:$0xd] =	wrdreg s23  }
0x14: {  	v29 =	vor.u32 $0x860, v1;
	v30 =	vor.u32 $0x870, v1;
	v31 =	vor.u32 $0xC00, v1;
	s18 =	sadd.s32 $0x100, s1;
	s19 =	sadd.s32 $0x200, s1;
	s20 =	sadd.s32 $0x300, s1  }
0x15: {  	v32 =	vor.u32 $0xC10, v1;
	v33 =	vor.u32 $0xC20, v1;
	v34 =	vor.u32 $0xC30, v1;
	s4 =	simm.s32 $0x2000;
	s9 =	simm.s32 $0xA400;
	s26 =	smax.u32 s3, $0x1  }
0x16: {  	v35 =	vor.u32 $0xC40, v1;
	v0 =	vmov s17;
	v7 =	vmul.u32 $0x8, v7;
	s3 =	simm.s32 $0x0;
	[dreg:$0x11] =	wrdreg s26;
	s26 =	simm.s32 $0x4000  }
.LBB2_16:
0x17: {  	s3 =	rddreg [dreg:$0x12]  }
0x18: {  	s2 =	rddreg [dreg:$0x11];
	s3 =	sadd.s32 $0x1, s3  }
0x19: {  	p0 =	sne.s32 s3, s2  }
.Ltmp1:
0x1a: {  	_ = 	snop;
	(pc) =	sbr.rel @!p0 .LBB2_17-.Ltmp1, $1  }
0x1b: {  	_ =	sdelay $0x3  }
.LBB2_1:
0x1c: {  	[dreg:$0x12] =	wrdreg s3;
	s2 =	simm.s32 $0x200;
	s3 =	simm.s32 $0x0  }
.LBB2_2:
0x1d: {  	p0 =	sne.s32 s2, $0x8000;
	[tilespmem:s3+$0x6000] =	vst v2;
	s3 =	smov.u32 s2;
	s2 =	sadd.s32 $0x200, s2  }
.Ltmp2:
0x1e: {  	(pc) =	sbr.rel @p0 .LBB2_2-.Ltmp2, $2  }
0x1f: {  	_ =	sdelay $0x2  }
0x20: {  	s3 =	sshra.s32 s3, $0x2  }
0x21: {  	[tilespmem:s3+$0x6000] =	vst v2;
	s2 =	simm.s32 $0x2000;
	s22 =	rddreg [dreg:$0x6];
	s6 =	simm.s32 $0x80  }
0x22: {  	[tilespmem:s2], [sflag:$0x2] =	stream.strided.gather [hbm4b:s22+s6], $0x200, s24, s6, $0x38;
	[tilespmem:$0x1C600] =	vst v63  }
0x23: {  	_ =	swait.ge [sflag:s25], $0x200  }
0x24: {  	[sflag:s25] =	ssyncset.done $0x0  }
0x25: {  	s8 =	simm.s32 $0x2200;
	s23 =	rddreg [dreg:$0x7];
	[sflag:s25] =	ssyncadd.s32 $0xFFFFFE00  }
0x26: {  	[tilespmem:s8], [sflag:$0x2] =	stream.strided.gather [hbm4b:s23+s6], $0x200, s24, s6, $0x38;
	[tilespmem:$0x1C600] =	vst v63  }
0x27: {  	_ =	swait.ge [sflag:s25], $0x200  }
0x28: {  	[sflag:s25] =	ssyncset.done $0x0  }
0x29: {  	s14 =	simm.s32 $0x2400;
	s8 =	rddreg [dreg:$0x8];
	[sflag:s25] =	ssyncadd.s32 $0xFFFFFE00  }
0x2a: {  	[tilespmem:s14], [sflag:$0x2] =	stream.strided.gather [hbm4b:s8+s6], $0x200, s24, s6, $0x38;
	[tilespmem:$0x1C600] =	vst v63  }
0x2b: {  	_ =	swait.ge [sflag:s25], $0x200  }
0x2c: {  	[sflag:s25] =	ssyncset.done $0x0  }
0x2d: {  	s16 =	simm.s32 $0x2600;
	s15 =	rddreg [dreg:$0x9];
	[sflag:s25] =	ssyncadd.s32 $0xFFFFFE00  }
0x2e: {  	[tilespmem:s16], [sflag:$0x2] =	stream.strided.gather [hbm4b:s15+s6], $0x200, s24, s6, $0x38;
	[tilespmem:$0x1C600] =	vst v63  }
0x2f: {  	_ =	swait.ge [sflag:s25], $0x200  }
0x30: {  	[sflag:s25] =	ssyncset.done $0x0  }
0x31: {  	s21 =	simm.s32 $0x2800;
	s17 =	rddreg [dreg:$0xa];
	[sflag:s25] =	ssyncadd.s32 $0xFFFFFE00  }
0x32: {  	[tilespmem:s21], [sflag:$0x2] =	stream.strided.gather [hbm4b:s17+s6], $0x200, s24, s6, $0x38;
	[tilespmem:$0x1C600] =	vst v63  }
0x33: {  	_ =	swait.ge [sflag:s25], $0x200  }
0x34: {  	[sflag:s25] =	ssyncset.done $0x0  }
0x35: {  	s23 =	simm.s32 $0x2A00;
	s22 =	rddreg [dreg:$0xb];
	[sflag:s25] =	ssyncadd.s32 $0xFFFFFE00  }
0x36: {  	[tilespmem:s23], [sflag:$0x2] =	stream.strided.gather [hbm4b:s22+s6], $0x200, s24, s6, $0x38;
	[tilespmem:$0x1C600] =	vst v63  }
0x37: {  	_ =	swait.ge [sflag:s25], $0x200  }
0x38: {  	[sflag:s25] =	ssyncset.done $0x0  }
0x39: {  	s14 =	simm.s32 $0x2C00;
	s8 =	rddreg [dreg:$0xc];
	[sflag:s25] =	ssyncadd.s32 $0xFFFFFE00  }
0x3a: {  	[tilespmem:s14], [sflag:$0x2] =	stream.strided.gather [hbm4b:s8+s6], $0x200, s24, s6, $0x38;
	[tilespmem:$0x1C600] =	vst v63  }
0x3b: {  	_ =	swait.ge [sflag:s25], $0x200  }
0x3c: {  	[sflag:s25] =	ssyncset.done $0x0  }
0x3d: {  	s16 =	simm.s32 $0x2E00;
	s15 =	rddreg [dreg:$0xd];
	[sflag:s25] =	ssyncadd.s32 $0xFFFFFE00  }
0x3e: {  	[tilespmem:s16], [sflag:$0x2] =	stream.strided.gather [hbm4b:s15+s6], $0x200, s24, s6, $0x38;
	[tilespmem:$0x1C600] =	vst v63  }
0x3f: {  	s17 =	simm.s32 $0x0;
	_ =	swait.ge [sflag:s25], $0x200  }
0x40: {  	s21 =	sand.u32 $0x180, s17;
	s22 =	sand.u32 $0x70, s17;
	[sflag:s25] =	ssyncset.done $0x0  }
0x41: {  	s3 =	sor.u32 s22, s21;
	[sflag:s25] =	ssyncadd.s32 $0xFFFFFE00  }
0x42: {  	v36 =	vld [tilespmem:s3+$0x2200]  }
0x43: {  	v37 =	vld [tilespmem:s2+$0x0]  }
0x44: {  	v38 =	vld [tilespmem:s3+$0x2400]  }
0x45: {  	v39 =	vld [tilespmem:s3+$0x2600]  }
0x46: {  	v40 =	vld [tilespmem:s3+$0x2800]  }
0x47: {  	v41 =	vld [tilespmem:s3+$0x2A00]  }
0x48: {  	v42 =	vld [tilespmem:s3+$0x2C00];
	v43 =	vmax.f32 v37, v36  }
0x49: {  	v44 =	vld [tilespmem:s3+$0x2E00];
	v45 =	vmax.f32 v43, v38  }
0x4a: {  	v45 =	vmax.f32 v45, v39  }
0x4b: {  	v45 =	vmax.f32 v45, v40  }
0x4c: {  	v45 =	vmax.f32 v45, v41  }
0x4d: {  	v45 =	vmax.f32 v45, v42  }
0x4e: {  	v45 =	vmax.f32 v45, v44  }
0x4f: {  	vm1 =	vne.f32 v37, v45;
	vm2 =	veq.f32 v36, v45  }
0x50: {  	vm3 =	veq.f32 v37, v45;
	vm1 =	vmand vm2, vm1  }
0x51: {  	v37 =	vsel vm1, v37, v43;
	vm1 =	vmor vm3, vm2  }
0x52: {  	vm2 =	veq.f32 v38, v45;
	v36 =	vsel vm3, v36, v37;
	vm3 =	vmneg vm1  }
0x53: {  	vm1 =	vmor vm2, vm1;
	vm3 =	vmand vm2, vm3;
	v36 =	vmax.f32 v36, v38  }
0x54: {  	vm2 =	veq.f32 v39, v45;
	v63 =	vsel vm3, v43, v36;
	vm3 =	vmneg vm1  }
0x55: {  	vm1 =	vmor vm2, vm1;
	vm3 =	vmand vm2, vm3;
	v37 =	vmax.f32 v63, v39  }
0x56: {  	vm2 =	veq.f32 v40, v45;
	v36 =	vsel vm3, v36, v37;
	vm3 =	vmneg vm1  }
0x57: {  	vm1 =	vmor vm2, vm1;
	vm3 =	vmand vm2, vm3;
	v36 =	vmax.f32 v36, v40  }
0x58: {  	vm2 =	veq.f32 v41, v45;
	v37 =	vsel vm3, v37, v36;
	vm3 =	vmneg vm1  }
0x59: {  	vm1 =	vmor vm2, vm1;
	vm3 =	vmand vm2, vm3;
	v37 =	vmax.f32 v37, v41  }
0x5a: {  	vm2 =	veq.f32 v42, v45;
	v36 =	vsel vm3, v36, v37;
	vm3 =	vmneg vm1  }
0x5b: {  	vm4 =	vne.f32 v44, v45;
	vm3 =	vmand vm2, vm3;
	v36 =	vmax.f32 v36, v42  }
0x5c: {  	vm2 =	vmor vm2, vm4;
	v37 =	vsel vm3, v37, v36  }
0x5d: {  	s23 =	simm.s32 $0x10;
	s14 =	sadd.s32 s21, s7;
	vm1 =	vmor vm2, vm1;
	v37 =	vmax.f32 v37, v44  }
0x5e: {  	s6 =	sand.u32 $0x180, s23;
	s15 =	sadd.s32 s22, s14;
	s3 =	sand.u32 $0x70, s23;
	v36 =	vsel vm1, v37, v36  }
0x5f: {  	s8 =	simm.s32 $0x20;
	s14 =	sor.u32 s3, s6;
	[tilespmem:s15+$0x0] =	vst v36  }
.LBB2_4:
0x60: {  	p0 =	sne.s32 s8, $0x1F0;
	v36 =	vld [tilespmem:s14+$0x2200];
	s2 =	sadd.s32 $0x10, s2  }
0x61: {  	v37 =	vld [tilespmem:s2+$0x0]  }
0x62: {  	v38 =	vld [tilespmem:s14+$0x2400]  }
0x63: {  	v39 =	vld [tilespmem:s14+$0x2600]  }
0x64: {  	v40 =	vld [tilespmem:s14+$0x2800]  }
0x65: {  	v41 =	vld [tilespmem:s14+$0x2A00]  }
0x66: {  	v42 =	vld [tilespmem:s14+$0x2C00];
	v43 =	vmax.f32 v37, v36  }
0x67: {  	v44 =	vld [tilespmem:s14+$0x2E00];
	v45 =	vmax.f32 v43, v38  }
0x68: {  	v45 =	vmax.f32 v45, v39  }
0x69: {  	v45 =	vmax.f32 v45, v40  }
0x6a: {  	v45 =	vmax.f32 v45, v41  }
0x6b: {  	v45 =	vmax.f32 v45, v42  }
0x6c: {  	v45 =	vmax.f32 v45, v44  }
0x6d: {  	vm1 =	vne.f32 v37, v45;
	vm2 =	veq.f32 v36, v45  }
0x6e: {  	vm3 =	veq.f32 v37, v45;
	vm1 =	vmand vm2, vm1  }
0x6f: {  	v37 =	vsel vm1, v37, v43;
	vm1 =	vmor vm3, vm2  }
0x70: {  	vm2 =	veq.f32 v38, v45;
	v36 =	vsel vm3, v36, v37;
	vm3 =	vmneg vm1  }
0x71: {  	vm1 =	vmor vm2, vm1;
	vm3 =	vmand vm2, vm3;
	v36 =	vmax.f32 v36, v38  }
0x72: {  	vm2 =	veq.f32 v39, v45;
	v37 =	vsel vm3, v43, v36;
	vm3 =	vmneg vm1  }
0x73: {  	vm1 =	vmor vm2, vm1;
	vm3 =	vmand vm2, vm3;
	v37 =	vmax.f32 v37, v39  }
0x74: {  	vm2 =	veq.f32 v40, v45;
	v36 =	vsel vm3, v36, v37;
	vm3 =	vmneg vm1  }
0x75: {  	vm1 =	vmor vm2, vm1;
	vm3 =	vmand vm2, vm3;
	v36 =	vmax.f32 v36, v40  }
0x76: {  	vm2 =	veq.f32 v41, v45;
	v37 =	vsel vm3, v37, v36;
	vm3 =	vmneg vm1  }
0x77: {  	vm1 =	vmor vm2, vm1;
	vm3 =	vmand vm2, vm3;
	v37 =	vmax.f32 v37, v41  }
0x78: {  	vm2 =	veq.f32 v42, v45;
	v36 =	vsel vm3, v36, v37;
	vm3 =	vmneg vm1  }
.Ltmp3:
0x79: {  	vm4 =	vne.f32 v44, v45;
	vm3 =	vmand vm2, vm3;
	v36 =	vmax.f32 v36, v42;
	(pc) =	sbr.rel @p0 .LBB2_4-.Ltmp3, $4  }
0x7a: {  	vm2 =	vmor vm2, vm4;
	v37 =	vsel vm3, v37, v36  }
0x7b: {  	s14 =	sadd.s32 s6, s7;
	vm1 =	vmor vm2, vm1;
	v37 =	vmax.f32 v37, v44  }
0x7c: {  	s6 =	sand.u32 $0x180, s8;
	s15 =	sadd.s32 s3, s14;
	s3 =	sand.u32 $0x70, s8;
	v36 =	vsel vm1, v37, v36  }
0x7d: {  	s8 =	sadd.s32 $0x10, s8;
	s14 =	sor.u32 s3, s6;
	[tilespmem:s15+$0x0] =	vst v36  }
0x7e: {  	v36 =	vld [tilespmem:s14+$0x2200];
	s2 =	sadd.s32 $0x10, s2  }
0x7f: {  	v37 =	vld [tilespmem:s2+$0x0]  }
0x80: {  	v38 =	vld [tilespmem:s14+$0x2400]  }
0x81: {  	v39 =	vld [tilespmem:s14+$0x2600]  }
0x82: {  	v40 =	vld [tilespmem:s14+$0x2800]  }
0x83: {  	v41 =	vld [tilespmem:s14+$0x2A00]  }
0x84: {  	v42 =	vld [tilespmem:s14+$0x2C00];
	v43 =	vmax.f32 v37, v36  }
0x85: {  	v44 =	vld [tilespmem:s14+$0x2E00];
	v45 =	vmax.f32 v43, v38  }
0x86: {  	v45 =	vmax.f32 v45, v39  }
0x87: {  	v45 =	vmax.f32 v45, v40  }
0x88: {  	v45 =	vmax.f32 v45, v41  }
0x89: {  	v45 =	vmax.f32 v45, v42  }
0x8a: {  	v45 =	vmax.f32 v45, v44  }
0x8b: {  	vm1 =	vne.f32 v37, v45;
	vm2 =	veq.f32 v36, v45  }
0x8c: {  	vm3 =	veq.f32 v37, v45;
	vm1 =	vmand vm2, vm1  }
0x8d: {  	v37 =	vsel vm1, v37, v43;
	vm1 =	vmor vm3, vm2  }
0x8e: {  	vm2 =	veq.f32 v38, v45;
	v36 =	vsel vm3, v36, v37;
	vm3 =	vmneg vm1  }
0x8f: {  	vm1 =	vmor vm2, vm1;
	vm3 =	vmand vm2, vm3;
	v36 =	vmax.f32 v36, v38  }
0x90: {  	vm2 =	veq.f32 v39, v45;
	v63 =	vsel vm3, v43, v36;
	vm3 =	vmneg vm1  }
0x91: {  	vm1 =	vmor vm2, vm1;
	vm3 =	vmand vm2, vm3;
	v37 =	vmax.f32 v63, v39  }
0x92: {  	vm2 =	veq.f32 v40, v45;
	v36 =	vsel vm3, v36, v37;
	vm3 =	vmneg vm1  }
0x93: {  	vm1 =	vmor vm2, vm1;
	vm3 =	vmand vm2, vm3;
	v36 =	vmax.f32 v36, v40  }
0x94: {  	vm2 =	veq.f32 v41, v45;
	v37 =	vsel vm3, v37, v36;
	vm3 =	vmneg vm1  }
0x95: {  	vm1 =	vmor vm2, vm1;
	vm3 =	vmand vm2, vm3;
	v37 =	vmax.f32 v37, v41  }
0x96: {  	vm2 =	veq.f32 v42, v45;
	v36 =	vsel vm3, v36, v37;
	vm3 =	vmneg vm1  }
0x97: {  	vm4 =	vne.f32 v44, v45;
	vm3 =	vmand vm2, vm3;
	v36 =	vmax.f32 v36, v42  }
0x98: {  	vm2 =	vmor vm2, vm4;
	v37 =	vsel vm3, v37, v36  }
0x99: {  	s21 =	sadd.s32 s6, s7;
	vm1 =	vmor vm2, vm1;
	v37 =	vmax.f32 v37, v44  }
0x9a: {  	s2 =	sadd.s32 s3, s21;
	v36 =	vsel vm1, v37, v36  }
0x9b: {  	s22 =	rddreg [dreg:$0xe];
	[tilespmem:s2+$0x0] =	vst v36  }
0x9c: {  	[spmem:s22] =	stream.linear.scatter [tilespmem:s7], [sflag:$0x2], $0x200, $0x38;
	[tilespmem:$0x1C600] =	vst v63  }
0x9d: {  	_ =	swait.ge [sflag:s25], $0x200  }
0x9e: {  	[sflag:s25] =	ssyncset.done $0x0  }
0x9f: {  	[sflag:s25] =	ssyncadd.s32 $0xFFFFFE00  }
0xa0: {  	[bflag:$0x0] =	sbarrier.arrive $0xFFFF  }
.Ltmp4:
0xa1: {  	s15 =	simm.s32 $0x0;
	s23 =	rddreg [dreg:$0x4];
	(pc) =	sbr.rel .LBB2_6-.Ltmp4, $4  }
0xa2: {  	[tilespmem:s15], [sflag:$0x2] =	stream.linear.gather [spmem:s23], $0x2000, $0x38;
	[tilespmem:$0x1C600] =	vst v63  }
0xa3: {  	_ =	swait.ge [sflag:s25], $0x2000  }
0xa4: {  	[sflag:s25] =	ssyncset.done $0x0  }
0xa5: {  	[sflag:s25] =	ssyncadd.s32 $0xFFFFE000  }
.LBB2_15:
0xa6: {  	s15 =	sadd.s32 $0x1, s15  }
0xa7: {  	s2 =	sshll.u32 s16, $0x11;
	s3 =	rddreg [dreg:$0x10];
	p0 =	sne.s32 s15, $0x4  }
.Ltmp5:
0xa8: {  	s23 =	simm.s32 $0x0;
	s2 =	sadd.s32 s2, s3;
	(pc) =	sbr.rel @!p0 .LBB2_16-.Ltmp5, $4  }
0xa9: {  	[hbm4b:s2+s23] =	stream.linear.scatter [tilespmem:s29], [sflag:$0x2], $0x10000, $0x38;
	[tilespmem:$0x1C600] =	vst v63  }
0xaa: {  	_ =	swait.ge [sflag:s25], $0x10000  }
0xab: {  	[sflag:s25] =	ssyncset.done $0x0  }
0xac: {  	[sflag:s25] =	ssyncadd.s32 $0xFFFF0000  }
.LBB2_6:
0xad: {  	s2 =	rddreg [dreg:$0xf]  }
0xae: {  	s16 =	sadd.s32 s2, s15  }
0xaf: {  	s3 =	rddreg [dreg:$0x2];
	s2 =	sshll.u32 s16, $0x4  }
0xb0: {  	s6 =	simm.s32 $0x80;
	s3 =	sadd.s32 s3, s2  }
0xb1: {  	[tilespmem:s4], [sflag:$0x2] =	stream.strided.gather [hbm4b:s3+s6], $0x2000, s24, s6, $0x38;
	[tilespmem:$0x1C600] =	vst v63  }
0xb2: {  	_ =	swait.ge [sflag:s25], $0x2000  }
0xb3: {  	[sflag:s25] =	ssyncset.done $0x0  }
0xb4: {  	[sflag:s25] =	ssyncadd.s32 $0xFFFFE000  }
0xb5: {  	s23 =	rddreg [dreg:$0x1]  }
0xb6: {  	s2 =	sadd.s32 s23, s2  }
0xb7: {  	[tilespmem:s26], [sflag:$0x2] =	stream.strided.gather [hbm4b:s2+s6], $0x2000, s24, s6, $0x38;
	[tilespmem:$0x1C600] =	vst v63  }
0xb8: {  	_ =	swait.ge [sflag:s25], $0x2000  }
0xb9: {  	s8 =	simm.s32 $0x0;
	s3 =	simm.s32 $0x0;
	[sflag:s25] =	ssyncset.done $0x0  }
0xba: {  	s2 =	simm.s32 $0xFFFF0000;
	s6 =	simm.s32 $0x0;
	[sflag:s25] =	ssyncadd.s32 $0xFFFFE000  }
.LBB2_7:
0xbb: {  	s14 =	sadd.s32 $0x10000, s2  }
0xbc: {  	s17 =	sand.u32 $0x380, s8;
	s14 =	sand.u32 $0xE000, s14  }
0xbd: {  	s14 =	sor.u32 s17, s14  }
0xbe: {  	[tilespmem:s14+$0xC400] =	vst v3  }
0xbf: {  	[tilespmem:s14+$0xC410] =	vst v3  }
0xc0: {  	[tilespmem:s14+$0xC420] =	vst v3  }
0xc1: {  	[tilespmem:s14+$0xC430] =	vst v3  }
0xc2: {  	[tilespmem:s14+$0xC440] =	vst v3  }
0xc3: {  	[tilespmem:s14+$0xC450] =	vst v3  }
0xc4: {  	[tilespmem:s14+$0xC460] =	vst v3  }
0xc5: {  	[tilespmem:s14+$0xC470] =	vst v3  }
0xc6: {  	[tilespmem:s14+$0xC800] =	vst v3  }
0xc7: {  	[tilespmem:s14+$0xC810] =	vst v3  }
0xc8: {  	[tilespmem:s14+$0xC820] =	vst v3  }
0xc9: {  	[tilespmem:s14+$0xC830] =	vst v3  }
0xca: {  	[tilespmem:s14+$0xC840] =	vst v3  }
0xcb: {  	[tilespmem:s14+$0xC850] =	vst v3  }
0xcc: {  	[tilespmem:s14+$0xC860] =	vst v3  }
0xcd: {  	[tilespmem:s14+$0xC870] =	vst v3  }
0xce: {  	[tilespmem:s14+$0xCC00] =	vst v3  }
0xcf: {  	[tilespmem:s14+$0xCC10] =	vst v3  }
0xd0: {  	[tilespmem:s14+$0xCC20] =	vst v3  }
0xd1: {  	[tilespmem:s14+$0xCC30] =	vst v3  }
0xd2: {  	[tilespmem:s14+$0xCC40] =	vst v3  }
0xd3: {  	[tilespmem:s14+$0xCC50] =	vst v3  }
0xd4: {  	[tilespmem:s14+$0xCC60] =	vst v3  }
0xd5: {  	[tilespmem:s14+$0xCC70] =	vst v3  }
0xd6: {  	[tilespmem:s14+$0xD000] =	vst v3  }
0xd7: {  	[tilespmem:s14+$0xD010] =	vst v3  }
0xd8: {  	[tilespmem:s14+$0xD020] =	vst v3  }
0xd9: {  	[tilespmem:s14+$0xD030] =	vst v3  }
0xda: {  	[tilespmem:s14+$0xD040] =	vst v3  }
0xdb: {  	[tilespmem:s14+$0xD050] =	vst v3  }
0xdc: {  	[tilespmem:s14+$0xD060] =	vst v3  }
0xdd: {  	[tilespmem:s14+$0xD070] =	vst v3  }
0xde: {  	[tilespmem:s14+$0xD400] =	vst v3  }
0xdf: {  	[tilespmem:s14+$0xD410] =	vst v3  }
0xe0: {  	[tilespmem:s14+$0xD420] =	vst v3  }
0xe1: {  	[tilespmem:s14+$0xD430] =	vst v3  }
0xe2: {  	[tilespmem:s14+$0xD440] =	vst v3  }
0xe3: {  	[tilespmem:s14+$0xD450] =	vst v3  }
0xe4: {  	[tilespmem:s14+$0xD460] =	vst v3  }
0xe5: {  	[tilespmem:s14+$0xD470] =	vst v3  }
0xe6: {  	[tilespmem:s14+$0xD800] =	vst v3  }
0xe7: {  	[tilespmem:s14+$0xD810] =	vst v3  }
0xe8: {  	[tilespmem:s14+$0xD820] =	vst v3  }
0xe9: {  	[tilespmem:s14+$0xD830] =	vst v3  }
0xea: {  	[tilespmem:s14+$0xD840] =	vst v3  }
0xeb: {  	[tilespmem:s14+$0xD850] =	vst v3  }
0xec: {  	[tilespmem:s14+$0xD860] =	vst v3  }
0xed: {  	[tilespmem:s14+$0xD870] =	vst v3  }
0xee: {  	[tilespmem:s14+$0xDC00] =	vst v3  }
0xef: {  	[tilespmem:s14+$0xDC10] =	vst v3  }
0xf0: {  	[tilespmem:s14+$0xDC20] =	vst v3  }
0xf1: {  	[tilespmem:s14+$0xDC30] =	vst v3  }
0xf2: {  	s21 =	sand.u32 $0x7, s3;
	[tilespmem:s14+$0xDC40] =	vst v3  }
0xf3: {  	s17 =	sshll.u32 s21, $0x7;
	[tilespmem:s14+$0xDC50] =	vst v3  }
0xf4: {  	s17 =	sadd.s32 s17, s6;
	[tilespmem:s14+$0xDC60] =	vst v3  }
0xf5: {  	[tilespmem:s14+$0xDC70] =	vst v3;
	s22 =	sor.u32 $0x1C00, s17  }
0xf6: {  	s23 =	sor.u32 $0x1C10, s17;
	[tilespmem:s22+$0xC400] =	vst v3  }
0xf7: {  	s21 =	sor.u32 $0x1C20, s17;
	[tilespmem:s23+$0xC400] =	vst v3  }
0xf8: {  	p0 =	sne.s32 s8, $0x1F80;
	s22 =	sor.u32 $0x1C30, s17;
	[tilespmem:s21+$0xC400] =	vst v3  }
.Ltmp6:
0xf9: {  	s23 =	sor.u32 $0x1C40, s17;
	[tilespmem:s22+$0xC400] =	vst v3;
	(pc) =	sbr.rel @p0 .LBB2_7-.Ltmp6, $4  }
0xfa: {  	s21 =	sor.u32 $0x1C50, s17;
	[tilespmem:s23+$0xC400] =	vst v3  }
0xfb: {  	s22 =	sor.u32 $0x1C60, s17;
	[tilespmem:s21+$0xC400] =	vst v3  }
0xfc: {  	s3 =	sadd.s32 $0x1, s3;
	s23 =	sor.u32 $0x1C70, s17;
	[tilespmem:s22+$0xC400] =	vst v3  }
0xfd: {  	s2 =	sadd.s32 $0x400, s2;
	s8 =	sadd.s32 $0x80, s8;
	s6 =	sadd.s32 $0x400, s6;
	[tilespmem:s23+$0xC400] =	vst v3  }
0xfe: {  	s3 =	simm.s32 $0x4000  }
0xff: {  	s2 =	simm.s32 $0x0;
	v37 =	vld [tilespmem:s3+$0x0]  }
0x100: {  	s6 =	simm.s32 $0x2000;
	v38 =	vld [tilespmem:s2+$0x0]  }
0x101: {  	v36 =	vimm.s32 $0x0;
	s8 =	simm.s32 $0x10;
	s14 =	simm.s32 $0x0;
	v39 =	vld [tilespmem:s6+$0x0]  }
.LBB2_9:
0x102: {  	p0 =	sne.s32 s8, $0x1FF0;
	_ =	sdelay $0x3  }
0x103: {  	v37 =	vsub.s32 v37, v0;
	vm1 =	vge.f32 v39, v38;
	vm2 =	vgt.f32 v39, $0.0e+00  }
0x104: {  	vm1 =	vmand vm2, vm1;
	vm2 =	vlt.u32 v37, $0x40  }
0x105: {  	vm1 =	vmand vm1, vm2  }
0x106: {  	v37 =	vsel vm1, $0x1, v2  }
0x107: {  	(xrf0) =	vadd.scan.msk.s32 $0xffff, v37;
	_ =	sdelay $0x5  }
0x108: {  	v37, _, _ =	vpop (xrf0)  }
0x109: {  	v38 =	vadd.s32 v37, v36;
	v37 =	vperm.xlane v37, v5  }
0x10a: {  	v38 =	vadd.s32 $0xFFFFFFFF, v38  }
0x10b: {  	vm2 =	vlt.s32 v38, $0x400;
	v36 =	vadd.s32 v36, v37  }
0x10c: {  	vm1 =	vmand vm1, vm2  }
0x10d: {  	v37 =	vsel vm1, v38, v4  }
0x10e: {  	v38 =	vshll.u32 v37, $0x3  }
0x10f: {  	v37 =	vand.u32 $0xF, v37;
	v38 =	vand.u32 $0xFFFFFF80, v38  }
0x110: {  	v37 =	vor.u32 v37, v38;
	_ =	sdelay $0x3  }
.Ltmp7:
0x111: {  	v38 =	vor.u32 s2, v1;
	s2 =	smov.u32 s8;
	(pc) =	sbr.rel @p0 .LBB2_9-.Ltmp7, $4  }
0x112: {  	s3 =	sadd.s32 $0x10, s3;
	[tilespmem:v37+s28+$0x0] =	vst.idx.msk $0xffff, v38  }
0x113: {  	s14 =	sadd.s32 $0x10, s14;
	v37 =	vld [tilespmem:s3+$0x0]  }
0x114: {  	s6 =	sadd.s32 $0x10, s6;
	v38 =	vld [tilespmem:s14+$0x0]  }
0x115: {  	s8 =	sadd.s32 $0x10, s8;
	v39 =	vld [tilespmem:s6+$0x0]  }
0x116: {  	_ =	sdelay $0x3  }
0x117: {  	v37 =	vsub.s32 v37, v0;
	vm1 =	vge.f32 v39, v38;
	vm2 =	vgt.f32 v39, $0.0e+00  }
0x118: {  	vm1 =	vmand vm2, vm1;
	vm2 =	vlt.u32 v37, $0x40  }
0x119: {  	vm1 =	vmand vm1, vm2  }
0x11a: {  	v59 =	vsel vm1, $0x1, v2  }
0x11b: {  	(xrf0) =	vadd.scan.msk.s32 $0xffff, v59;
	_ =	sdelay $0x5  }
0x11c: {  	v37, _, _ =	vpop (xrf0)  }
0x11d: {  	v60 =	vperm.xlane v37, v5;
	_ =	sdelay $0x1  }
0x11e: {  	v38 =	vadd.s32 v36, v60  }
0x11f: {  	v38 =	vxor.u32 $0x80000000, v38  }
0x120: {  	(xrf0) =	vmax.scan.msk.u32 $0xffff, v38;
	_ =	sdelay $0x5  }
0x121: {  	v38, _, _ =	vpop (xrf0)  }
0x122: {  	(v2sf) =	vpush v38, $0xF;
	_ =	sdelay $0xd  }
0x123: {  	v61 =	vadd.s32 v37, v36  }
0x124: {  	v36 =	vadd.s32 $0xFFFFFFFF, v61;
	s3 =	spop (v2sf)  }
0x125: {  	vm2 =	vlt.s32 v36, $0x400;
	s3 =	sxor.u32 $0x80000000, s3  }
0x126: {  	vm1 =	vmand vm1, vm2;
	p0 =	slt.s32 s3, $0x400  }
0x127: {  	v36 =	vsel vm1, v36, v4;
	s3 =	simm.s32 @!p0 $0x400  }
0x128: {  	v62 =	vshll.u32 v36, $0x3;
	s6 =	sadd.s32 $0xF, s3  }
0x129: {  	v36 =	vand.u32 $0xF, v36;
	v37 =	vand.u32 $0xFFFFFF80, v62;
	s22 =	sshrl.u32 s6, $0x4  }
0x12a: {  	v36 =	vor.u32 v36, v37;
	p0 =	seq.s32 s22, $0x0  }
.Ltmp8:
0x12b: {  	_ = 	snop;
	(pc) =	sbr.rel @p0 .LBB2_15-.Ltmp8, $3  }
0x12c: {  	_ =	sdelay $0x1  }
0x12d: {  	v63 =	vor.u32 s2, v1  }
0x12e: {  	[tilespmem:v36+s28+$0x0] =	vst.idx.msk $0xffff, v63  }
0x12f: {  	v36 =	vmov s3;
	s8 =	simm.s32 $0x0;
	s14 =	simm.s32 $0x0  }
.LBB2_12:
0x130: {  	s2 =	sshll.u32 s14, $0x9  }
0x131: {  	s2 =	sshra.s32 s2, $0x2  }
0x132: {  	v37 =	vld [tilespmem:s2+$0x6000];
	_ =	sdelay $0x4  }
0x133: {  	v38 =	vshll.u32 v37, $0x3  }
0x134: {  	v37 =	vand.u32 $0x7, v37;
	v38 =	vand.u32 $0xFFFFFFC0, v38  }
0x135: {  	v37 =	vor.u32 v37, v38  }
0x136: {  	v38 =	vperm.xlane v37, v6;
	_ =	sdelay $0x1  }
0x137: {  	v38 =	vadd.s32 v7, v38;
	_ =	sdelay $0x4  }
0x138: {  	[tilespmem:s30], [sflag:$0x1] =	stream.indirect_vreg.gather [hbm4b:s1+s8], $0x80, v38, vm0, $0xb8;
	[tilespmem:$0x1C600] =	vst v63  }
0x139: {  	v37 =	vperm.xlane v37, v8  }
0x13a: {  	[tilespmem:s31], [sflag:$0x1] =	stream.indirect_vreg.gather [hbm4b:s18+s8], $0x80, v38, vm0, $0xb8;
	[tilespmem:$0x1C600] =	vst v63  }
0x13b: {  	v37 =	vadd.s32 v7, v37  }
0x13c: {  	[tilespmem:s0], [sflag:$0x1] =	stream.indirect_vreg.gather [hbm4b:s19+s8], $0x80, v38, vm0, $0xb8;
	[tilespmem:$0x1C600] =	vst v63  }
0x13d: {  	_ = 	snop  }
0x13e: {  	[tilespmem:s5], [sflag:$0x1] =	stream.indirect_vreg.gather [hbm4b:s20+s8], $0x80, v38, vm0, $0xb8;
	[tilespmem:$0x1C600] =	vst v63  }
0x13f: {  	_ = 	snop  }
0x140: {  	[tilespmem:s9], [sflag:$0x1] =	stream.indirect_vreg.gather [hbm4b:s1+s8], $0x80, v37, vm0, $0xb8;
	[tilespmem:$0x1C600] =	vst v63  }
0x141: {  	_ = 	snop  }
0x142: {  	[tilespmem:s10], [sflag:$0x1] =	stream.indirect_vreg.gather [hbm4b:s18+s8], $0x80, v37, vm0, $0xb8;
	[tilespmem:$0x1C600] =	vst v63  }
0x143: {  	_ = 	snop  }
0x144: {  	[tilespmem:s11], [sflag:$0x1] =	stream.indirect_vreg.gather [hbm4b:s19+s8], $0x80, v37, vm0, $0xb8;
	[tilespmem:$0x1C600] =	vst v63  }
0x145: {  	_ = 	snop  }
0x146: {  	[tilespmem:s12], [sflag:$0x1] =	stream.indirect_vreg.gather [hbm4b:s20+s8], $0x80, v37, vm0, $0xb8;
	[tilespmem:$0x1C600] =	vst v63  }
0x147: {  	_ =	swait.ge [sflag:s13], $0x4000  }
0x148: {  	[sflag:s13] =	ssyncset.done $0x0  }
0x149: {  	[sflag:s13] =	ssyncadd.s32 $0xFFFFC000  }
0x14a: {  	v61 =	vld [tilespmem:s2+$0x6000];
	_ =	sdelay $0x7  }
0x14b: {  	v62 =	vld.idx.msk [tilespmem:v61+s4+$0x0], $0xffff  }
0x14c: {  	v39 =	vld.idx.msk [tilespmem:v61+s8+$0x0], $0xffff  }
0x14d: {  	v37 =	vld.idx.msk [tilespmem:v61+s26+$0x0], $0xffff;
	_ =	sdelay $0x1  }
0x14e: {  	s23 =	sshll.u32 s14, $0x4  }
0x14f: {  	v40 =	vor.u32 s23, v1  }
0x150: {  	vm1 =	vlt.s32 v40, v36;
	vm2 =	vge.f32 v62, v39  }
0x151: {  	v63 =	vsub.s32 v37, v0;
	vm1 =	vmand vm1, vm2;
	vm2 =	vgt.f32 v62, $0.0e+00  }
0x152: {  	vm1 =	vmand vm2, vm1;
	vm2 =	vlt.u32 v63, $0x40  }
0x153: {  	s3 =	simm.s32 $0x0;
	vm1 =	vmand vm1, vm2  }
0x154: {  	s6 =	simm.s32 $0x0;
	s17 =	simm.s32 $0x0;
	s2 =	simm.s32 $0x0;
	v37 =	vnsel vm1, $0x0, v62;
	v38 =	vnsel vm1, $0x0, v63  }
.LBB2_13:
0x155: {  	v39 =	vmov s17  }
0x156: {  	v41 =	vperm.xlane v38, v39  }
0x157: {  	s21 =	sand.u32 $0x2000, s3;
	s23 =	sand.u32 $0x380, s6  }
0x158: {  	s21 =	sor.u32 s23, s21;
	v40 =	vshll.u32 v41, $0xA;
	v41 =	vshll.u32 v41, $0x7  }
0x159: {  	v43 =	vld [tilespmem:s21+$0x8400];
	v42 =	vand.u32 $0xFFFFE000, v40;
	v41 =	vand.u32 $0x380, v41  }
0x15a: {  	v42 =	vor.u32 v41, v42  }
0x15b: {  	v44 =	vor.u32 v1, v42  }
0x15c: {  	v39 =	vperm.xlane v37, v39;
	_ =	sdelay $0x1  }
0x15d: {  	v43 =	vmul.f32 v43, v39;
	_ =	sdelay $0x1  }
0x15e: {  	[tilespmem:v44+s29+$0x0] =	vst.idx.add.f32.msk $0xffff, v43  }
0x15f: {  	v43 =	vld [tilespmem:s21+$0x8410];
	_ =	sdelay $0x1  }
0x160: {  	v49 =	vor.u32 v9, v42;
	_ =	sdelay $0x2  }
0x161: {  	v43 =	vmul.f32 v43, v39;
	_ =	sdelay $0x1  }
0x162: {  	[tilespmem:v49+s29+$0x0] =	vst.idx.add.f32.msk $0xffff, v43  }
0x163: {  	v43 =	vld [tilespmem:s21+$0x8420];
	_ =	sdelay $0x1  }
0x164: {  	v50 =	vor.u32 v10, v42;
	_ =	sdelay $0x2  }
0x165: {  	v43 =	vmul.f32 v43, v39;
	_ =	sdelay $0x1  }
0x166: {  	[tilespmem:v50+s29+$0x0] =	vst.idx.add.f32.msk $0xffff, v43  }
0x167: {  	v43 =	vld [tilespmem:s21+$0x8430];
	_ =	sdelay $0x1  }
0x168: {  	v51 =	vor.u32 v11, v42;
	_ =	sdelay $0x2  }
0x169: {  	v43 =	vmul.f32 v43, v39;
	_ =	sdelay $0x1  }
0x16a: {  	[tilespmem:v51+s29+$0x0] =	vst.idx.add.f32.msk $0xffff, v43  }
0x16b: {  	v43 =	vld [tilespmem:s21+$0x8440];
	_ =	sdelay $0x1  }
0x16c: {  	v52 =	vor.u32 v12, v42;
	_ =	sdelay $0x2  }
0x16d: {  	v43 =	vmul.f32 v43, v39;
	_ =	sdelay $0x1  }
0x16e: {  	[tilespmem:v52+s29+$0x0] =	vst.idx.add.f32.msk $0xffff, v43  }
0x16f: {  	v43 =	vld [tilespmem:s21+$0x8450];
	_ =	sdelay $0x1  }
0x170: {  	v53 =	vor.u32 v13, v42;
	_ =	sdelay $0x2  }
0x171: {  	v43 =	vmul.f32 v43, v39;
	_ =	sdelay $0x1  }
0x172: {  	[tilespmem:v53+s29+$0x0] =	vst.idx.add.f32.msk $0xffff, v43  }
0x173: {  	v43 =	vld [tilespmem:s21+$0x8460];
	_ =	sdelay $0x1  }
0x174: {  	v54 =	vor.u32 v14, v42;
	_ =	sdelay $0x2  }
0x175: {  	v43 =	vmul.f32 v43, v39;
	_ =	sdelay $0x1  }
0x176: {  	[tilespmem:v54+s29+$0x0] =	vst.idx.add.f32.msk $0xffff, v43  }
0x177: {  	v43 =	vld [tilespmem:s21+$0x8470];
	_ =	sdelay $0x1  }
0x178: {  	v55 =	vor.u32 v15, v42;
	_ =	sdelay $0x2  }
0x179: {  	v43 =	vmul.f32 v43, v39;
	_ =	sdelay $0x1  }
0x17a: {  	[tilespmem:v55+s29+$0x0] =	vst.idx.add.f32.msk $0xffff, v43  }
0x17b: {  	v43 =	vld [tilespmem:s21+$0x8800];
	_ =	sdelay $0x1  }
0x17c: {  	v56 =	vor.u32 v4, v42;
	_ =	sdelay $0x2  }
0x17d: {  	v43 =	vmul.f32 v43, v39;
	_ =	sdelay $0x1  }
0x17e: {  	[tilespmem:v56+s29+$0x0] =	vst.idx.add.f32.msk $0xffff, v43  }
0x17f: {  	v43 =	vld [tilespmem:s21+$0x8810];
	_ =	sdelay $0x1  }
0x180: {  	v57 =	vor.u32 v16, v42;
	_ =	sdelay $0x2  }
0x181: {  	v43 =	vmul.f32 v43, v39;
	_ =	sdelay $0x1  }
0x182: {  	[tilespmem:v57+s29+$0x0] =	vst.idx.add.f32.msk $0xffff, v43  }
0x183: {  	v43 =	vld [tilespmem:s21+$0x8820];
	_ =	sdelay $0x1  }
0x184: {  	v58 =	vor.u32 v17, v42;
	_ =	sdelay $0x2  }
0x185: {  	v43 =	vmul.f32 v43, v39;
	_ =	sdelay $0x1  }
0x186: {  	[tilespmem:v58+s29+$0x0] =	vst.idx.add.f32.msk $0xffff, v43  }
0x187: {  	v43 =	vld [tilespmem:s21+$0x8830];
	_ =	sdelay $0x1  }
0x188: {  	v59 =	vor.u32 v18, v42;
	_ =	sdelay $0x2  }
0x189: {  	v43 =	vmul.f32 v43, v39;
	_ =	sdelay $0x1  }
0x18a: {  	[tilespmem:v59+s29+$0x0] =	vst.idx.add.f32.msk $0xffff, v43  }
0x18b: {  	v43 =	vld [tilespmem:s21+$0x8840];
	_ =	sdelay $0x1  }
0x18c: {  	v60 =	vor.u32 v19, v42;
	_ =	sdelay $0x2  }
0x18d: {  	v43 =	vmul.f32 v43, v39;
	_ =	sdelay $0x1  }
0x18e: {  	[tilespmem:v60+s29+$0x0] =	vst.idx.add.f32.msk $0xffff, v43  }
0x18f: {  	v43 =	vld [tilespmem:s21+$0x8850];
	_ =	sdelay $0x1  }
0x190: {  	v61 =	vor.u32 v20, v42;
	_ =	sdelay $0x2  }
0x191: {  	v43 =	vmul.f32 v43, v39;
	_ =	sdelay $0x1  }
0x192: {  	[tilespmem:v61+s29+$0x0] =	vst.idx.add.f32.msk $0xffff, v43  }
0x193: {  	v43 =	vld [tilespmem:s21+$0x8860];
	_ =	sdelay $0x1  }
0x194: {  	v62 =	vor.u32 v21, v42;
	_ =	sdelay $0x2  }
0x195: {  	v43 =	vmul.f32 v43, v39;
	_ =	sdelay $0x1  }
0x196: {  	[tilespmem:v62+s29+$0x0] =	vst.idx.add.f32.msk $0xffff, v43  }
0x197: {  	v43 =	vld [tilespmem:s21+$0x8870];
	_ =	sdelay $0x1  }
0x198: {  	v63 =	vor.u32 v22, v42;
	_ =	sdelay $0x2  }
0x199: {  	v43 =	vmul.f32 v43, v39;
	_ =	sdelay $0x1  }
0x19a: {  	[tilespmem:v63+s29+$0x0] =	vst.idx.add.f32.msk $0xffff, v43  }
0x19b: {  	v43 =	vld [tilespmem:s21+$0x8C00];
	_ =	sdelay $0x1  }
0x19c: {  	v48 =	vor.u32 v23, v42;
	_ =	sdelay $0x2  }
0x19d: {  	v43 =	vmul.f32 v43, v39;
	_ =	sdelay $0x1  }
0x19e: {  	[tilespmem:v48+s29+$0x0] =	vst.idx.add.f32.msk $0xffff, v43  }
0x19f: {  	v43 =	vld [tilespmem:s21+$0x8C10];
	_ =	sdelay $0x1  }
0x1a0: {  	v49 =	vor.u32 v24, v42;
	_ =	sdelay $0x2  }
0x1a1: {  	v43 =	vmul.f32 v43, v39;
	_ =	sdelay $0x1  }
0x1a2: {  	[tilespmem:v49+s29+$0x0] =	vst.idx.add.f32.msk $0xffff, v43  }
0x1a3: {  	v43 =	vld [tilespmem:s21+$0x8C20];
	_ =	sdelay $0x1  }
0x1a4: {  	v50 =	vor.u32 v25, v42;
	_ =	sdelay $0x2  }
0x1a5: {  	v43 =	vmul.f32 v43, v39;
	_ =	sdelay $0x1  }
0x1a6: {  	[tilespmem:v50+s29+$0x0] =	vst.idx.add.f32.msk $0xffff, v43  }
0x1a7: {  	v43 =	vld [tilespmem:s21+$0x8C30];
	_ =	sdelay $0x1  }
0x1a8: {  	v51 =	vor.u32 v26, v42;
	_ =	sdelay $0x2  }
0x1a9: {  	v43 =	vmul.f32 v43, v39;
	_ =	sdelay $0x1  }
0x1aa: {  	[tilespmem:v51+s29+$0x0] =	vst.idx.add.f32.msk $0xffff, v43  }
0x1ab: {  	v43 =	vld [tilespmem:s21+$0x8C40];
	_ =	sdelay $0x1  }
0x1ac: {  	v52 =	vor.u32 v27, v42;
	_ =	sdelay $0x2  }
0x1ad: {  	v43 =	vmul.f32 v43, v39;
	_ =	sdelay $0x1  }
0x1ae: {  	[tilespmem:v52+s29+$0x0] =	vst.idx.add.f32.msk $0xffff, v43  }
0x1af: {  	v43 =	vld [tilespmem:s21+$0x8C50];
	_ =	sdelay $0x1  }
0x1b0: {  	v53 =	vor.u32 v28, v42;
	_ =	sdelay $0x2  }
0x1b1: {  	v43 =	vmul.f32 v43, v39;
	_ =	sdelay $0x1  }
0x1b2: {  	[tilespmem:v53+s29+$0x0] =	vst.idx.add.f32.msk $0xffff, v43  }
0x1b3: {  	v43 =	vld [tilespmem:s21+$0x8C60];
	_ =	sdelay $0x1  }
0x1b4: {  	v54 =	vor.u32 v29, v42;
	_ =	sdelay $0x2  }
0x1b5: {  	v43 =	vmul.f32 v43, v39;
	_ =	sdelay $0x1  }
0x1b6: {  	[tilespmem:v54+s29+$0x0] =	vst.idx.add.f32.msk $0xffff, v43  }
0x1b7: {  	v43 =	vld [tilespmem:s21+$0x8C70];
	_ =	sdelay $0x1  }
0x1b8: {  	v55 =	vor.u32 v30, v42;
	_ =	sdelay $0x2  }
0x1b9: {  	v43 =	vmul.f32 v43, v39;
	_ =	sdelay $0x1  }
0x1ba: {  	[tilespmem:v55+s29+$0x0] =	vst.idx.add.f32.msk $0xffff, v43  }
0x1bb: {  	v43 =	vld [tilespmem:s21+$0x9000];
	_ =	sdelay $0x1  }
0x1bc: {  	v56 =	vor.u32 v31, v42;
	_ =	sdelay $0x2  }
0x1bd: {  	v43 =	vmul.f32 v43, v39;
	_ =	sdelay $0x1  }
0x1be: {  	[tilespmem:v56+s29+$0x0] =	vst.idx.add.f32.msk $0xffff, v43  }
0x1bf: {  	v43 =	vld [tilespmem:s21+$0x9010];
	_ =	sdelay $0x1  }
0x1c0: {  	v57 =	vor.u32 v32, v42;
	_ =	sdelay $0x2  }
0x1c1: {  	v43 =	vmul.f32 v43, v39;
	_ =	sdelay $0x1  }
0x1c2: {  	[tilespmem:v57+s29+$0x0] =	vst.idx.add.f32.msk $0xffff, v43  }
0x1c3: {  	v43 =	vld [tilespmem:s21+$0x9020];
	_ =	sdelay $0x1  }
0x1c4: {  	v58 =	vor.u32 v33, v42;
	_ =	sdelay $0x2  }
0x1c5: {  	v43 =	vmul.f32 v43, v39;
	_ =	sdelay $0x1  }
0x1c6: {  	[tilespmem:v58+s29+$0x0] =	vst.idx.add.f32.msk $0xffff, v43  }
0x1c7: {  	v43 =	vld [tilespmem:s21+$0x9030];
	_ =	sdelay $0x1  }
0x1c8: {  	v59 =	vor.u32 v34, v42;
	_ =	sdelay $0x2  }
0x1c9: {  	v43 =	vmul.f32 v43, v39;
	_ =	sdelay $0x1  }
0x1ca: {  	[tilespmem:v59+s29+$0x0] =	vst.idx.add.f32.msk $0xffff, v43  }
0x1cb: {  	v43 =	vld [tilespmem:s21+$0x9040];
	_ =	sdelay $0x1  }
0x1cc: {  	v60 =	vor.u32 v35, v42;
	_ =	sdelay $0x2  }
0x1cd: {  	v43 =	vmul.f32 v43, v39;
	_ =	sdelay $0x1  }
0x1ce: {  	[tilespmem:v60+s29+$0x0] =	vst.idx.add.f32.msk $0xffff, v43  }
0x1cf: {  	v43 =	vld [tilespmem:s21+$0x9050]  }
0x1d0: {  	v61 =	vor.u32 $0xC50, v1  }
0x1d1: {  	v44 =	vor.u32 v61, v42;
	_ =	sdelay $0x2  }
0x1d2: {  	v43 =	vmul.f32 v43, v39;
	_ =	sdelay $0x1  }
0x1d3: {  	[tilespmem:v44+s29+$0x0] =	vst.idx.add.f32.msk $0xffff, v43  }
0x1d4: {  	v43 =	vld [tilespmem:s21+$0x9060]  }
0x1d5: {  	v62 =	vor.u32 $0xC60, v1  }
0x1d6: {  	v44 =	vor.u32 v62, v42;
	_ =	sdelay $0x2  }
0x1d7: {  	v43 =	vmul.f32 v43, v39;
	_ =	sdelay $0x1  }
0x1d8: {  	[tilespmem:v44+s29+$0x0] =	vst.idx.add.f32.msk $0xffff, v43  }
0x1d9: {  	v43 =	vld [tilespmem:s21+$0x9070]  }
0x1da: {  	v63 =	vor.u32 $0xC70, v1  }
0x1db: {  	v44 =	vor.u32 v63, v42;
	_ =	sdelay $0x2  }
0x1dc: {  	v43 =	vmul.f32 v43, v39;
	_ =	sdelay $0x1  }
0x1dd: {  	[tilespmem:v44+s29+$0x0] =	vst.idx.add.f32.msk $0xffff, v43  }
0x1de: {  	v43 =	vld [tilespmem:s21+$0x9400]  }
0x1df: {  	v48 =	vor.u32 $0x1000, v1  }
0x1e0: {  	v44 =	vor.u32 v48, v42;
	_ =	sdelay $0x2  }
0x1e1: {  	v43 =	vmul.f32 v43, v39;
	_ =	sdelay $0x1  }
0x1e2: {  	[tilespmem:v44+s29+$0x0] =	vst.idx.add.f32.msk $0xffff, v43  }
0x1e3: {  	v43 =	vld [tilespmem:s21+$0x9410]  }
0x1e4: {  	v49 =	vor.u32 $0x1010, v1  }
0x1e5: {  	v44 =	vor.u32 v49, v42;
	_ =	sdelay $0x2  }
0x1e6: {  	v43 =	vmul.f32 v43, v39;
	_ =	sdelay $0x1  }
0x1e7: {  	[tilespmem:v44+s29+$0x0] =	vst.idx.add.f32.msk $0xffff, v43  }
0x1e8: {  	v43 =	vld [tilespmem:s21+$0x9420]  }
0x1e9: {  	v50 =	vor.u32 $0x1020, v1  }
0x1ea: {  	v44 =	vor.u32 v50, v42;
	_ =	sdelay $0x2  }
0x1eb: {  	v43 =	vmul.f32 v43, v39;
	_ =	sdelay $0x1  }
0x1ec: {  	[tilespmem:v44+s29+$0x0] =	vst.idx.add.f32.msk $0xffff, v43  }
0x1ed: {  	v43 =	vld [tilespmem:s21+$0x9430]  }
0x1ee: {  	v51 =	vor.u32 $0x1030, v1  }
0x1ef: {  	v44 =	vor.u32 v51, v42;
	_ =	sdelay $0x2  }
0x1f0: {  	v43 =	vmul.f32 v43, v39;
	_ =	sdelay $0x1  }
0x1f1: {  	[tilespmem:v44+s29+$0x0] =	vst.idx.add.f32.msk $0xffff, v43  }
0x1f2: {  	v43 =	vld [tilespmem:s21+$0x9440]  }
0x1f3: {  	v52 =	vor.u32 $0x1040, v1  }
0x1f4: {  	v44 =	vor.u32 v52, v42;
	_ =	sdelay $0x2  }
0x1f5: {  	v43 =	vmul.f32 v43, v39;
	_ =	sdelay $0x1  }
0x1f6: {  	[tilespmem:v44+s29+$0x0] =	vst.idx.add.f32.msk $0xffff, v43  }
0x1f7: {  	v43 =	vld [tilespmem:s21+$0x9450]  }
0x1f8: {  	v53 =	vor.u32 $0x1050, v1  }
0x1f9: {  	v44 =	vor.u32 v53, v42;
	_ =	sdelay $0x2  }
0x1fa: {  	v43 =	vmul.f32 v43, v39;
	_ =	sdelay $0x1  }
0x1fb: {  	[tilespmem:v44+s29+$0x0] =	vst.idx.add.f32.msk $0xffff, v43  }
0x1fc: {  	v43 =	vld [tilespmem:s21+$0x9460]  }
0x1fd: {  	v54 =	vor.u32 $0x1060, v1  }
0x1fe: {  	v44 =	vor.u32 v54, v42;
	_ =	sdelay $0x2  }
0x1ff: {  	v43 =	vmul.f32 v43, v39;
	_ =	sdelay $0x1  }
0x200: {  	[tilespmem:v44+s29+$0x0] =	vst.idx.add.f32.msk $0xffff, v43  }
0x201: {  	v43 =	vld [tilespmem:s21+$0x9470]  }
0x202: {  	v55 =	vor.u32 $0x1070, v1  }
0x203: {  	v44 =	vor.u32 v55, v42;
	_ =	sdelay $0x2  }
0x204: {  	v43 =	vmul.f32 v43, v39;
	_ =	sdelay $0x1  }
0x205: {  	[tilespmem:v44+s29+$0x0] =	vst.idx.add.f32.msk $0xffff, v43  }
0x206: {  	v43 =	vld [tilespmem:s21+$0x9800]  }
0x207: {  	v56 =	vor.u32 $0x1400, v1  }
0x208: {  	v44 =	vor.u32 v56, v42;
	_ =	sdelay $0x2  }
0x209: {  	v43 =	vmul.f32 v43, v39;
	_ =	sdelay $0x1  }
0x20a: {  	[tilespmem:v44+s29+$0x0] =	vst.idx.add.f32.msk $0xffff, v43  }
0x20b: {  	v43 =	vld [tilespmem:s21+$0x9810]  }
0x20c: {  	v57 =	vor.u32 $0x1410, v1  }
0x20d: {  	v44 =	vor.u32 v57, v42;
	_ =	sdelay $0x2  }
0x20e: {  	v43 =	vmul.f32 v43, v39;
	_ =	sdelay $0x1  }
0x20f: {  	[tilespmem:v44+s29+$0x0] =	vst.idx.add.f32.msk $0xffff, v43  }
0x210: {  	v43 =	vld [tilespmem:s21+$0x9820]  }
0x211: {  	v58 =	vor.u32 $0x1420, v1  }
0x212: {  	v44 =	vor.u32 v58, v42;
	_ =	sdelay $0x2  }
0x213: {  	v43 =	vmul.f32 v43, v39;
	_ =	sdelay $0x1  }
0x214: {  	[tilespmem:v44+s29+$0x0] =	vst.idx.add.f32.msk $0xffff, v43  }
0x215: {  	v43 =	vld [tilespmem:s21+$0x9830]  }
0x216: {  	v59 =	vor.u32 $0x1430, v1  }
0x217: {  	v44 =	vor.u32 v59, v42;
	_ =	sdelay $0x2  }
0x218: {  	v43 =	vmul.f32 v43, v39;
	_ =	sdelay $0x1  }
0x219: {  	[tilespmem:v44+s29+$0x0] =	vst.idx.add.f32.msk $0xffff, v43  }
0x21a: {  	v43 =	vld [tilespmem:s21+$0x9840]  }
0x21b: {  	v60 =	vor.u32 $0x1440, v1  }
0x21c: {  	v44 =	vor.u32 v60, v42;
	_ =	sdelay $0x2  }
0x21d: {  	v43 =	vmul.f32 v43, v39;
	_ =	sdelay $0x1  }
0x21e: {  	[tilespmem:v44+s29+$0x0] =	vst.idx.add.f32.msk $0xffff, v43  }
0x21f: {  	v43 =	vld [tilespmem:s21+$0x9850]  }
0x220: {  	v61 =	vor.u32 $0x1450, v1  }
0x221: {  	v44 =	vor.u32 v61, v42;
	_ =	sdelay $0x2  }
0x222: {  	v43 =	vmul.f32 v43, v39;
	_ =	sdelay $0x1  }
0x223: {  	[tilespmem:v44+s29+$0x0] =	vst.idx.add.f32.msk $0xffff, v43  }
0x224: {  	v43 =	vld [tilespmem:s21+$0x9860]  }
0x225: {  	v62 =	vor.u32 $0x1460, v1  }
0x226: {  	v44 =	vor.u32 v62, v42;
	_ =	sdelay $0x2  }
0x227: {  	v43 =	vmul.f32 v43, v39;
	_ =	sdelay $0x1  }
0x228: {  	[tilespmem:v44+s29+$0x0] =	vst.idx.add.f32.msk $0xffff, v43  }
0x229: {  	v43 =	vld [tilespmem:s21+$0x9870]  }
0x22a: {  	v63 =	vor.u32 $0x1470, v1  }
0x22b: {  	v44 =	vor.u32 v63, v42;
	_ =	sdelay $0x2  }
0x22c: {  	v43 =	vmul.f32 v43, v39;
	_ =	sdelay $0x1  }
0x22d: {  	[tilespmem:v44+s29+$0x0] =	vst.idx.add.f32.msk $0xffff, v43  }
0x22e: {  	v43 =	vld [tilespmem:s21+$0x9C00]  }
0x22f: {  	v48 =	vor.u32 $0x1800, v1  }
0x230: {  	v44 =	vor.u32 v48, v42;
	_ =	sdelay $0x2  }
0x231: {  	v43 =	vmul.f32 v43, v39;
	_ =	sdelay $0x1  }
0x232: {  	[tilespmem:v44+s29+$0x0] =	vst.idx.add.f32.msk $0xffff, v43  }
0x233: {  	v43 =	vld [tilespmem:s21+$0x9C10]  }
0x234: {  	v49 =	vor.u32 $0x1810, v1  }
0x235: {  	v44 =	vor.u32 v49, v42;
	_ =	sdelay $0x2  }
0x236: {  	v43 =	vmul.f32 v43, v39;
	_ =	sdelay $0x1  }
0x237: {  	[tilespmem:v44+s29+$0x0] =	vst.idx.add.f32.msk $0xffff, v43  }
0x238: {  	v43 =	vld [tilespmem:s21+$0x9C20]  }
0x239: {  	v50 =	vor.u32 $0x1820, v1  }
0x23a: {  	v44 =	vor.u32 v50, v42;
	_ =	sdelay $0x2  }
0x23b: {  	v43 =	vmul.f32 v43, v39;
	_ =	sdelay $0x1  }
0x23c: {  	[tilespmem:v44+s29+$0x0] =	vst.idx.add.f32.msk $0xffff, v43  }
0x23d: {  	v43 =	vld [tilespmem:s21+$0x9C30]  }
0x23e: {  	v51 =	vor.u32 $0x1830, v1  }
0x23f: {  	v44 =	vor.u32 v51, v42;
	_ =	sdelay $0x2  }
0x240: {  	v43 =	vmul.f32 v43, v39;
	_ =	sdelay $0x1  }
0x241: {  	[tilespmem:v44+s29+$0x0] =	vst.idx.add.f32.msk $0xffff, v43  }
0x242: {  	v43 =	vld [tilespmem:s21+$0x9C40]  }
0x243: {  	v52 =	vor.u32 $0x1840, v1  }
0x244: {  	v44 =	vor.u32 v52, v42;
	_ =	sdelay $0x2  }
0x245: {  	v43 =	vmul.f32 v43, v39;
	_ =	sdelay $0x1  }
0x246: {  	[tilespmem:v44+s29+$0x0] =	vst.idx.add.f32.msk $0xffff, v43  }
0x247: {  	v43 =	vld [tilespmem:s21+$0x9C50]  }
0x248: {  	v53 =	vor.u32 $0x1850, v1  }
0x249: {  	v44 =	vor.u32 v53, v42;
	_ =	sdelay $0x2  }
0x24a: {  	v43 =	vmul.f32 v43, v39;
	_ =	sdelay $0x1  }
0x24b: {  	[tilespmem:v44+s29+$0x0] =	vst.idx.add.f32.msk $0xffff, v43  }
0x24c: {  	v43 =	vld [tilespmem:s21+$0x9C60]  }
0x24d: {  	v54 =	vor.u32 $0x1860, v1  }
0x24e: {  	v44 =	vor.u32 v54, v42;
	_ =	sdelay $0x2  }
0x24f: {  	v43 =	vmul.f32 v43, v39;
	_ =	sdelay $0x1  }
0x250: {  	[tilespmem:v44+s29+$0x0] =	vst.idx.add.f32.msk $0xffff, v43  }
0x251: {  	v43 =	vld [tilespmem:s21+$0x9C70]  }
0x252: {  	v55 =	vor.u32 $0x1870, v1  }
0x253: {  	v42 =	vor.u32 v55, v42;
	_ =	sdelay $0x1  }
0x254: {  	s23 =	sand.u32 $0x7, s2  }
0x255: {  	s21 =	sshll.u32 s23, $0x7;
	v43 =	vmul.f32 v43, v39  }
0x256: {  	s21 =	sadd.s32 s21, s3  }
0x257: {  	s23 =	sor.u32 $0x1C00, s21;
	[tilespmem:v42+s29+$0x0] =	vst.idx.add.f32.msk $0xffff, v43  }
0x258: {  	v42 =	vld [tilespmem:s23+$0x8400]  }
0x259: {  	v40 =	vor.u32 v41, v40;
	v56 =	vor.u32 $0x1C00, v1  }
0x25a: {  	v41 =	vor.u32 v56, v40;
	_ =	sdelay $0x2  }
0x25b: {  	v42 =	vmul.f32 v42, v39;
	_ =	sdelay $0x1  }
0x25c: {  	s23 =	sor.u32 $0x1C10, s21;
	[tilespmem:v41+s29+$0x0] =	vst.idx.add.f32.msk $0xffff, v42  }
0x25d: {  	v41 =	vld [tilespmem:s23+$0x8400]  }
0x25e: {  	v57 =	vor.u32 $0x1C10, v1  }
0x25f: {  	v42 =	vor.u32 v57, v40;
	_ =	sdelay $0x2  }
0x260: {  	v41 =	vmul.f32 v41, v39;
	_ =	sdelay $0x1  }
0x261: {  	s23 =	sor.u32 $0x1C20, s21;
	[tilespmem:v42+s29+$0x0] =	vst.idx.add.f32.msk $0xffff, v41  }
0x262: {  	v41 =	vld [tilespmem:s23+$0x8400]  }
0x263: {  	v58 =	vor.u32 $0x1C20, v1  }
0x264: {  	v42 =	vor.u32 v58, v40;
	_ =	sdelay $0x2  }
0x265: {  	v41 =	vmul.f32 v41, v39;
	_ =	sdelay $0x1  }
0x266: {  	s23 =	sor.u32 $0x1C30, s21;
	[tilespmem:v42+s29+$0x0] =	vst.idx.add.f32.msk $0xffff, v41  }
0x267: {  	v41 =	vld [tilespmem:s23+$0x8400]  }
0x268: {  	v59 =	vor.u32 $0x1C30, v1  }
0x269: {  	v42 =	vor.u32 v59, v40;
	_ =	sdelay $0x2  }
0x26a: {  	v41 =	vmul.f32 v41, v39;
	_ =	sdelay $0x1  }
0x26b: {  	s23 =	sor.u32 $0x1C40, s21;
	[tilespmem:v42+s29+$0x0] =	vst.idx.add.f32.msk $0xffff, v41  }
0x26c: {  	v41 =	vld [tilespmem:s23+$0x8400]  }
0x26d: {  	v60 =	vor.u32 $0x1C40, v1  }
0x26e: {  	v42 =	vor.u32 v60, v40;
	_ =	sdelay $0x2  }
0x26f: {  	v41 =	vmul.f32 v41, v39;
	_ =	sdelay $0x1  }
0x270: {  	s23 =	sor.u32 $0x1C50, s21;
	[tilespmem:v42+s29+$0x0] =	vst.idx.add.f32.msk $0xffff, v41  }
0x271: {  	v41 =	vld [tilespmem:s23+$0x8400]  }
0x272: {  	v61 =	vor.u32 $0x1C50, v1  }
0x273: {  	v42 =	vor.u32 v61, v40;
	_ =	sdelay $0x2  }
0x274: {  	v41 =	vmul.f32 v41, v39;
	_ =	sdelay $0x1  }
0x275: {  	s23 =	sor.u32 $0x1C60, s21;
	[tilespmem:v42+s29+$0x0] =	vst.idx.add.f32.msk $0xffff, v41  }
0x276: {  	v41 =	vld [tilespmem:s23+$0x8400]  }
0x277: {  	v62 =	vor.u32 $0x1C60, v1  }
0x278: {  	v42 =	vor.u32 v62, v40;
	_ =	sdelay $0x2  }
0x279: {  	v41 =	vmul.f32 v41, v39;
	_ =	sdelay $0x1  }
0x27a: {  	s21 =	sor.u32 $0x1C70, s21;
	[tilespmem:v42+s29+$0x0] =	vst.idx.add.f32.msk $0xffff, v41  }
0x27b: {  	v41 =	vld [tilespmem:s21+$0x8400]  }
0x27c: {  	v63 =	vor.u32 $0x1C70, v1  }
0x27d: {  	p0 =	sne.s32 s17, $0xF;
	v40 =	vor.u32 v63, v40  }
.Ltmp9:
0x27e: {  	_ = 	snop;
	(pc) =	sbr.rel @p0 .LBB2_13-.Ltmp9, $4  }
0x27f: {  	_ = 	snop  }
0x280: {  	v39 =	vmul.f32 v41, v39  }
0x281: {  	s6 =	sadd.s32 $0x80, s6  }
0x282: {  	s17 =	sadd.s32 $0x1, s17;
	s2 =	sadd.s32 $0x1, s2;
	s3 =	sadd.s32 $0x400, s3;
	[tilespmem:v40+s29+$0x0] =	vst.idx.add.f32.msk $0xffff, v39  }
0x283: {  	s14 =	sadd.s32 $0x1, s14  }
0x284: {  	p0 =	sne.s32 s14, s22  }
.Ltmp10:
0x285: {  	_ = 	snop;
	(pc) =	sbr.rel @p0 .LBB2_12-.Ltmp10, $4  }
.Ltmp11:
0x286: {  	_ = 	snop;
	(pc) =	sbr.rel @!p0 .LBB2_15-.Ltmp11, $4  }
0x287: {  	_ = 	snop  }
0x288: {  	_ = 	snop  }
0x289: {  	_ = 	snop  }
0x28a: {  	_ = 	snop  }
.LBB2_17:
0x28b: {  	_ =	sfence.sel $0x180000  }
0x28c: {  	[bflag:$0x0] =	sbarrier.arrive $0xFFFF  }
0x28d: {  	_ =	strace $0x90000047  }
0x28e: {  	s0 =	stileid.u32;
	[bflag:$0x2] =	sbarrier.arrive $0xFFFF  }
0x28f: {  	p0 =	sne.s32 s0, $0x0;
	s0 =	rddreg [dreg:$0x5]  }
0x290: {  	s0 =	sadd.s32 @!p0 $0x100000, s0  }
0x291: {  	[sflag:s0] =	ssyncadd.tile.s32 @!p0 $0x1;
	_ =	shalt  }
.Lfunc_end2:
_tile_overlayer_lowered:
.L_overlay_start_2:
0x292: {  	(tag) =	ssettag $0x2  }
0x293: {  	s0 =	rddreg [dreg:$0x0];
	s2 =	stileid.u32  }
0x294: {  	s1 =	rddreg [dreg:$0x1];
	p0 =	sne.s32 s2, $0x0  }
0x295: {  	s3 =	rddreg [dreg:$0x2];
	[bflag:$0x3] =	sbarrier.arrive $0xFFFF;
	s2 =	simm.s32 @!p0 $0x1C02  }
0x296: {  	[timem:s3], [sflag:s2] =	dma.local @!p0 [hbm:s0], s1  }
0x297: {  	s0 =	simm.s32 @!p0 $0x2  }
0x298: {  	_ =	swait.ge @!p0 [sflag:s0], s1  }
0x299: {  	s1 =	ssub.s32 @!p0 $0x0, s1;
	[sflag:s0] =	ssyncset.done @!p0 $0x0  }
0x29a: {  	[sflag:s0] =	ssyncadd.s32 @!p0 s1  }
0x29b: {  	[bflag:$0x3] =	sbarrier.arrive $0xFFFF  }
0x29c: {  	_ =	shalt  }

</sc_bundles>
